<compile_context>
chip_gen: v7x
topology: tpu7x:2x2x1
jax: 0.10.2.dev20260603
libtpu: 0.0.44.dev20260713+nightly
codegen_flags: <defaults>
</compile_context>

<pallas_src>
import functools

import jax
import jax.numpy as jnp
from jax import lax
from jax.experimental import pallas as pl
from jax.experimental.pallas import tpu as pltpu
from jax.experimental.pallas import tpu_sc as plsc

N = 100000
D1 = 128
D2 = 64
C = 8
B = 100
NSEG = B * C

NC = 2
NS = 16
L = 16
NW = NC * NS

CHUNK = 256
NFULL = N // CHUNK
TAIL = N - NFULL * CHUNK
PER = NFULL // NW
EXTRA = NFULL - PER * NW
MAXC = PER + 1
HALF = 128

def _make_mesh():
    return plsc.VectorSubcoreMesh(
        core_axis_name="c", subcore_axis_name="s", num_cores=NC, num_subcores=NS
    )


def _wid_info(wid):
    start = wid * PER + jnp.minimum(wid, EXTRA)
    count = PER + jnp.where(wid < EXTRA, 1, 0)
    return start, count


def _stage_a_kernel():
    return pl.kernel(
        _stage_a,
        out_type=(
            jax.ShapeDtypeStruct((NC, NSEG, D1), jnp.float32),
            jax.ShapeDtypeStruct((NW, NSEG), jnp.float32),
        ),
        mesh=_make_mesh(),
        scratch_types=[
            pltpu.VMEM((3, CHUNK, D1), jnp.float32),
            pltpu.VMEM((MAXC * CHUNK,), jnp.int32),
            pltpu.VMEM((MAXC * CHUNK,), jnp.int32),
            pltpu.VMEM((3 * CHUNK,), jnp.int32),
            pltpu.VMEM((NSEG,), jnp.float32),
            pltpu.VMEM((TAIL,), jnp.int32),
            pltpu.VMEM((TAIL,), jnp.int32),
            pltpu.VMEM_SHARED((NSEG, D1), jnp.float32),
            pltpu.SemaphoreType.DMA,
            pltpu.SemaphoreType.DMA,
        ],
        compiler_params=pltpu.CompilerParams(needs_layout_passes=False),
    )


def _stage_a(x_hbm, b_hbm, c_hbm, zsum_hbm, zcnt_hbm,
             psum_hbm, pcnt_hbm,
             xbuf2, ball, call, kbuf2, cnt_local,
             bbuf_t, cbuf_t,
             acc_sum, sem_in, sem_sc):
    cid = lax.axis_index("c")
    sid = lax.axis_index("s")
    wid = cid * NS + sid
    start, count = _wid_info(wid)

    pltpu.async_copy(x_hbm.at[pl.ds(start * CHUNK, CHUNK), :], xbuf2.at[0],
                     sem_in)
    pltpu.async_copy(x_hbm.at[pl.ds((start + 1) * CHUNK, CHUNK), :],
                     xbuf2.at[1], sem_in)

    @pl.when(sid == 0)
    def _():
        pltpu.sync_copy(zsum_hbm, acc_sum)

    pltpu.sync_copy(zcnt_hbm, cnt_local)

    @pl.when(count == PER + 1)
    def _():
        pltpu.sync_copy(b_hbm.at[pl.ds(start * CHUNK, MAXC * CHUNK)],
                        ball.at[pl.ds(0, MAXC * CHUNK)])
        pltpu.sync_copy(c_hbm.at[pl.ds(start * CHUNK, MAXC * CHUNK)],
                        call.at[pl.ds(0, MAXC * CHUNK)])

    @pl.when(count == PER)
    def _():
        pltpu.sync_copy(b_hbm.at[pl.ds(start * CHUNK, PER * CHUNK)],
                        ball.at[pl.ds(0, PER * CHUNK)])
        pltpu.sync_copy(c_hbm.at[pl.ds(start * CHUNK, PER * CHUNK)],
                        call.at[pl.ds(0, PER * CHUNK)])

    plsc.subcore_barrier()

    ones16 = jnp.ones((L,), jnp.float32)

    def chunk_body(j, carry):
        par = lax.rem(j, 3)
        parn = lax.rem(j + 2, 3)
        pltpu.make_async_copy(x_hbm.at[pl.ds(0, CHUNK), :], xbuf2.at[par],
                              sem_in).wait()

        @pl.when(j > 0)
        def _():
            pltpu.make_async_copy(
                xbuf2.at[parn, pl.ds(0, HALF)],
                acc_sum.at[kbuf2.at[pl.ds(parn * CHUNK, HALF)]], sem_sc
            ).wait()
            pltpu.make_async_copy(
                xbuf2.at[parn, pl.ds(HALF, HALF)],
                acc_sum.at[kbuf2.at[pl.ds(parn * CHUNK + HALF, HALF)]], sem_sc
            ).wait()

        @pl.when(j + 2 < count)
        def _():
            nbase = (start + j + 2) * CHUNK
            pltpu.async_copy(x_hbm.at[pl.ds(nbase, CHUNK), :],
                             xbuf2.at[parn], sem_in)

        for i in range(CHUNK // L):
            off = j * CHUNK + i * L
            key = ball[pl.ds(off, L)] * C + call[pl.ds(off, L)]
            kbuf2[pl.ds(par * CHUNK + i * L, L)] = key
            plsc.addupdate_scatter(cnt_local, [key], ones16)
        pltpu.async_copy(xbuf2.at[par, pl.ds(0, HALF)],
                         acc_sum.at[kbuf2.at[pl.ds(par * CHUNK, HALF)]],
                         sem_sc, add=True)
        pltpu.async_copy(xbuf2.at[par, pl.ds(HALF, HALF)],
                         acc_sum.at[kbuf2.at[pl.ds(par * CHUNK + HALF, HALF)]],
                         sem_sc, add=True)
        return carry

    lax.fori_loop(0, count, chunk_body, 0, unroll=False)

    lastp = lax.rem(count - 1, 3)
    pltpu.make_async_copy(
        xbuf2.at[lastp, pl.ds(0, HALF)],
        acc_sum.at[kbuf2.at[pl.ds(lastp * CHUNK, HALF)]], sem_sc
    ).wait()
    pltpu.make_async_copy(
        xbuf2.at[lastp, pl.ds(HALF, HALF)],
        acc_sum.at[kbuf2.at[pl.ds(lastp * CHUNK + HALF, HALF)]], sem_sc
    ).wait()

    @pl.when(wid == NW - 1)
    def _():
        tbase = NFULL * CHUNK
        pltpu.sync_copy(b_hbm.at[pl.ds(tbase, TAIL)], bbuf_t)
        pltpu.sync_copy(c_hbm.at[pl.ds(tbase, TAIL)], cbuf_t)
        pltpu.sync_copy(x_hbm.at[pl.ds(tbase, TAIL), :],
                        xbuf2.at[0, pl.ds(0, TAIL)])
        for i in range(TAIL // L):
            key = bbuf_t[pl.ds(i * L, L)] * C + cbuf_t[pl.ds(i * L, L)]
            kbuf2[pl.ds(i * L, L)] = key
            plsc.addupdate_scatter(cnt_local, [key], ones16)
        pltpu.sync_copy(xbuf2.at[0, pl.ds(0, HALF)],
                        acc_sum.at[kbuf2.at[pl.ds(0, HALF)]], add=True)
        pltpu.sync_copy(xbuf2.at[0, pl.ds(HALF, TAIL - HALF)],
                        acc_sum.at[kbuf2.at[pl.ds(HALF, TAIL - HALF)]],
                        add=True)

    pltpu.sync_copy(cnt_local, pcnt_hbm.at[wid])

    plsc.subcore_barrier()

    @pl.when(sid == 0)
    def _():
        pltpu.sync_copy(acc_sum, psum_hbm.at[cid])


def _mid_body(cs0_ref, cs1_ref, pc_ref, rm_ref, w1b_ref, b1b_ref,
              w2b_ref, b2_ref, out_ref):
    hi = jax.lax.Precision.HIGHEST
    counts2 = jnp.sum(pc_ref[...], axis=0)
    denom = jnp.sum(counts2 * counts2, axis=1, keepdims=True)
    denom = jnp.where(denom > 0.0, denom, 1.0)
    ratio2 = counts2 / denom
    rexp = jnp.dot(ratio2, rm_ref[...], precision=hi)
    r2 = (cs0_ref[...] + cs1_ref[...]) * rexp
    h2 = jnp.dot(r2, w1b_ref[...], precision=hi) + b1b_ref[...]
    h2 = jnp.where(h2 >= 0.0, h2, 0.45 * h2)
    s2 = jnp.dot(h2, w2b_ref[...], precision=hi) + b2_ref[...]
    masked = jnp.where(counts2 > 0.0, s2, -1e30)
    smax = jnp.max(masked, axis=1, keepdims=True)
    smax = jnp.where(smax > -1e29, smax, 0.0)
    e2 = jnp.exp(s2 - smax)
    ssum = jnp.sum(counts2 * e2, axis=1, keepdims=True)
    out_ref[...] = e2 / (ssum + 1e-16)


_stage_b = pl.pallas_call(
    _mid_body,
    out_shape=jax.ShapeDtypeStruct((B, C), jnp.float32),
)


def _stage_c_kernel():
    return pl.kernel(
        _stage_c,
        out_type=jax.ShapeDtypeStruct((N,), jnp.float32),
        mesh=_make_mesh(),
        scratch_types=[
            pltpu.VMEM((NSEG,), jnp.float32),
            pltpu.VMEM((MAXC * CHUNK,), jnp.int32),
            pltpu.VMEM((MAXC * CHUNK,), jnp.int32),
            pltpu.VMEM((2 * CHUNK,), jnp.float32),
            pltpu.VMEM((TAIL,), jnp.int32),
            pltpu.VMEM((TAIL,), jnp.int32),
            pltpu.VMEM((TAIL,), jnp.float32),
            pltpu.SemaphoreType.DMA,
            pltpu.SemaphoreType.DMA,
        ],
        compiler_params=pltpu.CompilerParams(needs_layout_passes=False),
    )


def _stage_c(w_hbm, b_hbm, c_hbm, out_hbm,
             wbuf, ball, call, obuf2, bbuf_t, cbuf_t, obuf_t,
             sem_w, sem_out):
    cid = lax.axis_index("c")
    sid = lax.axis_index("s")
    wid = cid * NS + sid
    start, count = _wid_info(wid)

    pltpu.async_copy(w_hbm, wbuf, sem_w)

    @pl.when(count == PER + 1)
    def _():
        pltpu.sync_copy(b_hbm.at[pl.ds(start * CHUNK, MAXC * CHUNK)],
                        ball.at[pl.ds(0, MAXC * CHUNK)])
        pltpu.sync_copy(c_hbm.at[pl.ds(start * CHUNK, MAXC * CHUNK)],
                        call.at[pl.ds(0, MAXC * CHUNK)])

    @pl.when(count == PER)
    def _():
        pltpu.sync_copy(b_hbm.at[pl.ds(start * CHUNK, PER * CHUNK)],
                        ball.at[pl.ds(0, PER * CHUNK)])
        pltpu.sync_copy(c_hbm.at[pl.ds(start * CHUNK, PER * CHUNK)],
                        call.at[pl.ds(0, PER * CHUNK)])

    pltpu.make_async_copy(w_hbm, wbuf, sem_w).wait()

    def chunk_body(j, carry):
        par = jnp.bitwise_and(j, 1)
        base = (start + j) * CHUNK

        @pl.when(j > 1)
        def _():
            pltpu.make_async_copy(obuf2.at[pl.ds(0, CHUNK)],
                                  out_hbm.at[pl.ds(0, CHUNK)],
                                  sem_out).wait()

        for i in range(CHUNK // L):
            off = j * CHUNK + i * L
            key = ball[pl.ds(off, L)] * C + call[pl.ds(off, L)]
            obuf2[pl.ds(par * CHUNK + i * L, L)] = plsc.load_gather(wbuf, [key])
        pltpu.async_copy(obuf2.at[pl.ds(par * CHUNK, CHUNK)],
                         out_hbm.at[pl.ds(base, CHUNK)], sem_out)
        return carry

    lax.fori_loop(0, count, chunk_body, 0, unroll=False)

    pltpu.make_async_copy(obuf2.at[pl.ds(0, CHUNK)],
                          out_hbm.at[pl.ds(0, CHUNK)], sem_out).wait()
    pltpu.make_async_copy(obuf2.at[pl.ds(0, CHUNK)],
                          out_hbm.at[pl.ds(0, CHUNK)], sem_out).wait()

    @pl.when(wid == NW - 1)
    def _():
        tbase = NFULL * CHUNK
        pltpu.sync_copy(b_hbm.at[pl.ds(tbase, TAIL)], bbuf_t)
        pltpu.sync_copy(c_hbm.at[pl.ds(tbase, TAIL)], cbuf_t)
        for i in range(TAIL // L):
            key = bbuf_t[pl.ds(i * L, L)] * C + cbuf_t[pl.ds(i * L, L)]
            obuf_t[pl.ds(i * L, L)] = plsc.load_gather(wbuf, [key])
        pltpu.sync_copy(obuf_t, out_hbm.at[pl.ds(tbase, TAIL)])


def kernel(x, cls, batch, W1, b1, W2, b2):
    cls_i = cls.astype(jnp.int32)
    batch_i = batch.astype(jnp.int32)

    zsum = jnp.zeros((NSEG, D1), jnp.float32)
    zcnt = jnp.zeros((NSEG,), jnp.float32)

    psum, pcnt = _stage_a_kernel()(x, batch_i, cls_i, zsum, zcnt)

    cs0 = psum[0].reshape(B, C * D1)
    cs1 = psum[1].reshape(B, C * D1)
    pc = pcnt.reshape(NW, B, C)

    eye = jnp.eye(C, dtype=jnp.float32)
    rm = jnp.kron(eye, jnp.ones((1, D1), jnp.float32))
    w1b = jnp.kron(eye, W1.T)
    b1b = jnp.tile(b1, C).reshape(1, C * D2)
    w2b = jnp.kron(eye, W2.T)
    b2b = b2.reshape(1, 1)

    w2 = _stage_b(cs0, cs1, pc, rm, w1b, b1b, w2b, b2b)
    wseg = w2.reshape(NSEG)

    out = _stage_c_kernel()(wseg, batch_i, cls_i)
    return out.reshape(N, 1)

# --- scband reference (transcript-rebuilt; emitter-appended) ---
"""Pipeline reference for scband-cluster-attention-7275674600513 (READ-ONLY COPY).

The authoritative reference and input builder live on the scoring server;
editing this copy changes nothing except your own understanding.
"""

import jax, jax.numpy as jnp
import numpy as np

N = 100000
D1 = 128
D2 = 64
C = 8
B = 100


def setup_inputs(seed: int = 0):
    key = jax.random.key(seed)
    ks = jax.random.split(key, 8)
    x = jax.random.normal(ks[0], (N, D1), dtype=jnp.float32)
    cls = jax.random.randint(ks[1], (N,), 0, C)
    batch = jnp.sort(jax.random.randint(ks[2], (N,), 0, B))
    W1 = jax.random.normal(ks[3], (D2, D1), dtype=jnp.float32) * 0.05
    b1 = jnp.zeros((D2,), dtype=jnp.float32)
    W2 = jax.random.normal(ks[4], (1, D2), dtype=jnp.float32) * 0.05
    b2 = jnp.zeros((1,), dtype=jnp.float32)
    return {"x": x, "cls": cls, "batch": batch, "W1": W1, "b1": b1, "W2": W2, "b2": b2}


def reference(x, cls, batch, W1, b1, W2, b2):
    # unpooling_featurizer with cluster_method='fixed':
    # per graph g: cluster_sum = scatter_add(x, cls); random_sets = cls;
    # ratio_i = count(g, cls_i)/n_g, then normalized within graph ->
    # ratio_i = count(g, cls_i) / sum_c count(g,c)^2
    key = batch * C + cls  # combined (graph, cluster) segment id
    nseg = B * C
    cluster_sum = jax.ops.segment_sum(x, key, num_segments=nseg)  # [B*C, D1]
    counts = jax.ops.segment_sum(jnp.ones((N,), dtype=jnp.float32), key, num_segments=nseg)  # [B*C]
    denom = jnp.sum(counts.reshape(B, C) ** 2, axis=1)  # [B]
    ratio = counts[key] / denom[batch]  # [N]
    r_x = cluster_sum[key] * ratio[:, None]  # [N, D1]
    # layer_1 + leaky_relu(0.45)
    h = r_x @ W1.T + b1
    h = jnp.where(h >= 0, h, 0.45 * h)
    # attention layer
    s = h @ W2.T + b2  # [N, 1]
    # segment softmax over batch (torch_geometric style)
    seg_max = jax.ops.segment_max(s, batch, num_segments=B)  # [B, 1]
    seg_max = jax.lax.stop_gradient(seg_max)
    e = jnp.exp(s - seg_max[batch])
    seg_sum = jax.ops.segment_sum(e, batch, num_segments=B)  # [B, 1]
    weights = e / (seg_sum[batch] + 1e-16)
    return weights

if __name__ == "__main__":
    import jax
    _d = setup_inputs()
    print(jax.jit(kernel)(*tuple(_d.values())))

</pallas_src>

<mosaic_0001>
#map = affine_map<(d0, d1) -> (0)>
module attributes {stable_mosaic.version = 14 : i64} {
  func.func @_stage_c(%arg0: i32, %arg1: i32, %arg2: memref<800xf32, #tpu.memory_space<hbm>>, %arg3: memref<100000xi32, #tpu.memory_space<hbm>>, %arg4: memref<100000xi32, #tpu.memory_space<hbm>>, %arg5: memref<100000xf32, #tpu.memory_space<hbm>>, %arg6: memref<800xf32, #tpu.memory_space<vmem>>, %arg7: memref<3328xi32, #tpu.memory_space<vmem>>, %arg8: memref<3328xi32, #tpu.memory_space<vmem>>, %arg9: memref<512xf32, #tpu.memory_space<vmem>>, %arg10: memref<160xi32, #tpu.memory_space<vmem>>, %arg11: memref<160xi32, #tpu.memory_space<vmem>>, %arg12: memref<160xf32, #tpu.memory_space<vmem>>, %arg13: memref<!tpu.dma_semaphore, #tpu.memory_space<semaphore_mem>>, %arg14: memref<!tpu.dma_semaphore, #tpu.memory_space<semaphore_mem>>) attributes {dimension_semantics = [#tpu.dimension_semantics<core_parallel>, #tpu.dimension_semantics<subcore_parallel>], iteration_bounds = array<i64: 2, 16>, scalar_prefetch = 0 : i64, scratch_operands = 9 : i64, tpu.core_type = #tpu.core_type<sc_vector_subcore>, window_params = [{transform_indices = #map}, {transform_indices = #map}, {transform_indices = #map}, {transform_indices = #map}]} {
    %mul3A = arith.constant 16 : i32
    %mul3A_0 = arith.muli %arg0, %mul3A : i32
    %add3A = arith.addi %mul3A_0, %arg1 : i32
    %mul3A_1 = arith.constant 12 : i32
    %mul3A_2 = arith.muli %add3A, %mul3A_1 : i32
    %min3A = arith.constant 6 : i32
    %min3A_3 = arith.minsi %add3A, %min3A : i32
    %add3A_4 = arith.addi %mul3A_2, %min3A_3 : i32
    %lt3A = arith.constant 6 : i32
    %lt3A_5 = arith.cmpi slt, %add3A, %lt3A : i32
    %jit3A = arith.constant 1 : i32
    %jit3A_6 = arith.constant 0 : i32
    %select_n3A = arith.select %lt3A_5, %jit3A, %jit3A_6 : i32
    %add3A_7 = arith.constant 12 : i32
    %add3A_8 = arith.addi %add3A_7, %select_n3A : i32
    tpu.enqueue_dma source(%arg2 : memref<800xf32, #tpu.memory_space<hbm>>) target(%arg6 : memref<800xf32, #tpu.memory_space<vmem>>) target_semaphore(%arg13 : memref<!tpu.dma_semaphore, #tpu.memory_space<semaphore_mem>>)
    %eq3A = arith.constant 13 : i32
    %eq3A_9 = arith.cmpi eq, %add3A_8, %eq3A : i32
    %convert_element_type3A = arith.extui %eq3A_9 : i1 to i32
    %cond3A = arith.constant 0 : i32
    %cond3A_10 = arith.cmpi ne, %convert_element_type3A, %cond3A : i32
    scf.if %cond3A_10 {
      %mul3A_45 = arith.constant 256 : i32
      %mul3A_46 = arith.muli %add3A_4, %mul3A_45 : i32
      "tpu.region"() ({
        %run_scoped3A = tpu.sem_alloc : memref<!tpu.dma_semaphore, #tpu.memory_space<semaphore_mem>>
        %dma_start3A = arith.constant 0 : i32
        %dma_start3A_49 = tpu.memref_slice %arg7[%dma_start3A] : memref<3328xi32, #tpu.memory_space<vmem>> -> memref<3328xi32, #tpu.memory_space<vmem>>
        %dma_start3A_50 = tpu.memref_slice %arg3[%mul3A_46] : memref<100000xi32, #tpu.memory_space<hbm>> -> memref<3328xi32, #tpu.memory_space<hbm>>
        %dma_start3A_51 = arith.constant 0 : i32
        %dma_start3A_52 = tpu.memref_slice %arg7[%dma_start3A_51] : memref<3328xi32, #tpu.memory_space<vmem>> -> memref<3328xi32, #tpu.memory_space<vmem>>
        %dma_start3A_53 = tpu.memref_slice %arg3[%mul3A_46] : memref<100000xi32, #tpu.memory_space<hbm>> -> memref<3328xi32, #tpu.memory_space<hbm>>
        tpu.enqueue_dma source(%dma_start3A_53 : memref<3328xi32, #tpu.memory_space<hbm>>) target(%dma_start3A_52 : memref<3328xi32, #tpu.memory_space<vmem>>) target_semaphore(%run_scoped3A : memref<!tpu.dma_semaphore, #tpu.memory_space<semaphore_mem>>)
        %dma_wait3A_54 = arith.constant 0 : i32
        %dma_wait3A_55 = tpu.memref_slice %arg7[%dma_wait3A_54] : memref<3328xi32, #tpu.memory_space<vmem>> -> memref<3328xi32, #tpu.memory_space<vmem>>
        %dma_wait3A_56 = tpu.memref_slice %arg3[%mul3A_46] : memref<100000xi32, #tpu.memory_space<hbm>> -> memref<3328xi32, #tpu.memory_space<hbm>>
        %dma_wait3A_57 = arith.constant 0 : i32
        %dma_wait3A_58 = tpu.memref_slice %arg7[%dma_wait3A_57] : memref<3328xi32, #tpu.memory_space<vmem>> -> memref<3328xi32, #tpu.memory_space<vmem>>
        %dma_wait3A_59 = tpu.memref_slice %arg3[%mul3A_46] : memref<100000xi32, #tpu.memory_space<hbm>> -> memref<3328xi32, #tpu.memory_space<hbm>>
        tpu.wait_dma2 semaphore(%run_scoped3A : memref<!tpu.dma_semaphore, #tpu.memory_space<semaphore_mem>>) src(%dma_wait3A_59 : memref<3328xi32, #tpu.memory_space<hbm>>) dst(%dma_wait3A_58 : memref<3328xi32, #tpu.memory_space<vmem>>)
        tpu.yield
      }) : () -> ()
      %mul3A_47 = arith.constant 256 : i32
      %mul3A_48 = arith.muli %add3A_4, %mul3A_47 : i32
      "tpu.region"() ({
        %run_scoped3A = tpu.sem_alloc : memref<!tpu.dma_semaphore, #tpu.memory_space<semaphore_mem>>
        %dma_start3A = arith.constant 0 : i32
        %dma_start3A_49 = tpu.memref_slice %arg8[%dma_start3A] : memref<3328xi32, #tpu.memory_space<vmem>> -> memref<3328xi32, #tpu.memory_space<vmem>>
        %dma_start3A_50 = tpu.memref_slice %arg4[%mul3A_48] : memref<100000xi32, #tpu.memory_space<hbm>> -> memref<3328xi32, #tpu.memory_space<hbm>>
        %dma_start3A_51 = arith.constant 0 : i32
        %dma_start3A_52 = tpu.memref_slice %arg8[%dma_start3A_51] : memref<3328xi32, #tpu.memory_space<vmem>> -> memref<3328xi32, #tpu.memory_space<vmem>>
        %dma_start3A_53 = tpu.memref_slice %arg4[%mul3A_48] : memref<100000xi32, #tpu.memory_space<hbm>> -> memref<3328xi32, #tpu.memory_space<hbm>>
        tpu.enqueue_dma source(%dma_start3A_53 : memref<3328xi32, #tpu.memory_space<hbm>>) target(%dma_start3A_52 : memref<3328xi32, #tpu.memory_space<vmem>>) target_semaphore(%run_scoped3A : memref<!tpu.dma_semaphore, #tpu.memory_space<semaphore_mem>>)
        %dma_wait3A_54 = arith.constant 0 : i32
        %dma_wait3A_55 = tpu.memref_slice %arg8[%dma_wait3A_54] : memref<3328xi32, #tpu.memory_space<vmem>> -> memref<3328xi32, #tpu.memory_space<vmem>>
        %dma_wait3A_56 = tpu.memref_slice %arg4[%mul3A_48] : memref<100000xi32, #tpu.memory_space<hbm>> -> memref<3328xi32, #tpu.memory_space<hbm>>
        %dma_wait3A_57 = arith.constant 0 : i32
        %dma_wait3A_58 = tpu.memref_slice %arg8[%dma_wait3A_57] : memref<3328xi32, #tpu.memory_space<vmem>> -> memref<3328xi32, #tpu.memory_space<vmem>>
        %dma_wait3A_59 = tpu.memref_slice %arg4[%mul3A_48] : memref<100000xi32, #tpu.memory_space<hbm>> -> memref<3328xi32, #tpu.memory_space<hbm>>
        tpu.wait_dma2 semaphore(%run_scoped3A : memref<!tpu.dma_semaphore, #tpu.memory_space<semaphore_mem>>) src(%dma_wait3A_59 : memref<3328xi32, #tpu.memory_space<hbm>>) dst(%dma_wait3A_58 : memref<3328xi32, #tpu.memory_space<vmem>>)
        tpu.yield
      }) : () -> ()
    } else {
    }
    %eq3A_11 = arith.constant 12 : i32
    %eq3A_12 = arith.cmpi eq, %add3A_8, %eq3A_11 : i32
    %convert_element_type3A_13 = arith.extui %eq3A_12 : i1 to i32
    %cond3A_14 = arith.constant 0 : i32
    %cond3A_15 = arith.cmpi ne, %convert_element_type3A_13, %cond3A_14 : i32
    scf.if %cond3A_15 {
      %mul3A_45 = arith.constant 256 : i32
      %mul3A_46 = arith.muli %add3A_4, %mul3A_45 : i32
      "tpu.region"() ({
        %run_scoped3A = tpu.sem_alloc : memref<!tpu.dma_semaphore, #tpu.memory_space<semaphore_mem>>
        %dma_start3A = arith.constant 0 : i32
        %dma_start3A_49 = tpu.memref_slice %arg7[%dma_start3A] : memref<3328xi32, #tpu.memory_space<vmem>> -> memref<3072xi32, #tpu.memory_space<vmem>>
        %dma_start3A_50 = tpu.memref_slice %arg3[%mul3A_46] : memref<100000xi32, #tpu.memory_space<hbm>> -> memref<3072xi32, #tpu.memory_space<hbm>>
        %dma_start3A_51 = arith.constant 0 : i32
        %dma_start3A_52 = tpu.memref_slice %arg7[%dma_start3A_51] : memref<3328xi32, #tpu.memory_space<vmem>> -> memref<3072xi32, #tpu.memory_space<vmem>>
        %dma_start3A_53 = tpu.memref_slice %arg3[%mul3A_46] : memref<100000xi32, #tpu.memory_space<hbm>> -> memref<3072xi32, #tpu.memory_space<hbm>>
        tpu.enqueue_dma source(%dma_start3A_53 : memref<3072xi32, #tpu.memory_space<hbm>>) target(%dma_start3A_52 : memref<3072xi32, #tpu.memory_space<vmem>>) target_semaphore(%run_scoped3A : memref<!tpu.dma_semaphore, #tpu.memory_space<semaphore_mem>>)
        %dma_wait3A_54 = arith.constant 0 : i32
        %dma_wait3A_55 = tpu.memref_slice %arg7[%dma_wait3A_54] : memref<3328xi32, #tpu.memory_space<vmem>> -> memref<3072xi32, #tpu.memory_space<vmem>>
        %dma_wait3A_56 = tpu.memref_slice %arg3[%mul3A_46] : memref<100000xi32, #tpu.memory_space<hbm>> -> memref<3072xi32, #tpu.memory_space<hbm>>
        %dma_wait3A_57 = arith.constant 0 : i32
        %dma_wait3A_58 = tpu.memref_slice %arg7[%dma_wait3A_57] : memref<3328xi32, #tpu.memory_space<vmem>> -> memref<3072xi32, #tpu.memory_space<vmem>>
        %dma_wait3A_59 = tpu.memref_slice %arg3[%mul3A_46] : memref<100000xi32, #tpu.memory_space<hbm>> -> memref<3072xi32, #tpu.memory_space<hbm>>
        tpu.wait_dma2 semaphore(%run_scoped3A : memref<!tpu.dma_semaphore, #tpu.memory_space<semaphore_mem>>) src(%dma_wait3A_59 : memref<3072xi32, #tpu.memory_space<hbm>>) dst(%dma_wait3A_58 : memref<3072xi32, #tpu.memory_space<vmem>>)
        tpu.yield
      }) : () -> ()
      %mul3A_47 = arith.constant 256 : i32
      %mul3A_48 = arith.muli %add3A_4, %mul3A_47 : i32
      "tpu.region"() ({
        %run_scoped3A = tpu.sem_alloc : memref<!tpu.dma_semaphore, #tpu.memory_space<semaphore_mem>>
        %dma_start3A = arith.constant 0 : i32
        %dma_start3A_49 = tpu.memref_slice %arg8[%dma_start3A] : memref<3328xi32, #tpu.memory_space<vmem>> -> memref<3072xi32, #tpu.memory_space<vmem>>
        %dma_start3A_50 = tpu.memref_slice %arg4[%mul3A_48] : memref<100000xi32, #tpu.memory_space<hbm>> -> memref<3072xi32, #tpu.memory_space<hbm>>
        %dma_start3A_51 = arith.constant 0 : i32
        %dma_start3A_52 = tpu.memref_slice %arg8[%dma_start3A_51] : memref<3328xi32, #tpu.memory_space<vmem>> -> memref<3072xi32, #tpu.memory_space<vmem>>
        %dma_start3A_53 = tpu.memref_slice %arg4[%mul3A_48] : memref<100000xi32, #tpu.memory_space<hbm>> -> memref<3072xi32, #tpu.memory_space<hbm>>
        tpu.enqueue_dma source(%dma_start3A_53 : memref<3072xi32, #tpu.memory_space<hbm>>) target(%dma_start3A_52 : memref<3072xi32, #tpu.memory_space<vmem>>) target_semaphore(%run_scoped3A : memref<!tpu.dma_semaphore, #tpu.memory_space<semaphore_mem>>)
        %dma_wait3A_54 = arith.constant 0 : i32
        %dma_wait3A_55 = tpu.memref_slice %arg8[%dma_wait3A_54] : memref<3328xi32, #tpu.memory_space<vmem>> -> memref<3072xi32, #tpu.memory_space<vmem>>
        %dma_wait3A_56 = tpu.memref_slice %arg4[%mul3A_48] : memref<100000xi32, #tpu.memory_space<hbm>> -> memref<3072xi32, #tpu.memory_space<hbm>>
        %dma_wait3A_57 = arith.constant 0 : i32
        %dma_wait3A_58 = tpu.memref_slice %arg8[%dma_wait3A_57] : memref<3328xi32, #tpu.memory_space<vmem>> -> memref<3072xi32, #tpu.memory_space<vmem>>
        %dma_wait3A_59 = tpu.memref_slice %arg4[%mul3A_48] : memref<100000xi32, #tpu.memory_space<hbm>> -> memref<3072xi32, #tpu.memory_space<hbm>>
        tpu.wait_dma2 semaphore(%run_scoped3A : memref<!tpu.dma_semaphore, #tpu.memory_space<semaphore_mem>>) src(%dma_wait3A_59 : memref<3072xi32, #tpu.memory_space<hbm>>) dst(%dma_wait3A_58 : memref<3072xi32, #tpu.memory_space<vmem>>)
        tpu.yield
      }) : () -> ()
    } else {
    }
    tpu.wait_dma2 semaphore(%arg13 : memref<!tpu.dma_semaphore, #tpu.memory_space<semaphore_mem>>) src(%arg2 : memref<800xf32, #tpu.memory_space<hbm>>) dst(%arg6 : memref<800xf32, #tpu.memory_space<vmem>>)
    %while3A = arith.constant 0 : i32
    %while3A_16 = arith.constant 0 : i32
    %while3A_17 = arith.subi %add3A_8, %while3A_16 : i32
    %while3A_18 = arith.addi %while3A_16, %while3A_17 : i32
    %while3A_19 = arith.constant 1 : i32
    %while3A_20 = arith.divsi %while3A_17, %while3A_19 : i32
    %while3A_21 = arith.muli %while3A_20, %while3A_19 : i32
    %while3A_22 = arith.addi %while3A_16, %while3A_21 : i32
    %while3A_23 = arith.constant 1 : i32
    scf.for %while3A_45 = %while3A_16 to %while3A_22 step %while3A_23  : i32 {
      %and3A = arith.constant 1 : i32
      %and3A_46 = arith.andi %while3A_45, %and3A : i32
      %add3A_47 = arith.addi %add3A_4, %while3A_45 : i32
      %mul3A_48 = arith.constant 256 : i32
      %mul3A_49 = arith.muli %add3A_47, %mul3A_48 : i32
      %gt3A = arith.constant 1 : i32
      %gt3A_50 = arith.cmpi sgt, %while3A_45, %gt3A : i32
      %convert_element_type3A_51 = arith.extui %gt3A_50 : i1 to i32
      %cond3A_52 = arith.constant 0 : i32
      %cond3A_53 = arith.cmpi ne, %convert_element_type3A_51, %cond3A_52 : i32
      scf.if %cond3A_53 {
        %dma_wait3A_360 = arith.constant 0 : i32
        %dma_wait3A_361 = tpu.memref_slice %arg9[%dma_wait3A_360] : memref<512xf32, #tpu.memory_space<vmem>> -> memref<256xf32, #tpu.memory_space<vmem>>
        %dma_wait3A_362 = arith.constant 0 : i32
        %dma_wait3A_363 = tpu.memref_slice %arg5[%dma_wait3A_362] : memref<100000xf32, #tpu.memory_space<hbm>> -> memref<256xf32, #tpu.memory_space<hbm>>
        %dma_wait3A_364 = arith.constant 0 : i32
        %dma_wait3A_365 = tpu.memref_slice %arg5[%dma_wait3A_364] : memref<100000xf32, #tpu.memory_space<hbm>> -> memref<256xf32, #tpu.memory_space<hbm>>
        %dma_wait3A_366 = arith.constant 0 : i32
        %dma_wait3A_367 = tpu.memref_slice %arg9[%dma_wait3A_366] : memref<512xf32, #tpu.memory_space<vmem>> -> memref<256xf32, #tpu.memory_space<vmem>>
        tpu.wait_dma2 semaphore(%arg14 : memref<!tpu.dma_semaphore, #tpu.memory_space<semaphore_mem>>) src(%dma_wait3A_367 : memref<256xf32, #tpu.memory_space<vmem>>) dst(%dma_wait3A_365 : memref<256xf32, #tpu.memory_space<hbm>>)
      } else {
      }
      %mul3A_54 = arith.constant 256 : i32
      %mul3A_55 = arith.muli %while3A_45, %mul3A_54 : i32
      %add3A_56 = arith.constant 0 : i32
      %add3A_57 = arith.addi %mul3A_55, %add3A_56 : i32
      %get3A = arith.index_cast %add3A_57 : i32 to index
      %get3A_58 = tpu.vector_load %arg7[%get3A] {strides = array<i32>} : memref<3328xi32, #tpu.memory_space<vmem>>, vector<16xi32>,
      %mul3A_59 = arith.constant 8 : i32
      %mul3A_60 = vector.broadcast %mul3A_59 : i32 to vector<16xi32>
      %mul3A_61 = arith.muli %get3A_58, %mul3A_60 : vector<16xi32>
      %get3A_62 = arith.index_cast %add3A_57 : i32 to index
      %get3A_63 = tpu.vector_load %arg8[%get3A_62] {strides = array<i32>} : memref<3328xi32, #tpu.memory_space<vmem>>, vector<16xi32>,
      %add3A_64 = arith.addi %mul3A_61, %get3A_63 : vector<16xi32>
      %gather3A = tpu.vector_load_idx %arg6[%add3A_64] : memref<800xf32, #tpu.memory_space<vmem>>[vector<16xi32>], vector<16xf32>,
      %mul3A_65 = arith.constant 256 : i32
      %mul3A_66 = arith.muli %and3A_46, %mul3A_65 : i32
      %add3A_67 = arith.constant 0 : i32
      %add3A_68 = arith.addi %mul3A_66, %add3A_67 : i32
      %swap3A = arith.index_cast %add3A_68 : i32 to index
      %swap3A_69 = tpu.vector_load %arg9[%swap3A] {strides = array<i32>} : memref<512xf32, #tpu.memory_space<vmem>>, vector<16xf32>,
      tpu.vector_store %arg9[%swap3A], %gather3A {strides = array<i32>} : memref<512xf32, #tpu.memory_space<vmem>>, vector<16xf32>,
      %mul3A_70 = arith.constant 256 : i32
      %mul3A_71 = arith.muli %while3A_45, %mul3A_70 : i32
      %add3A_72 = arith.constant 16 : i32
      %add3A_73 = arith.addi %mul3A_71, %add3A_72 : i32
      %get3A_74 = arith.index_cast %add3A_73 : i32 to index
      %get3A_75 = tpu.vector_load %arg7[%get3A_74] {strides = array<i32>} : memref<3328xi32, #tpu.memory_space<vmem>>, vector<16xi32>,
      %mul3A_76 = arith.constant 8 : i32
      %mul3A_77 = vector.broadcast %mul3A_76 : i32 to vector<16xi32>
      %mul3A_78 = arith.muli %get3A_75, %mul3A_77 : vector<16xi32>
      %get3A_79 = arith.index_cast %add3A_73 : i32 to index
      %get3A_80 = tpu.vector_load %arg8[%get3A_79] {strides = array<i32>} : memref<3328xi32, #tpu.memory_space<vmem>>, vector<16xi32>,
      %add3A_81 = arith.addi %mul3A_78, %get3A_80 : vector<16xi32>
      %gather3A_82 = tpu.vector_load_idx %arg6[%add3A_81] : memref<800xf32, #tpu.memory_space<vmem>>[vector<16xi32>], vector<16xf32>,
      %mul3A_83 = arith.constant 256 : i32
      %mul3A_84 = arith.muli %and3A_46, %mul3A_83 : i32
      %add3A_85 = arith.constant 16 : i32
      %add3A_86 = arith.addi %mul3A_84, %add3A_85 : i32
      %swap3A_87 = arith.index_cast %add3A_86 : i32 to index
      %swap3A_88 = tpu.vector_load %arg9[%swap3A_87] {strides = array<i32>} : memref<512xf32, #tpu.memory_space<vmem>>, vector<16xf32>,
      tpu.vector_store %arg9[%swap3A_87], %gather3A_82 {strides = array<i32>} : memref<512xf32, #tpu.memory_space<vmem>>, vector<16xf32>,
      %mul3A_89 = arith.constant 256 : i32
      %mul3A_90 = arith.muli %while3A_45, %mul3A_89 : i32
      %add3A_91 = arith.constant 32 : i32
      %add3A_92 = arith.addi %mul3A_90, %add3A_91 : i32
      %get3A_93 = arith.index_cast %add3A_92 : i32 to index
      %get3A_94 = tpu.vector_load %arg7[%get3A_93] {strides = array<i32>} : memref<3328xi32, #tpu.memory_space<vmem>>, vector<16xi32>,
      %mul3A_95 = arith.constant 8 : i32
      %mul3A_96 = vector.broadcast %mul3A_95 : i32 to vector<16xi32>
      %mul3A_97 = arith.muli %get3A_94, %mul3A_96 : vector<16xi32>
      %get3A_98 = arith.index_cast %add3A_92 : i32 to index
      %get3A_99 = tpu.vector_load %arg8[%get3A_98] {strides = array<i32>} : memref<3328xi32, #tpu.memory_space<vmem>>, vector<16xi32>,
      %add3A_100 = arith.addi %mul3A_97, %get3A_99 : vector<16xi32>
      %gather3A_101 = tpu.vector_load_idx %arg6[%add3A_100] : memref<800xf32, #tpu.memory_space<vmem>>[vector<16xi32>], vector<16xf32>,
      %mul3A_102 = arith.constant 256 : i32
      %mul3A_103 = arith.muli %and3A_46, %mul3A_102 : i32
      %add3A_104 = arith.constant 32 : i32
      %add3A_105 = arith.addi %mul3A_103, %add3A_104 : i32
      %swap3A_106 = arith.index_cast %add3A_105 : i32 to index
      %swap3A_107 = tpu.vector_load %arg9[%swap3A_106] {strides = array<i32>} : memref<512xf32, #tpu.memory_space<vmem>>, vector<16xf32>,
      tpu.vector_store %arg9[%swap3A_106], %gather3A_101 {strides = array<i32>} : memref<512xf32, #tpu.memory_space<vmem>>, vector<16xf32>,
      %mul3A_108 = arith.constant 256 : i32
      %mul3A_109 = arith.muli %while3A_45, %mul3A_108 : i32
      %add3A_110 = arith.constant 48 : i32
      %add3A_111 = arith.addi %mul3A_109, %add3A_110 : i32
      %get3A_112 = arith.index_cast %add3A_111 : i32 to index
      %get3A_113 = tpu.vector_load %arg7[%get3A_112] {strides = array<i32>} : memref<3328xi32, #tpu.memory_space<vmem>>, vector<16xi32>,
      %mul3A_114 = arith.constant 8 : i32
      %mul3A_115 = vector.broadcast %mul3A_114 : i32 to vector<16xi32>
      %mul3A_116 = arith.muli %get3A_113, %mul3A_115 : vector<16xi32>
      %get3A_117 = arith.index_cast %add3A_111 : i32 to index
      %get3A_118 = tpu.vector_load %arg8[%get3A_117] {strides = array<i32>} : memref<3328xi32, #tpu.memory_space<vmem>>, vector<16xi32>,
      %add3A_119 = arith.addi %mul3A_116, %get3A_118 : vector<16xi32>
      %gather3A_120 = tpu.vector_load_idx %arg6[%add3A_119] : memref<800xf32, #tpu.memory_space<vmem>>[vector<16xi32>], vector<16xf32>,
      %mul3A_121 = arith.constant 256 : i32
      %mul3A_122 = arith.muli %and3A_46, %mul3A_121 : i32
      %add3A_123 = arith.constant 48 : i32
      %add3A_124 = arith.addi %mul3A_122, %add3A_123 : i32
      %swap3A_125 = arith.index_cast %add3A_124 : i32 to index
      %swap3A_126 = tpu.vector_load %arg9[%swap3A_125] {strides = array<i32>} : memref<512xf32, #tpu.memory_space<vmem>>, vector<16xf32>,
      tpu.vector_store %arg9[%swap3A_125], %gather3A_120 {strides = array<i32>} : memref<512xf32, #tpu.memory_space<vmem>>, vector<16xf32>,
      %mul3A_127 = arith.constant 256 : i32
      %mul3A_128 = arith.muli %while3A_45, %mul3A_127 : i32
      %add3A_129 = arith.constant 64 : i32
      %add3A_130 = arith.addi %mul3A_128, %add3A_129 : i32
      %get3A_131 = arith.index_cast %add3A_130 : i32 to index
      %get3A_132 = tpu.vector_load %arg7[%get3A_131] {strides = array<i32>} : memref<3328xi32, #tpu.memory_space<vmem>>, vector<16xi32>,
      %mul3A_133 = arith.constant 8 : i32
      %mul3A_134 = vector.broadcast %mul3A_133 : i32 to vector<16xi32>
      %mul3A_135 = arith.muli %get3A_132, %mul3A_134 : vector<16xi32>
      %get3A_136 = arith.index_cast %add3A_130 : i32 to index
      %get3A_137 = tpu.vector_load %arg8[%get3A_136] {strides = array<i32>} : memref<3328xi32, #tpu.memory_space<vmem>>, vector<16xi32>,
      %add3A_138 = arith.addi %mul3A_135, %get3A_137 : vector<16xi32>
      %gather3A_139 = tpu.vector_load_idx %arg6[%add3A_138] : memref<800xf32, #tpu.memory_space<vmem>>[vector<16xi32>], vector<16xf32>,
      %mul3A_140 = arith.constant 256 : i32
      %mul3A_141 = arith.muli %and3A_46, %mul3A_140 : i32
      %add3A_142 = arith.constant 64 : i32
      %add3A_143 = arith.addi %mul3A_141, %add3A_142 : i32
      %swap3A_144 = arith.index_cast %add3A_143 : i32 to index
      %swap3A_145 = tpu.vector_load %arg9[%swap3A_144] {strides = array<i32>} : memref<512xf32, #tpu.memory_space<vmem>>, vector<16xf32>,
      tpu.vector_store %arg9[%swap3A_144], %gather3A_139 {strides = array<i32>} : memref<512xf32, #tpu.memory_space<vmem>>, vector<16xf32>,
      %mul3A_146 = arith.constant 256 : i32
      %mul3A_147 = arith.muli %while3A_45, %mul3A_146 : i32
      %add3A_148 = arith.constant 80 : i32
      %add3A_149 = arith.addi %mul3A_147, %add3A_148 : i32
      %get3A_150 = arith.index_cast %add3A_149 : i32 to index
      %get3A_151 = tpu.vector_load %arg7[%get3A_150] {strides = array<i32>} : memref<3328xi32, #tpu.memory_space<vmem>>, vector<16xi32>,
      %mul3A_152 = arith.constant 8 : i32
      %mul3A_153 = vector.broadcast %mul3A_152 : i32 to vector<16xi32>
      %mul3A_154 = arith.muli %get3A_151, %mul3A_153 : vector<16xi32>
      %get3A_155 = arith.index_cast %add3A_149 : i32 to index
      %get3A_156 = tpu.vector_load %arg8[%get3A_155] {strides = array<i32>} : memref<3328xi32, #tpu.memory_space<vmem>>, vector<16xi32>,
      %add3A_157 = arith.addi %mul3A_154, %get3A_156 : vector<16xi32>
      %gather3A_158 = tpu.vector_load_idx %arg6[%add3A_157] : memref<800xf32, #tpu.memory_space<vmem>>[vector<16xi32>], vector<16xf32>,
      %mul3A_159 = arith.constant 256 : i32
      %mul3A_160 = arith.muli %and3A_46, %mul3A_159 : i32
      %add3A_161 = arith.constant 80 : i32
      %add3A_162 = arith.addi %mul3A_160, %add3A_161 : i32
      %swap3A_163 = arith.index_cast %add3A_162 : i32 to index
      %swap3A_164 = tpu.vector_load %arg9[%swap3A_163] {strides = array<i32>} : memref<512xf32, #tpu.memory_space<vmem>>, vector<16xf32>,
      tpu.vector_store %arg9[%swap3A_163], %gather3A_158 {strides = array<i32>} : memref<512xf32, #tpu.memory_space<vmem>>, vector<16xf32>,
      %mul3A_165 = arith.constant 256 : i32
      %mul3A_166 = arith.muli %while3A_45, %mul3A_165 : i32
      %add3A_167 = arith.constant 96 : i32
      %add3A_168 = arith.addi %mul3A_166, %add3A_167 : i32
      %get3A_169 = arith.index_cast %add3A_168 : i32 to index
      %get3A_170 = tpu.vector_load %arg7[%get3A_169] {strides = array<i32>} : memref<3328xi32, #tpu.memory_space<vmem>>, vector<16xi32>,
      %mul3A_171 = arith.constant 8 : i32
      %mul3A_172 = vector.broadcast %mul3A_171 : i32 to vector<16xi32>
      %mul3A_173 = arith.muli %get3A_170, %mul3A_172 : vector<16xi32>
      %get3A_174 = arith.index_cast %add3A_168 : i32 to index
      %get3A_175 = tpu.vector_load %arg8[%get3A_174] {strides = array<i32>} : memref<3328xi32, #tpu.memory_space<vmem>>, vector<16xi32>,
      %add3A_176 = arith.addi %mul3A_173, %get3A_175 : vector<16xi32>
      %gather3A_177 = tpu.vector_load_idx %arg6[%add3A_176] : memref<800xf32, #tpu.memory_space<vmem>>[vector<16xi32>], vector<16xf32>,
      %mul3A_178 = arith.constant 256 : i32
      %mul3A_179 = arith.muli %and3A_46, %mul3A_178 : i32
      %add3A_180 = arith.constant 96 : i32
      %add3A_181 = arith.addi %mul3A_179, %add3A_180 : i32
      %swap3A_182 = arith.index_cast %add3A_181 : i32 to index
      %swap3A_183 = tpu.vector_load %arg9[%swap3A_182] {strides = array<i32>} : memref<512xf32, #tpu.memory_space<vmem>>, vector<16xf32>,
      tpu.vector_store %arg9[%swap3A_182], %gather3A_177 {strides = array<i32>} : memref<512xf32, #tpu.memory_space<vmem>>, vector<16xf32>,
      %mul3A_184 = arith.constant 256 : i32
      %mul3A_185 = arith.muli %while3A_45, %mul3A_184 : i32
      %add3A_186 = arith.constant 112 : i32
      %add3A_187 = arith.addi %mul3A_185, %add3A_186 : i32
      %get3A_188 = arith.index_cast %add3A_187 : i32 to index
      %get3A_189 = tpu.vector_load %arg7[%get3A_188] {strides = array<i32>} : memref<3328xi32, #tpu.memory_space<vmem>>, vector<16xi32>,
      %mul3A_190 = arith.constant 8 : i32
      %mul3A_191 = vector.broadcast %mul3A_190 : i32 to vector<16xi32>
      %mul3A_192 = arith.muli %get3A_189, %mul3A_191 : vector<16xi32>
      %get3A_193 = arith.index_cast %add3A_187 : i32 to index
      %get3A_194 = tpu.vector_load %arg8[%get3A_193] {strides = array<i32>} : memref<3328xi32, #tpu.memory_space<vmem>>, vector<16xi32>,
      %add3A_195 = arith.addi %mul3A_192, %get3A_194 : vector<16xi32>
      %gather3A_196 = tpu.vector_load_idx %arg6[%add3A_195] : memref<800xf32, #tpu.memory_space<vmem>>[vector<16xi32>], vector<16xf32>,
      %mul3A_197 = arith.constant 256 : i32
      %mul3A_198 = arith.muli %and3A_46, %mul3A_197 : i32
      %add3A_199 = arith.constant 112 : i32
      %add3A_200 = arith.addi %mul3A_198, %add3A_199 : i32
      %swap3A_201 = arith.index_cast %add3A_200 : i32 to index
      %swap3A_202 = tpu.vector_load %arg9[%swap3A_201] {strides = array<i32>} : memref<512xf32, #tpu.memory_space<vmem>>, vector<16xf32>,
      tpu.vector_store %arg9[%swap3A_201], %gather3A_196 {strides = array<i32>} : memref<512xf32, #tpu.memory_space<vmem>>, vector<16xf32>,
      %mul3A_203 = arith.constant 256 : i32
      %mul3A_204 = arith.muli %while3A_45, %mul3A_203 : i32
      %add3A_205 = arith.constant 128 : i32
      %add3A_206 = arith.addi %mul3A_204, %add3A_205 : i32
      %get3A_207 = arith.index_cast %add3A_206 : i32 to index
      %get3A_208 = tpu.vector_load %arg7[%get3A_207] {strides = array<i32>} : memref<3328xi32, #tpu.memory_space<vmem>>, vector<16xi32>,
      %mul3A_209 = arith.constant 8 : i32
      %mul3A_210 = vector.broadcast %mul3A_209 : i32 to vector<16xi32>
      %mul3A_211 = arith.muli %get3A_208, %mul3A_210 : vector<16xi32>
      %get3A_212 = arith.index_cast %add3A_206 : i32 to index
      %get3A_213 = tpu.vector_load %arg8[%get3A_212] {strides = array<i32>} : memref<3328xi32, #tpu.memory_space<vmem>>, vector<16xi32>,
      %add3A_214 = arith.addi %mul3A_211, %get3A_213 : vector<16xi32>
      %gather3A_215 = tpu.vector_load_idx %arg6[%add3A_214] : memref<800xf32, #tpu.memory_space<vmem>>[vector<16xi32>], vector<16xf32>,
      %mul3A_216 = arith.constant 256 : i32
      %mul3A_217 = arith.muli %and3A_46, %mul3A_216 : i32
      %add3A_218 = arith.constant 128 : i32
      %add3A_219 = arith.addi %mul3A_217, %add3A_218 : i32
      %swap3A_220 = arith.index_cast %add3A_219 : i32 to index
      %swap3A_221 = tpu.vector_load %arg9[%swap3A_220] {strides = array<i32>} : memref<512xf32, #tpu.memory_space<vmem>>, vector<16xf32>,
      tpu.vector_store %arg9[%swap3A_220], %gather3A_215 {strides = array<i32>} : memref<512xf32, #tpu.memory_space<vmem>>, vector<16xf32>,
      %mul3A_222 = arith.constant 256 : i32
      %mul3A_223 = arith.muli %while3A_45, %mul3A_222 : i32
      %add3A_224 = arith.constant 144 : i32
      %add3A_225 = arith.addi %mul3A_223, %add3A_224 : i32
      %get3A_226 = arith.index_cast %add3A_225 : i32 to index
      %get3A_227 = tpu.vector_load %arg7[%get3A_226] {strides = array<i32>} : memref<3328xi32, #tpu.memory_space<vmem>>, vector<16xi32>,
      %mul3A_228 = arith.constant 8 : i32
      %mul3A_229 = vector.broadcast %mul3A_228 : i32 to vector<16xi32>
      %mul3A_230 = arith.muli %get3A_227, %mul3A_229 : vector<16xi32>
      %get3A_231 = arith.index_cast %add3A_225 : i32 to index
      %get3A_232 = tpu.vector_load %arg8[%get3A_231] {strides = array<i32>} : memref<3328xi32, #tpu.memory_space<vmem>>, vector<16xi32>,
      %add3A_233 = arith.addi %mul3A_230, %get3A_232 : vector<16xi32>
      %gather3A_234 = tpu.vector_load_idx %arg6[%add3A_233] : memref<800xf32, #tpu.memory_space<vmem>>[vector<16xi32>], vector<16xf32>,
      %mul3A_235 = arith.constant 256 : i32
      %mul3A_236 = arith.muli %and3A_46, %mul3A_235 : i32
      %add3A_237 = arith.constant 144 : i32
      %add3A_238 = arith.addi %mul3A_236, %add3A_237 : i32
      %swap3A_239 = arith.index_cast %add3A_238 : i32 to index
      %swap3A_240 = tpu.vector_load %arg9[%swap3A_239] {strides = array<i32>} : memref<512xf32, #tpu.memory_space<vmem>>, vector<16xf32>,
      tpu.vector_store %arg9[%swap3A_239], %gather3A_234 {strides = array<i32>} : memref<512xf32, #tpu.memory_space<vmem>>, vector<16xf32>,
      %mul3A_241 = arith.constant 256 : i32
      %mul3A_242 = arith.muli %while3A_45, %mul3A_241 : i32
      %add3A_243 = arith.constant 160 : i32
      %add3A_244 = arith.addi %mul3A_242, %add3A_243 : i32
      %get3A_245 = arith.index_cast %add3A_244 : i32 to index
      %get3A_246 = tpu.vector_load %arg7[%get3A_245] {strides = array<i32>} : memref<3328xi32, #tpu.memory_space<vmem>>, vector<16xi32>,
      %mul3A_247 = arith.constant 8 : i32
      %mul3A_248 = vector.broadcast %mul3A_247 : i32 to vector<16xi32>
      %mul3A_249 = arith.muli %get3A_246, %mul3A_248 : vector<16xi32>
      %get3A_250 = arith.index_cast %add3A_244 : i32 to index
      %get3A_251 = tpu.vector_load %arg8[%get3A_250] {strides = array<i32>} : memref<3328xi32, #tpu.memory_space<vmem>>, vector<16xi32>,
      %add3A_252 = arith.addi %mul3A_249, %get3A_251 : vector<16xi32>
      %gather3A_253 = tpu.vector_load_idx %arg6[%add3A_252] : memref<800xf32, #tpu.memory_space<vmem>>[vector<16xi32>], vector<16xf32>,
      %mul3A_254 = arith.constant 256 : i32
      %mul3A_255 = arith.muli %and3A_46, %mul3A_254 : i32
      %add3A_256 = arith.constant 160 : i32
      %add3A_257 = arith.addi %mul3A_255, %add3A_256 : i32
      %swap3A_258 = arith.index_cast %add3A_257 : i32 to index
      %swap3A_259 = tpu.vector_load %arg9[%swap3A_258] {strides = array<i32>} : memref<512xf32, #tpu.memory_space<vmem>>, vector<16xf32>,
      tpu.vector_store %arg9[%swap3A_258], %gather3A_253 {strides = array<i32>} : memref<512xf32, #tpu.memory_space<vmem>>, vector<16xf32>,
      %mul3A_260 = arith.constant 256 : i32
      %mul3A_261 = arith.muli %while3A_45, %mul3A_260 : i32
      %add3A_262 = arith.constant 176 : i32
      %add3A_263 = arith.addi %mul3A_261, %add3A_262 : i32
      %get3A_264 = arith.index_cast %add3A_263 : i32 to index
      %get3A_265 = tpu.vector_load %arg7[%get3A_264] {strides = array<i32>} : memref<3328xi32, #tpu.memory_space<vmem>>, vector<16xi32>,
      %mul3A_266 = arith.constant 8 : i32
      %mul3A_267 = vector.broadcast %mul3A_266 : i32 to vector<16xi32>
      %mul3A_268 = arith.muli %get3A_265, %mul3A_267 : vector<16xi32>
      %get3A_269 = arith.index_cast %add3A_263 : i32 to index
      %get3A_270 = tpu.vector_load %arg8[%get3A_269] {strides = array<i32>} : memref<3328xi32, #tpu.memory_space<vmem>>, vector<16xi32>,
      %add3A_271 = arith.addi %mul3A_268, %get3A_270 : vector<16xi32>
      %gather3A_272 = tpu.vector_load_idx %arg6[%add3A_271] : memref<800xf32, #tpu.memory_space<vmem>>[vector<16xi32>], vector<16xf32>,
      %mul3A_273 = arith.constant 256 : i32
      %mul3A_274 = arith.muli %and3A_46, %mul3A_273 : i32
      %add3A_275 = arith.constant 176 : i32
      %add3A_276 = arith.addi %mul3A_274, %add3A_275 : i32
      %swap3A_277 = arith.index_cast %add3A_276 : i32 to index
      %swap3A_278 = tpu.vector_load %arg9[%swap3A_277] {strides = array<i32>} : memref<512xf32, #tpu.memory_space<vmem>>, vector<16xf32>,
      tpu.vector_store %arg9[%swap3A_277], %gather3A_272 {strides = array<i32>} : memref<512xf32, #tpu.memory_space<vmem>>, vector<16xf32>,
      %mul3A_279 = arith.constant 256 : i32
      %mul3A_280 = arith.muli %while3A_45, %mul3A_279 : i32
      %add3A_281 = arith.constant 192 : i32
      %add3A_282 = arith.addi %mul3A_280, %add3A_281 : i32
      %get3A_283 = arith.index_cast %add3A_282 : i32 to index
      %get3A_284 = tpu.vector_load %arg7[%get3A_283] {strides = array<i32>} : memref<3328xi32, #tpu.memory_space<vmem>>, vector<16xi32>,
      %mul3A_285 = arith.constant 8 : i32
      %mul3A_286 = vector.broadcast %mul3A_285 : i32 to vector<16xi32>
      %mul3A_287 = arith.muli %get3A_284, %mul3A_286 : vector<16xi32>
      %get3A_288 = arith.index_cast %add3A_282 : i32 to index
      %get3A_289 = tpu.vector_load %arg8[%get3A_288] {strides = array<i32>} : memref<3328xi32, #tpu.memory_space<vmem>>, vector<16xi32>,
      %add3A_290 = arith.addi %mul3A_287, %get3A_289 : vector<16xi32>
      %gather3A_291 = tpu.vector_load_idx %arg6[%add3A_290] : memref<800xf32, #tpu.memory_space<vmem>>[vector<16xi32>], vector<16xf32>,
      %mul3A_292 = arith.constant 256 : i32
      %mul3A_293 = arith.muli %and3A_46, %mul3A_292 : i32
      %add3A_294 = arith.constant 192 : i32
      %add3A_295 = arith.addi %mul3A_293, %add3A_294 : i32
      %swap3A_296 = arith.index_cast %add3A_295 : i32 to index
      %swap3A_297 = tpu.vector_load %arg9[%swap3A_296] {strides = array<i32>} : memref<512xf32, #tpu.memory_space<vmem>>, vector<16xf32>,
      tpu.vector_store %arg9[%swap3A_296], %gather3A_291 {strides = array<i32>} : memref<512xf32, #tpu.memory_space<vmem>>, vector<16xf32>,
      %mul3A_298 = arith.constant 256 : i32
      %mul3A_299 = arith.muli %while3A_45, %mul3A_298 : i32
      %add3A_300 = arith.constant 208 : i32
      %add3A_301 = arith.addi %mul3A_299, %add3A_300 : i32
      %get3A_302 = arith.index_cast %add3A_301 : i32 to index
      %get3A_303 = tpu.vector_load %arg7[%get3A_302] {strides = array<i32>} : memref<3328xi32, #tpu.memory_space<vmem>>, vector<16xi32>,
      %mul3A_304 = arith.constant 8 : i32
      %mul3A_305 = vector.broadcast %mul3A_304 : i32 to vector<16xi32>
      %mul3A_306 = arith.muli %get3A_303, %mul3A_305 : vector<16xi32>
      %get3A_307 = arith.index_cast %add3A_301 : i32 to index
      %get3A_308 = tpu.vector_load %arg8[%get3A_307] {strides = array<i32>} : memref<3328xi32, #tpu.memory_space<vmem>>, vector<16xi32>,
      %add3A_309 = arith.addi %mul3A_306, %get3A_308 : vector<16xi32>
      %gather3A_310 = tpu.vector_load_idx %arg6[%add3A_309] : memref<800xf32, #tpu.memory_space<vmem>>[vector<16xi32>], vector<16xf32>,
      %mul3A_311 = arith.constant 256 : i32
      %mul3A_312 = arith.muli %and3A_46, %mul3A_311 : i32
      %add3A_313 = arith.constant 208 : i32
      %add3A_314 = arith.addi %mul3A_312, %add3A_313 : i32
      %swap3A_315 = arith.index_cast %add3A_314 : i32 to index
      %swap3A_316 = tpu.vector_load %arg9[%swap3A_315] {strides = array<i32>} : memref<512xf32, #tpu.memory_space<vmem>>, vector<16xf32>,
      tpu.vector_store %arg9[%swap3A_315], %gather3A_310 {strides = array<i32>} : memref<512xf32, #tpu.memory_space<vmem>>, vector<16xf32>,
      %mul3A_317 = arith.constant 256 : i32
      %mul3A_318 = arith.muli %while3A_45, %mul3A_317 : i32
      %add3A_319 = arith.constant 224 : i32
      %add3A_320 = arith.addi %mul3A_318, %add3A_319 : i32
      %get3A_321 = arith.index_cast %add3A_320 : i32 to index
      %get3A_322 = tpu.vector_load %arg7[%get3A_321] {strides = array<i32>} : memref<3328xi32, #tpu.memory_space<vmem>>, vector<16xi32>,
      %mul3A_323 = arith.constant 8 : i32
      %mul3A_324 = vector.broadcast %mul3A_323 : i32 to vector<16xi32>
      %mul3A_325 = arith.muli %get3A_322, %mul3A_324 : vector<16xi32>
      %get3A_326 = arith.index_cast %add3A_320 : i32 to index
      %get3A_327 = tpu.vector_load %arg8[%get3A_326] {strides = array<i32>} : memref<3328xi32, #tpu.memory_space<vmem>>, vector<16xi32>,
      %add3A_328 = arith.addi %mul3A_325, %get3A_327 : vector<16xi32>
      %gather3A_329 = tpu.vector_load_idx %arg6[%add3A_328] : memref<800xf32, #tpu.memory_space<vmem>>[vector<16xi32>], vector<16xf32>,
      %mul3A_330 = arith.constant 256 : i32
      %mul3A_331 = arith.muli %and3A_46, %mul3A_330 : i32
      %add3A_332 = arith.constant 224 : i32
      %add3A_333 = arith.addi %mul3A_331, %add3A_332 : i32
      %swap3A_334 = arith.index_cast %add3A_333 : i32 to index
      %swap3A_335 = tpu.vector_load %arg9[%swap3A_334] {strides = array<i32>} : memref<512xf32, #tpu.memory_space<vmem>>, vector<16xf32>,
      tpu.vector_store %arg9[%swap3A_334], %gather3A_329 {strides = array<i32>} : memref<512xf32, #tpu.memory_space<vmem>>, vector<16xf32>,
      %mul3A_336 = arith.constant 256 : i32
      %mul3A_337 = arith.muli %while3A_45, %mul3A_336 : i32
      %add3A_338 = arith.constant 240 : i32
      %add3A_339 = arith.addi %mul3A_337, %add3A_338 : i32
      %get3A_340 = arith.index_cast %add3A_339 : i32 to index
      %get3A_341 = tpu.vector_load %arg7[%get3A_340] {strides = array<i32>} : memref<3328xi32, #tpu.memory_space<vmem>>, vector<16xi32>,
      %mul3A_342 = arith.constant 8 : i32
      %mul3A_343 = vector.broadcast %mul3A_342 : i32 to vector<16xi32>
      %mul3A_344 = arith.muli %get3A_341, %mul3A_343 : vector<16xi32>
      %get3A_345 = arith.index_cast %add3A_339 : i32 to index
      %get3A_346 = tpu.vector_load %arg8[%get3A_345] {strides = array<i32>} : memref<3328xi32, #tpu.memory_space<vmem>>, vector<16xi32>,
      %add3A_347 = arith.addi %mul3A_344, %get3A_346 : vector<16xi32>
      %gather3A_348 = tpu.vector_load_idx %arg6[%add3A_347] : memref<800xf32, #tpu.memory_space<vmem>>[vector<16xi32>], vector<16xf32>,
      %mul3A_349 = arith.constant 256 : i32
      %mul3A_350 = arith.muli %and3A_46, %mul3A_349 : i32
      %add3A_351 = arith.constant 240 : i32
      %add3A_352 = arith.addi %mul3A_350, %add3A_351 : i32
      %swap3A_353 = arith.index_cast %add3A_352 : i32 to index
      %swap3A_354 = tpu.vector_load %arg9[%swap3A_353] {strides = array<i32>} : memref<512xf32, #tpu.memory_space<vmem>>, vector<16xf32>,
      tpu.vector_store %arg9[%swap3A_353], %gather3A_348 {strides = array<i32>} : memref<512xf32, #tpu.memory_space<vmem>>, vector<16xf32>,
      %mul3A_355 = arith.constant 256 : i32
      %mul3A_356 = arith.muli %and3A_46, %mul3A_355 : i32
      %dma_start3A = tpu.memref_slice %arg9[%mul3A_356] : memref<512xf32, #tpu.memory_space<vmem>> -> memref<256xf32, #tpu.memory_space<vmem>>
      %dma_start3A_357 = tpu.memref_slice %arg5[%mul3A_49] : memref<100000xf32, #tpu.memory_space<hbm>> -> memref<256xf32, #tpu.memory_space<hbm>>
      %dma_start3A_358 = tpu.memref_slice %arg5[%mul3A_49] : memref<100000xf32, #tpu.memory_space<hbm>> -> memref<256xf32, #tpu.memory_space<hbm>>
      %dma_start3A_359 = tpu.memref_slice %arg9[%mul3A_356] : memref<512xf32, #tpu.memory_space<vmem>> -> memref<256xf32, #tpu.memory_space<vmem>>
      tpu.enqueue_dma source(%dma_start3A_359 : memref<256xf32, #tpu.memory_space<vmem>>) target(%dma_start3A_358 : memref<256xf32, #tpu.memory_space<hbm>>) target_semaphore(%arg14 : memref<!tpu.dma_semaphore, #tpu.memory_space<semaphore_mem>>)
    }
    %while3A_24 = arith.constant 1 : i32
    scf.for %while3A_45 = %while3A_22 to %while3A_18 step %while3A_24  : i32 {
      %and3A = arith.constant 1 : i32
      %and3A_46 = arith.andi %while3A_45, %and3A : i32
      %add3A_47 = arith.addi %add3A_4, %while3A_45 : i32
      %mul3A_48 = arith.constant 256 : i32
      %mul3A_49 = arith.muli %add3A_47, %mul3A_48 : i32
      %gt3A = arith.constant 1 : i32
      %gt3A_50 = arith.cmpi sgt, %while3A_45, %gt3A : i32
      %convert_element_type3A_51 = arith.extui %gt3A_50 : i1 to i32
      %cond3A_52 = arith.constant 0 : i32
      %cond3A_53 = arith.cmpi ne, %convert_element_type3A_51, %cond3A_52 : i32
      scf.if %cond3A_53 {
        %dma_wait3A_360 = arith.constant 0 : i32
        %dma_wait3A_361 = tpu.memref_slice %arg9[%dma_wait3A_360] : memref<512xf32, #tpu.memory_space<vmem>> -> memref<256xf32, #tpu.memory_space<vmem>>
        %dma_wait3A_362 = arith.constant 0 : i32
        %dma_wait3A_363 = tpu.memref_slice %arg5[%dma_wait3A_362] : memref<100000xf32, #tpu.memory_space<hbm>> -> memref<256xf32, #tpu.memory_space<hbm>>
        %dma_wait3A_364 = arith.constant 0 : i32
        %dma_wait3A_365 = tpu.memref_slice %arg5[%dma_wait3A_364] : memref<100000xf32, #tpu.memory_space<hbm>> -> memref<256xf32, #tpu.memory_space<hbm>>
        %dma_wait3A_366 = arith.constant 0 : i32
        %dma_wait3A_367 = tpu.memref_slice %arg9[%dma_wait3A_366] : memref<512xf32, #tpu.memory_space<vmem>> -> memref<256xf32, #tpu.memory_space<vmem>>
        tpu.wait_dma2 semaphore(%arg14 : memref<!tpu.dma_semaphore, #tpu.memory_space<semaphore_mem>>) src(%dma_wait3A_367 : memref<256xf32, #tpu.memory_space<vmem>>) dst(%dma_wait3A_365 : memref<256xf32, #tpu.memory_space<hbm>>)
      } else {
      }
      %mul3A_54 = arith.constant 256 : i32
      %mul3A_55 = arith.muli %while3A_45, %mul3A_54 : i32
      %add3A_56 = arith.constant 0 : i32
      %add3A_57 = arith.addi %mul3A_55, %add3A_56 : i32
      %get3A = arith.index_cast %add3A_57 : i32 to index
      %get3A_58 = tpu.vector_load %arg7[%get3A] {strides = array<i32>} : memref<3328xi32, #tpu.memory_space<vmem>>, vector<16xi32>,
      %mul3A_59 = arith.constant 8 : i32
      %mul3A_60 = vector.broadcast %mul3A_59 : i32 to vector<16xi32>
      %mul3A_61 = arith.muli %get3A_58, %mul3A_60 : vector<16xi32>
      %get3A_62 = arith.index_cast %add3A_57 : i32 to index
      %get3A_63 = tpu.vector_load %arg8[%get3A_62] {strides = array<i32>} : memref<3328xi32, #tpu.memory_space<vmem>>, vector<16xi32>,
      %add3A_64 = arith.addi %mul3A_61, %get3A_63 : vector<16xi32>
      %gather3A = tpu.vector_load_idx %arg6[%add3A_64] : memref<800xf32, #tpu.memory_space<vmem>>[vector<16xi32>], vector<16xf32>,
      %mul3A_65 = arith.constant 256 : i32
      %mul3A_66 = arith.muli %and3A_46, %mul3A_65 : i32
      %add3A_67 = arith.constant 0 : i32
      %add3A_68 = arith.addi %mul3A_66, %add3A_67 : i32
      %swap3A = arith.index_cast %add3A_68 : i32 to index
      %swap3A_69 = tpu.vector_load %arg9[%swap3A] {strides = array<i32>} : memref<512xf32, #tpu.memory_space<vmem>>, vector<16xf32>,
      tpu.vector_store %arg9[%swap3A], %gather3A {strides = array<i32>} : memref<512xf32, #tpu.memory_space<vmem>>, vector<16xf32>,
      %mul3A_70 = arith.constant 256 : i32
      %mul3A_71 = arith.muli %while3A_45, %mul3A_70 : i32
      %add3A_72 = arith.constant 16 : i32
      %add3A_73 = arith.addi %mul3A_71, %add3A_72 : i32
      %get3A_74 = arith.index_cast %add3A_73 : i32 to index
      %get3A_75 = tpu.vector_load %arg7[%get3A_74] {strides = array<i32>} : memref<3328xi32, #tpu.memory_space<vmem>>, vector<16xi32>,
      %mul3A_76 = arith.constant 8 : i32
      %mul3A_77 = vector.broadcast %mul3A_76 : i32 to vector<16xi32>
      %mul3A_78 = arith.muli %get3A_75, %mul3A_77 : vector<16xi32>
      %get3A_79 = arith.index_cast %add3A_73 : i32 to index
      %get3A_80 = tpu.vector_load %arg8[%get3A_79] {strides = array<i32>} : memref<3328xi32, #tpu.memory_space<vmem>>, vector<16xi32>,
      %add3A_81 = arith.addi %mul3A_78, %get3A_80 : vector<16xi32>
      %gather3A_82 = tpu.vector_load_idx %arg6[%add3A_81] : memref<800xf32, #tpu.memory_space<vmem>>[vector<16xi32>], vector<16xf32>,
      %mul3A_83 = arith.constant 256 : i32
      %mul3A_84 = arith.muli %and3A_46, %mul3A_83 : i32
      %add3A_85 = arith.constant 16 : i32
      %add3A_86 = arith.addi %mul3A_84, %add3A_85 : i32
      %swap3A_87 = arith.index_cast %add3A_86 : i32 to index
      %swap3A_88 = tpu.vector_load %arg9[%swap3A_87] {strides = array<i32>} : memref<512xf32, #tpu.memory_space<vmem>>, vector<16xf32>,
      tpu.vector_store %arg9[%swap3A_87], %gather3A_82 {strides = array<i32>} : memref<512xf32, #tpu.memory_space<vmem>>, vector<16xf32>,
      %mul3A_89 = arith.constant 256 : i32
      %mul3A_90 = arith.muli %while3A_45, %mul3A_89 : i32
      %add3A_91 = arith.constant 32 : i32
      %add3A_92 = arith.addi %mul3A_90, %add3A_91 : i32
      %get3A_93 = arith.index_cast %add3A_92 : i32 to index
      %get3A_94 = tpu.vector_load %arg7[%get3A_93] {strides = array<i32>} : memref<3328xi32, #tpu.memory_space<vmem>>, vector<16xi32>,
      %mul3A_95 = arith.constant 8 : i32
      %mul3A_96 = vector.broadcast %mul3A_95 : i32 to vector<16xi32>
      %mul3A_97 = arith.muli %get3A_94, %mul3A_96 : vector<16xi32>
      %get3A_98 = arith.index_cast %add3A_92 : i32 to index
      %get3A_99 = tpu.vector_load %arg8[%get3A_98] {strides = array<i32>} : memref<3328xi32, #tpu.memory_space<vmem>>, vector<16xi32>,
      %add3A_100 = arith.addi %mul3A_97, %get3A_99 : vector<16xi32>
      %gather3A_101 = tpu.vector_load_idx %arg6[%add3A_100] : memref<800xf32, #tpu.memory_space<vmem>>[vector<16xi32>], vector<16xf32>,
      %mul3A_102 = arith.constant 256 : i32
      %mul3A_103 = arith.muli %and3A_46, %mul3A_102 : i32
      %add3A_104 = arith.constant 32 : i32
      %add3A_105 = arith.addi %mul3A_103, %add3A_104 : i32
      %swap3A_106 = arith.index_cast %add3A_105 : i32 to index
      %swap3A_107 = tpu.vector_load %arg9[%swap3A_106] {strides = array<i32>} : memref<512xf32, #tpu.memory_space<vmem>>, vector<16xf32>,
      tpu.vector_store %arg9[%swap3A_106], %gather3A_101 {strides = array<i32>} : memref<512xf32, #tpu.memory_space<vmem>>, vector<16xf32>,
      %mul3A_108 = arith.constant 256 : i32
      %mul3A_109 = arith.muli %while3A_45, %mul3A_108 : i32
      %add3A_110 = arith.constant 48 : i32
      %add3A_111 = arith.addi %mul3A_109, %add3A_110 : i32
      %get3A_112 = arith.index_cast %add3A_111 : i32 to index
      %get3A_113 = tpu.vector_load %arg7[%get3A_112] {strides = array<i32>} : memref<3328xi32, #tpu.memory_space<vmem>>, vector<16xi32>,
      %mul3A_114 = arith.constant 8 : i32
      %mul3A_115 = vector.broadcast %mul3A_114 : i32 to vector<16xi32>
      %mul3A_116 = arith.muli %get3A_113, %mul3A_115 : vector<16xi32>
      %get3A_117 = arith.index_cast %add3A_111 : i32 to index
      %get3A_118 = tpu.vector_load %arg8[%get3A_117] {strides = array<i32>} : memref<3328xi32, #tpu.memory_space<vmem>>, vector<16xi32>,
      %add3A_119 = arith.addi %mul3A_116, %get3A_118 : vector<16xi32>
      %gather3A_120 = tpu.vector_load_idx %arg6[%add3A_119] : memref<800xf32, #tpu.memory_space<vmem>>[vector<16xi32>], vector<16xf32>,
      %mul3A_121 = arith.constant 256 : i32
      %mul3A_122 = arith.muli %and3A_46, %mul3A_121 : i32
      %add3A_123 = arith.constant 48 : i32
      %add3A_124 = arith.addi %mul3A_122, %add3A_123 : i32
      %swap3A_125 = arith.index_cast %add3A_124 : i32 to index
      %swap3A_126 = tpu.vector_load %arg9[%swap3A_125] {strides = array<i32>} : memref<512xf32, #tpu.memory_space<vmem>>, vector<16xf32>,
      tpu.vector_store %arg9[%swap3A_125], %gather3A_120 {strides = array<i32>} : memref<512xf32, #tpu.memory_space<vmem>>, vector<16xf32>,
      %mul3A_127 = arith.constant 256 : i32
      %mul3A_128 = arith.muli %while3A_45, %mul3A_127 : i32
      %add3A_129 = arith.constant 64 : i32
      %add3A_130 = arith.addi %mul3A_128, %add3A_129 : i32
      %get3A_131 = arith.index_cast %add3A_130 : i32 to index
      %get3A_132 = tpu.vector_load %arg7[%get3A_131] {strides = array<i32>} : memref<3328xi32, #tpu.memory_space<vmem>>, vector<16xi32>,
      %mul3A_133 = arith.constant 8 : i32
      %mul3A_134 = vector.broadcast %mul3A_133 : i32 to vector<16xi32>
      %mul3A_135 = arith.muli %get3A_132, %mul3A_134 : vector<16xi32>
      %get3A_136 = arith.index_cast %add3A_130 : i32 to index
      %get3A_137 = tpu.vector_load %arg8[%get3A_136] {strides = array<i32>} : memref<3328xi32, #tpu.memory_space<vmem>>, vector<16xi32>,
      %add3A_138 = arith.addi %mul3A_135, %get3A_137 : vector<16xi32>
      %gather3A_139 = tpu.vector_load_idx %arg6[%add3A_138] : memref<800xf32, #tpu.memory_space<vmem>>[vector<16xi32>], vector<16xf32>,
      %mul3A_140 = arith.constant 256 : i32
      %mul3A_141 = arith.muli %and3A_46, %mul3A_140 : i32
      %add3A_142 = arith.constant 64 : i32
      %add3A_143 = arith.addi %mul3A_141, %add3A_142 : i32
      %swap3A_144 = arith.index_cast %add3A_143 : i32 to index
      %swap3A_145 = tpu.vector_load %arg9[%swap3A_144] {strides = array<i32>} : memref<512xf32, #tpu.memory_space<vmem>>, vector<16xf32>,
      tpu.vector_store %arg9[%swap3A_144], %gather3A_139 {strides = array<i32>} : memref<512xf32, #tpu.memory_space<vmem>>, vector<16xf32>,
      %mul3A_146 = arith.constant 256 : i32
      %mul3A_147 = arith.muli %while3A_45, %mul3A_146 : i32
      %add3A_148 = arith.constant 80 : i32
      %add3A_149 = arith.addi %mul3A_147, %add3A_148 : i32
      %get3A_150 = arith.index_cast %add3A_149 : i32 to index
      %get3A_151 = tpu.vector_load %arg7[%get3A_150] {strides = array<i32>} : memref<3328xi32, #tpu.memory_space<vmem>>, vector<16xi32>,
      %mul3A_152 = arith.constant 8 : i32
      %mul3A_153 = vector.broadcast %mul3A_152 : i32 to vector<16xi32>
      %mul3A_154 = arith.muli %get3A_151, %mul3A_153 : vector<16xi32>
      %get3A_155 = arith.index_cast %add3A_149 : i32 to index
      %get3A_156 = tpu.vector_load %arg8[%get3A_155] {strides = array<i32>} : memref<3328xi32, #tpu.memory_space<vmem>>, vector<16xi32>,
      %add3A_157 = arith.addi %mul3A_154, %get3A_156 : vector<16xi32>
      %gather3A_158 = tpu.vector_load_idx %arg6[%add3A_157] : memref<800xf32, #tpu.memory_space<vmem>>[vector<16xi32>], vector<16xf32>,
      %mul3A_159 = arith.constant 256 : i32
      %mul3A_160 = arith.muli %and3A_46, %mul3A_159 : i32
      %add3A_161 = arith.constant 80 : i32
      %add3A_162 = arith.addi %mul3A_160, %add3A_161 : i32
      %swap3A_163 = arith.index_cast %add3A_162 : i32 to index
      %swap3A_164 = tpu.vector_load %arg9[%swap3A_163] {strides = array<i32>} : memref<512xf32, #tpu.memory_space<vmem>>, vector<16xf32>,
      tpu.vector_store %arg9[%swap3A_163], %gather3A_158 {strides = array<i32>} : memref<512xf32, #tpu.memory_space<vmem>>, vector<16xf32>,
      %mul3A_165 = arith.constant 256 : i32
      %mul3A_166 = arith.muli %while3A_45, %mul3A_165 : i32
      %add3A_167 = arith.constant 96 : i32
      %add3A_168 = arith.addi %mul3A_166, %add3A_167 : i32
      %get3A_169 = arith.index_cast %add3A_168 : i32 to index
      %get3A_170 = tpu.vector_load %arg7[%get3A_169] {strides = array<i32>} : memref<3328xi32, #tpu.memory_space<vmem>>, vector<16xi32>,
      %mul3A_171 = arith.constant 8 : i32
      %mul3A_172 = vector.broadcast %mul3A_171 : i32 to vector<16xi32>
      %mul3A_173 = arith.muli %get3A_170, %mul3A_172 : vector<16xi32>
      %get3A_174 = arith.index_cast %add3A_168 : i32 to index
      %get3A_175 = tpu.vector_load %arg8[%get3A_174] {strides = array<i32>} : memref<3328xi32, #tpu.memory_space<vmem>>, vector<16xi32>,
      %add3A_176 = arith.addi %mul3A_173, %get3A_175 : vector<16xi32>
      %gather3A_177 = tpu.vector_load_idx %arg6[%add3A_176] : memref<800xf32, #tpu.memory_space<vmem>>[vector<16xi32>], vector<16xf32>,
      %mul3A_178 = arith.constant 256 : i32
      %mul3A_179 = arith.muli %and3A_46, %mul3A_178 : i32
      %add3A_180 = arith.constant 96 : i32
      %add3A_181 = arith.addi %mul3A_179, %add3A_180 : i32
      %swap3A_182 = arith.index_cast %add3A_181 : i32 to index
      %swap3A_183 = tpu.vector_load %arg9[%swap3A_182] {strides = array<i32>} : memref<512xf32, #tpu.memory_space<vmem>>, vector<16xf32>,
      tpu.vector_store %arg9[%swap3A_182], %gather3A_177 {strides = array<i32>} : memref<512xf32, #tpu.memory_space<vmem>>, vector<16xf32>,
      %mul3A_184 = arith.constant 256 : i32
      %mul3A_185 = arith.muli %while3A_45, %mul3A_184 : i32
      %add3A_186 = arith.constant 112 : i32
      %add3A_187 = arith.addi %mul3A_185, %add3A_186 : i32
      %get3A_188 = arith.index_cast %add3A_187 : i32 to index
      %get3A_189 = tpu.vector_load %arg7[%get3A_188] {strides = array<i32>} : memref<3328xi32, #tpu.memory_space<vmem>>, vector<16xi32>,
      %mul3A_190 = arith.constant 8 : i32
      %mul3A_191 = vector.broadcast %mul3A_190 : i32 to vector<16xi32>
      %mul3A_192 = arith.muli %get3A_189, %mul3A_191 : vector<16xi32>
      %get3A_193 = arith.index_cast %add3A_187 : i32 to index
      %get3A_194 = tpu.vector_load %arg8[%get3A_193] {strides = array<i32>} : memref<3328xi32, #tpu.memory_space<vmem>>, vector<16xi32>,
      %add3A_195 = arith.addi %mul3A_192, %get3A_194 : vector<16xi32>
      %gather3A_196 = tpu.vector_load_idx %arg6[%add3A_195] : memref<800xf32, #tpu.memory_space<vmem>>[vector<16xi32>], vector<16xf32>,
      %mul3A_197 = arith.constant 256 : i32
      %mul3A_198 = arith.muli %and3A_46, %mul3A_197 : i32
      %add3A_199 = arith.constant 112 : i32
      %add3A_200 = arith.addi %mul3A_198, %add3A_199 : i32
      %swap3A_201 = arith.index_cast %add3A_200 : i32 to index
      %swap3A_202 = tpu.vector_load %arg9[%swap3A_201] {strides = array<i32>} : memref<512xf32, #tpu.memory_space<vmem>>, vector<16xf32>,
      tpu.vector_store %arg9[%swap3A_201], %gather3A_196 {strides = array<i32>} : memref<512xf32, #tpu.memory_space<vmem>>, vector<16xf32>,
      %mul3A_203 = arith.constant 256 : i32
      %mul3A_204 = arith.muli %while3A_45, %mul3A_203 : i32
      %add3A_205 = arith.constant 128 : i32
      %add3A_206 = arith.addi %mul3A_204, %add3A_205 : i32
      %get3A_207 = arith.index_cast %add3A_206 : i32 to index
      %get3A_208 = tpu.vector_load %arg7[%get3A_207] {strides = array<i32>} : memref<3328xi32, #tpu.memory_space<vmem>>, vector<16xi32>,
      %mul3A_209 = arith.constant 8 : i32
      %mul3A_210 = vector.broadcast %mul3A_209 : i32 to vector<16xi32>
      %mul3A_211 = arith.muli %get3A_208, %mul3A_210 : vector<16xi32>
      %get3A_212 = arith.index_cast %add3A_206 : i32 to index
      %get3A_213 = tpu.vector_load %arg8[%get3A_212] {strides = array<i32>} : memref<3328xi32, #tpu.memory_space<vmem>>, vector<16xi32>,
      %add3A_214 = arith.addi %mul3A_211, %get3A_213 : vector<16xi32>
      %gather3A_215 = tpu.vector_load_idx %arg6[%add3A_214] : memref<800xf32, #tpu.memory_space<vmem>>[vector<16xi32>], vector<16xf32>,
      %mul3A_216 = arith.constant 256 : i32
      %mul3A_217 = arith.muli %and3A_46, %mul3A_216 : i32
      %add3A_218 = arith.constant 128 : i32
      %add3A_219 = arith.addi %mul3A_217, %add3A_218 : i32
      %swap3A_220 = arith.index_cast %add3A_219 : i32 to index
      %swap3A_221 = tpu.vector_load %arg9[%swap3A_220] {strides = array<i32>} : memref<512xf32, #tpu.memory_space<vmem>>, vector<16xf32>,
      tpu.vector_store %arg9[%swap3A_220], %gather3A_215 {strides = array<i32>} : memref<512xf32, #tpu.memory_space<vmem>>, vector<16xf32>,
      %mul3A_222 = arith.constant 256 : i32
      %mul3A_223 = arith.muli %while3A_45, %mul3A_222 : i32
      %add3A_224 = arith.constant 144 : i32
      %add3A_225 = arith.addi %mul3A_223, %add3A_224 : i32
      %get3A_226 = arith.index_cast %add3A_225 : i32 to index
      %get3A_227 = tpu.vector_load %arg7[%get3A_226] {strides = array<i32>} : memref<3328xi32, #tpu.memory_space<vmem>>, vector<16xi32>,
      %mul3A_228 = arith.constant 8 : i32
      %mul3A_229 = vector.broadcast %mul3A_228 : i32 to vector<16xi32>
      %mul3A_230 = arith.muli %get3A_227, %mul3A_229 : vector<16xi32>
      %get3A_231 = arith.index_cast %add3A_225 : i32 to index
      %get3A_232 = tpu.vector_load %arg8[%get3A_231] {strides = array<i32>} : memref<3328xi32, #tpu.memory_space<vmem>>, vector<16xi32>,
      %add3A_233 = arith.addi %mul3A_230, %get3A_232 : vector<16xi32>
      %gather3A_234 = tpu.vector_load_idx %arg6[%add3A_233] : memref<800xf32, #tpu.memory_space<vmem>>[vector<16xi32>], vector<16xf32>,
      %mul3A_235 = arith.constant 256 : i32
      %mul3A_236 = arith.muli %and3A_46, %mul3A_235 : i32
      %add3A_237 = arith.constant 144 : i32
      %add3A_238 = arith.addi %mul3A_236, %add3A_237 : i32
      %swap3A_239 = arith.index_cast %add3A_238 : i32 to index
      %swap3A_240 = tpu.vector_load %arg9[%swap3A_239] {strides = array<i32>} : memref<512xf32, #tpu.memory_space<vmem>>, vector<16xf32>,
      tpu.vector_store %arg9[%swap3A_239], %gather3A_234 {strides = array<i32>} : memref<512xf32, #tpu.memory_space<vmem>>, vector<16xf32>,
      %mul3A_241 = arith.constant 256 : i32
      %mul3A_242 = arith.muli %while3A_45, %mul3A_241 : i32
      %add3A_243 = arith.constant 160 : i32
      %add3A_244 = arith.addi %mul3A_242, %add3A_243 : i32
      %get3A_245 = arith.index_cast %add3A_244 : i32 to index
      %get3A_246 = tpu.vector_load %arg7[%get3A_245] {strides = array<i32>} : memref<3328xi32, #tpu.memory_space<vmem>>, vector<16xi32>,
      %mul3A_247 = arith.constant 8 : i32
      %mul3A_248 = vector.broadcast %mul3A_247 : i32 to vector<16xi32>
      %mul3A_249 = arith.muli %get3A_246, %mul3A_248 : vector<16xi32>
      %get3A_250 = arith.index_cast %add3A_244 : i32 to index
      %get3A_251 = tpu.vector_load %arg8[%get3A_250] {strides = array<i32>} : memref<3328xi32, #tpu.memory_space<vmem>>, vector<16xi32>,
      %add3A_252 = arith.addi %mul3A_249, %get3A_251 : vector<16xi32>
      %gather3A_253 = tpu.vector_load_idx %arg6[%add3A_252] : memref<800xf32, #tpu.memory_space<vmem>>[vector<16xi32>], vector<16xf32>,
      %mul3A_254 = arith.constant 256 : i32
      %mul3A_255 = arith.muli %and3A_46, %mul3A_254 : i32
      %add3A_256 = arith.constant 160 : i32
      %add3A_257 = arith.addi %mul3A_255, %add3A_256 : i32
      %swap3A_258 = arith.index_cast %add3A_257 : i32 to index
      %swap3A_259 = tpu.vector_load %arg9[%swap3A_258] {strides = array<i32>} : memref<512xf32, #tpu.memory_space<vmem>>, vector<16xf32>,
      tpu.vector_store %arg9[%swap3A_258], %gather3A_253 {strides = array<i32>} : memref<512xf32, #tpu.memory_space<vmem>>, vector<16xf32>,
      %mul3A_260 = arith.constant 256 : i32
      %mul3A_261 = arith.muli %while3A_45, %mul3A_260 : i32
      %add3A_262 = arith.constant 176 : i32
      %add3A_263 = arith.addi %mul3A_261, %add3A_262 : i32
      %get3A_264 = arith.index_cast %add3A_263 : i32 to index
      %get3A_265 = tpu.vector_load %arg7[%get3A_264] {strides = array<i32>} : memref<3328xi32, #tpu.memory_space<vmem>>, vector<16xi32>,
      %mul3A_266 = arith.constant 8 : i32
      %mul3A_267 = vector.broadcast %mul3A_266 : i32 to vector<16xi32>
      %mul3A_268 = arith.muli %get3A_265, %mul3A_267 : vector<16xi32>
      %get3A_269 = arith.index_cast %add3A_263 : i32 to index
      %get3A_270 = tpu.vector_load %arg8[%get3A_269] {strides = array<i32>} : memref<3328xi32, #tpu.memory_space<vmem>>, vector<16xi32>,
      %add3A_271 = arith.addi %mul3A_268, %get3A_270 : vector<16xi32>
      %gather3A_272 = tpu.vector_load_idx %arg6[%add3A_271] : memref<800xf32, #tpu.memory_space<vmem>>[vector<16xi32>], vector<16xf32>,
      %mul3A_273 = arith.constant 256 : i32
      %mul3A_274 = arith.muli %and3A_46, %mul3A_273 : i32
      %add3A_275 = arith.constant 176 : i32
      %add3A_276 = arith.addi %mul3A_274, %add3A_275 : i32
      %swap3A_277 = arith.index_cast %add3A_276 : i32 to index
      %swap3A_278 = tpu.vector_load %arg9[%swap3A_277] {strides = array<i32>} : memref<512xf32, #tpu.memory_space<vmem>>, vector<16xf32>,
      tpu.vector_store %arg9[%swap3A_277], %gather3A_272 {strides = array<i32>} : memref<512xf32, #tpu.memory_space<vmem>>, vector<16xf32>,
      %mul3A_279 = arith.constant 256 : i32
      %mul3A_280 = arith.muli %while3A_45, %mul3A_279 : i32
      %add3A_281 = arith.constant 192 : i32
      %add3A_282 = arith.addi %mul3A_280, %add3A_281 : i32
      %get3A_283 = arith.index_cast %add3A_282 : i32 to index
      %get3A_284 = tpu.vector_load %arg7[%get3A_283] {strides = array<i32>} : memref<3328xi32, #tpu.memory_space<vmem>>, vector<16xi32>,
      %mul3A_285 = arith.constant 8 : i32
      %mul3A_286 = vector.broadcast %mul3A_285 : i32 to vector<16xi32>
      %mul3A_287 = arith.muli %get3A_284, %mul3A_286 : vector<16xi32>
      %get3A_288 = arith.index_cast %add3A_282 : i32 to index
      %get3A_289 = tpu.vector_load %arg8[%get3A_288] {strides = array<i32>} : memref<3328xi32, #tpu.memory_space<vmem>>, vector<16xi32>,
      %add3A_290 = arith.addi %mul3A_287, %get3A_289 : vector<16xi32>
      %gather3A_291 = tpu.vector_load_idx %arg6[%add3A_290] : memref<800xf32, #tpu.memory_space<vmem>>[vector<16xi32>], vector<16xf32>,
      %mul3A_292 = arith.constant 256 : i32
      %mul3A_293 = arith.muli %and3A_46, %mul3A_292 : i32
      %add3A_294 = arith.constant 192 : i32
      %add3A_295 = arith.addi %mul3A_293, %add3A_294 : i32
      %swap3A_296 = arith.index_cast %add3A_295 : i32 to index
      %swap3A_297 = tpu.vector_load %arg9[%swap3A_296] {strides = array<i32>} : memref<512xf32, #tpu.memory_space<vmem>>, vector<16xf32>,
      tpu.vector_store %arg9[%swap3A_296], %gather3A_291 {strides = array<i32>} : memref<512xf32, #tpu.memory_space<vmem>>, vector<16xf32>,
      %mul3A_298 = arith.constant 256 : i32
      %mul3A_299 = arith.muli %while3A_45, %mul3A_298 : i32
      %add3A_300 = arith.constant 208 : i32
      %add3A_301 = arith.addi %mul3A_299, %add3A_300 : i32
      %get3A_302 = arith.index_cast %add3A_301 : i32 to index
      %get3A_303 = tpu.vector_load %arg7[%get3A_302] {strides = array<i32>} : memref<3328xi32, #tpu.memory_space<vmem>>, vector<16xi32>,
      %mul3A_304 = arith.constant 8 : i32
      %mul3A_305 = vector.broadcast %mul3A_304 : i32 to vector<16xi32>
      %mul3A_306 = arith.muli %get3A_303, %mul3A_305 : vector<16xi32>
      %get3A_307 = arith.index_cast %add3A_301 : i32 to index
      %get3A_308 = tpu.vector_load %arg8[%get3A_307] {strides = array<i32>} : memref<3328xi32, #tpu.memory_space<vmem>>, vector<16xi32>,
      %add3A_309 = arith.addi %mul3A_306, %get3A_308 : vector<16xi32>
      %gather3A_310 = tpu.vector_load_idx %arg6[%add3A_309] : memref<800xf32, #tpu.memory_space<vmem>>[vector<16xi32>], vector<16xf32>,
      %mul3A_311 = arith.constant 256 : i32
      %mul3A_312 = arith.muli %and3A_46, %mul3A_311 : i32
      %add3A_313 = arith.constant 208 : i32
      %add3A_314 = arith.addi %mul3A_312, %add3A_313 : i32
      %swap3A_315 = arith.index_cast %add3A_314 : i32 to index
      %swap3A_316 = tpu.vector_load %arg9[%swap3A_315] {strides = array<i32>} : memref<512xf32, #tpu.memory_space<vmem>>, vector<16xf32>,
      tpu.vector_store %arg9[%swap3A_315], %gather3A_310 {strides = array<i32>} : memref<512xf32, #tpu.memory_space<vmem>>, vector<16xf32>,
      %mul3A_317 = arith.constant 256 : i32
      %mul3A_318 = arith.muli %while3A_45, %mul3A_317 : i32
      %add3A_319 = arith.constant 224 : i32
      %add3A_320 = arith.addi %mul3A_318, %add3A_319 : i32
      %get3A_321 = arith.index_cast %add3A_320 : i32 to index
      %get3A_322 = tpu.vector_load %arg7[%get3A_321] {strides = array<i32>} : memref<3328xi32, #tpu.memory_space<vmem>>, vector<16xi32>,
      %mul3A_323 = arith.constant 8 : i32
      %mul3A_324 = vector.broadcast %mul3A_323 : i32 to vector<16xi32>
      %mul3A_325 = arith.muli %get3A_322, %mul3A_324 : vector<16xi32>
      %get3A_326 = arith.index_cast %add3A_320 : i32 to index
      %get3A_327 = tpu.vector_load %arg8[%get3A_326] {strides = array<i32>} : memref<3328xi32, #tpu.memory_space<vmem>>, vector<16xi32>,
      %add3A_328 = arith.addi %mul3A_325, %get3A_327 : vector<16xi32>
      %gather3A_329 = tpu.vector_load_idx %arg6[%add3A_328] : memref<800xf32, #tpu.memory_space<vmem>>[vector<16xi32>], vector<16xf32>,
      %mul3A_330 = arith.constant 256 : i32
      %mul3A_331 = arith.muli %and3A_46, %mul3A_330 : i32
      %add3A_332 = arith.constant 224 : i32
      %add3A_333 = arith.addi %mul3A_331, %add3A_332 : i32
      %swap3A_334 = arith.index_cast %add3A_333 : i32 to index
      %swap3A_335 = tpu.vector_load %arg9[%swap3A_334] {strides = array<i32>} : memref<512xf32, #tpu.memory_space<vmem>>, vector<16xf32>,
      tpu.vector_store %arg9[%swap3A_334], %gather3A_329 {strides = array<i32>} : memref<512xf32, #tpu.memory_space<vmem>>, vector<16xf32>,
      %mul3A_336 = arith.constant 256 : i32
      %mul3A_337 = arith.muli %while3A_45, %mul3A_336 : i32
      %add3A_338 = arith.constant 240 : i32
      %add3A_339 = arith.addi %mul3A_337, %add3A_338 : i32
      %get3A_340 = arith.index_cast %add3A_339 : i32 to index
      %get3A_341 = tpu.vector_load %arg7[%get3A_340] {strides = array<i32>} : memref<3328xi32, #tpu.memory_space<vmem>>, vector<16xi32>,
      %mul3A_342 = arith.constant 8 : i32
      %mul3A_343 = vector.broadcast %mul3A_342 : i32 to vector<16xi32>
      %mul3A_344 = arith.muli %get3A_341, %mul3A_343 : vector<16xi32>
      %get3A_345 = arith.index_cast %add3A_339 : i32 to index
      %get3A_346 = tpu.vector_load %arg8[%get3A_345] {strides = array<i32>} : memref<3328xi32, #tpu.memory_space<vmem>>, vector<16xi32>,
      %add3A_347 = arith.addi %mul3A_344, %get3A_346 : vector<16xi32>
      %gather3A_348 = tpu.vector_load_idx %arg6[%add3A_347] : memref<800xf32, #tpu.memory_space<vmem>>[vector<16xi32>], vector<16xf32>,
      %mul3A_349 = arith.constant 256 : i32
      %mul3A_350 = arith.muli %and3A_46, %mul3A_349 : i32
      %add3A_351 = arith.constant 240 : i32
      %add3A_352 = arith.addi %mul3A_350, %add3A_351 : i32
      %swap3A_353 = arith.index_cast %add3A_352 : i32 to index
      %swap3A_354 = tpu.vector_load %arg9[%swap3A_353] {strides = array<i32>} : memref<512xf32, #tpu.memory_space<vmem>>, vector<16xf32>,
      tpu.vector_store %arg9[%swap3A_353], %gather3A_348 {strides = array<i32>} : memref<512xf32, #tpu.memory_space<vmem>>, vector<16xf32>,
      %mul3A_355 = arith.constant 256 : i32
      %mul3A_356 = arith.muli %and3A_46, %mul3A_355 : i32
      %dma_start3A = tpu.memref_slice %arg9[%mul3A_356] : memref<512xf32, #tpu.memory_space<vmem>> -> memref<256xf32, #tpu.memory_space<vmem>>
      %dma_start3A_357 = tpu.memref_slice %arg5[%mul3A_49] : memref<100000xf32, #tpu.memory_space<hbm>> -> memref<256xf32, #tpu.memory_space<hbm>>
      %dma_start3A_358 = tpu.memref_slice %arg5[%mul3A_49] : memref<100000xf32, #tpu.memory_space<hbm>> -> memref<256xf32, #tpu.memory_space<hbm>>
      %dma_start3A_359 = tpu.memref_slice %arg9[%mul3A_356] : memref<512xf32, #tpu.memory_space<vmem>> -> memref<256xf32, #tpu.memory_space<vmem>>
      tpu.enqueue_dma source(%dma_start3A_359 : memref<256xf32, #tpu.memory_space<vmem>>) target(%dma_start3A_358 : memref<256xf32, #tpu.memory_space<hbm>>) target_semaphore(%arg14 : memref<!tpu.dma_semaphore, #tpu.memory_space<semaphore_mem>>)
    }
    %dma_wait3A = arith.constant 0 : i32
    %dma_wait3A_25 = tpu.memref_slice %arg9[%dma_wait3A] : memref<512xf32, #tpu.memory_space<vmem>> -> memref<256xf32, #tpu.memory_space<vmem>>
    %dma_wait3A_26 = arith.constant 0 : i32
    %dma_wait3A_27 = tpu.memref_slice %arg5[%dma_wait3A_26] : memref<100000xf32, #tpu.memory_space<hbm>> -> memref<256xf32, #tpu.memory_space<hbm>>
    %dma_wait3A_28 = arith.constant 0 : i32
    %dma_wait3A_29 = tpu.memref_slice %arg5[%dma_wait3A_28] : memref<100000xf32, #tpu.memory_space<hbm>> -> memref<256xf32, #tpu.memory_space<hbm>>
    %dma_wait3A_30 = arith.constant 0 : i32
    %dma_wait3A_31 = tpu.memref_slice %arg9[%dma_wait3A_30] : memref<512xf32, #tpu.memory_space<vmem>> -> memref<256xf32, #tpu.memory_space<vmem>>
    tpu.wait_dma2 semaphore(%arg14 : memref<!tpu.dma_semaphore, #tpu.memory_space<semaphore_mem>>) src(%dma_wait3A_31 : memref<256xf32, #tpu.memory_space<vmem>>) dst(%dma_wait3A_29 : memref<256xf32, #tpu.memory_space<hbm>>)
    %dma_wait3A_32 = arith.constant 0 : i32
    %dma_wait3A_33 = tpu.memref_slice %arg9[%dma_wait3A_32] : memref<512xf32, #tpu.memory_space<vmem>> -> memref<256xf32, #tpu.memory_space<vmem>>
    %dma_wait3A_34 = arith.constant 0 : i32
    %dma_wait3A_35 = tpu.memref_slice %arg5[%dma_wait3A_34] : memref<100000xf32, #tpu.memory_space<hbm>> -> memref<256xf32, #tpu.memory_space<hbm>>
    %dma_wait3A_36 = arith.constant 0 : i32
    %dma_wait3A_37 = tpu.memref_slice %arg5[%dma_wait3A_36] : memref<100000xf32, #tpu.memory_space<hbm>> -> memref<256xf32, #tpu.memory_space<hbm>>
    %dma_wait3A_38 = arith.constant 0 : i32
    %dma_wait3A_39 = tpu.memref_slice %arg9[%dma_wait3A_38] : memref<512xf32, #tpu.memory_space<vmem>> -> memref<256xf32, #tpu.memory_space<vmem>>
    tpu.wait_dma2 semaphore(%arg14 : memref<!tpu.dma_semaphore, #tpu.memory_space<semaphore_mem>>) src(%dma_wait3A_39 : memref<256xf32, #tpu.memory_space<vmem>>) dst(%dma_wait3A_37 : memref<256xf32, #tpu.memory_space<hbm>>)
    %eq3A_40 = arith.constant 31 : i32
    %eq3A_41 = arith.cmpi eq, %add3A, %eq3A_40 : i32
    %convert_element_type3A_42 = arith.extui %eq3A_41 : i1 to i32
    %cond3A_43 = arith.constant 0 : i32
    %cond3A_44 = arith.cmpi ne, %convert_element_type3A_42, %cond3A_43 : i32
    scf.if %cond3A_44 {
      "tpu.region"() ({
        %run_scoped3A = tpu.sem_alloc : memref<!tpu.dma_semaphore, #tpu.memory_space<semaphore_mem>>
        %dma_start3A = arith.constant 99840 : i32
        %dma_start3A_152 = tpu.memref_slice %arg3[%dma_start3A] : memref<100000xi32, #tpu.memory_space<hbm>> -> memref<160xi32, #tpu.memory_space<hbm>>
        %dma_start3A_153 = arith.constant 99840 : i32
        %dma_start3A_154 = tpu.memref_slice %arg3[%dma_start3A_153] : memref<100000xi32, #tpu.memory_space<hbm>> -> memref<160xi32, #tpu.memory_space<hbm>>
        tpu.enqueue_dma source(%dma_start3A_154 : memref<160xi32, #tpu.memory_space<hbm>>) target(%arg10 : memref<160xi32, #tpu.memory_space<vmem>>) target_semaphore(%run_scoped3A : memref<!tpu.dma_semaphore, #tpu.memory_space<semaphore_mem>>)
        %dma_wait3A_155 = arith.constant 99840 : i32
        %dma_wait3A_156 = tpu.memref_slice %arg3[%dma_wait3A_155] : memref<100000xi32, #tpu.memory_space<hbm>> -> memref<160xi32, #tpu.memory_space<hbm>>
        %dma_wait3A_157 = arith.constant 99840 : i32
        %dma_wait3A_158 = tpu.memref_slice %arg3[%dma_wait3A_157] : memref<100000xi32, #tpu.memory_space<hbm>> -> memref<160xi32, #tpu.memory_space<hbm>>
        tpu.wait_dma2 semaphore(%run_scoped3A : memref<!tpu.dma_semaphore, #tpu.memory_space<semaphore_mem>>) src(%dma_wait3A_158 : memref<160xi32, #tpu.memory_space<hbm>>) dst(%arg10 : memref<160xi32, #tpu.memory_space<vmem>>)
        tpu.yield
      }) : () -> ()
      "tpu.region"() ({
        %run_scoped3A = tpu.sem_alloc : memref<!tpu.dma_semaphore, #tpu.memory_space<semaphore_mem>>
        %dma_start3A = arith.constant 99840 : i32
        %dma_start3A_152 = tpu.memref_slice %arg4[%dma_start3A] : memref<100000xi32, #tpu.memory_space<hbm>> -> memref<160xi32, #tpu.memory_space<hbm>>
        %dma_start3A_153 = arith.constant 99840 : i32
        %dma_start3A_154 = tpu.memref_slice %arg4[%dma_start3A_153] : memref<100000xi32, #tpu.memory_space<hbm>> -> memref<160xi32, #tpu.memory_space<hbm>>
        tpu.enqueue_dma source(%dma_start3A_154 : memref<160xi32, #tpu.memory_space<hbm>>) target(%arg11 : memref<160xi32, #tpu.memory_space<vmem>>) target_semaphore(%run_scoped3A : memref<!tpu.dma_semaphore, #tpu.memory_space<semaphore_mem>>)
        %dma_wait3A_155 = arith.constant 99840 : i32
        %dma_wait3A_156 = tpu.memref_slice %arg4[%dma_wait3A_155] : memref<100000xi32, #tpu.memory_space<hbm>> -> memref<160xi32, #tpu.memory_space<hbm>>
        %dma_wait3A_157 = arith.constant 99840 : i32
        %dma_wait3A_158 = tpu.memref_slice %arg4[%dma_wait3A_157] : memref<100000xi32, #tpu.memory_space<hbm>> -> memref<160xi32, #tpu.memory_space<hbm>>
        tpu.wait_dma2 semaphore(%run_scoped3A : memref<!tpu.dma_semaphore, #tpu.memory_space<semaphore_mem>>) src(%dma_wait3A_158 : memref<160xi32, #tpu.memory_space<hbm>>) dst(%arg11 : memref<160xi32, #tpu.memory_space<vmem>>)
        tpu.yield
      }) : () -> ()
      %get3A = arith.constant 0 : index
      %get3A_45 = tpu.vector_load %arg10[%get3A] {strides = array<i32>} : memref<160xi32, #tpu.memory_space<vmem>>, vector<16xi32>,
      %mul3A_46 = arith.constant 8 : i32
      %mul3A_47 = vector.broadcast %mul3A_46 : i32 to vector<16xi32>
      %mul3A_48 = arith.muli %get3A_45, %mul3A_47 : vector<16xi32>
      %get3A_49 = arith.constant 0 : index
      %get3A_50 = tpu.vector_load %arg11[%get3A_49] {strides = array<i32>} : memref<160xi32, #tpu.memory_space<vmem>>, vector<16xi32>,
      %add3A_51 = arith.addi %mul3A_48, %get3A_50 : vector<16xi32>
      %gather3A = tpu.vector_load_idx %arg6[%add3A_51] : memref<800xf32, #tpu.memory_space<vmem>>[vector<16xi32>], vector<16xf32>,
      %swap3A = arith.constant 0 : index
      %swap3A_52 = tpu.vector_load %arg12[%swap3A] {strides = array<i32>} : memref<160xf32, #tpu.memory_space<vmem>>, vector<16xf32>,
      tpu.vector_store %arg12[%swap3A], %gather3A {strides = array<i32>} : memref<160xf32, #tpu.memory_space<vmem>>, vector<16xf32>,
      %get3A_53 = arith.constant 16 : index
      %get3A_54 = tpu.vector_load %arg10[%get3A_53] {strides = array<i32>} : memref<160xi32, #tpu.memory_space<vmem>>, vector<16xi32>,
      %mul3A_55 = arith.constant 8 : i32
      %mul3A_56 = vector.broadcast %mul3A_55 : i32 to vector<16xi32>
      %mul3A_57 = arith.muli %get3A_54, %mul3A_56 : vector<16xi32>
      %get3A_58 = arith.constant 16 : index
      %get3A_59 = tpu.vector_load %arg11[%get3A_58] {strides = array<i32>} : memref<160xi32, #tpu.memory_space<vmem>>, vector<16xi32>,
      %add3A_60 = arith.addi %mul3A_57, %get3A_59 : vector<16xi32>
      %gather3A_61 = tpu.vector_load_idx %arg6[%add3A_60] : memref<800xf32, #tpu.memory_space<vmem>>[vector<16xi32>], vector<16xf32>,
      %swap3A_62 = arith.constant 16 : index
      %swap3A_63 = tpu.vector_load %arg12[%swap3A_62] {strides = array<i32>} : memref<160xf32, #tpu.memory_space<vmem>>, vector<16xf32>,
      tpu.vector_store %arg12[%swap3A_62], %gather3A_61 {strides = array<i32>} : memref<160xf32, #tpu.memory_space<vmem>>, vector<16xf32>,
      %get3A_64 = arith.constant 32 : index
      %get3A_65 = tpu.vector_load %arg10[%get3A_64] {strides = array<i32>} : memref<160xi32, #tpu.memory_space<vmem>>, vector<16xi32>,
      %mul3A_66 = arith.constant 8 : i32
      %mul3A_67 = vector.broadcast %mul3A_66 : i32 to vector<16xi32>
      %mul3A_68 = arith.muli %get3A_65, %mul3A_67 : vector<16xi32>
      %get3A_69 = arith.constant 32 : index
      %get3A_70 = tpu.vector_load %arg11[%get3A_69] {strides = array<i32>} : memref<160xi32, #tpu.memory_space<vmem>>, vector<16xi32>,
      %add3A_71 = arith.addi %mul3A_68, %get3A_70 : vector<16xi32>
      %gather3A_72 = tpu.vector_load_idx %arg6[%add3A_71] : memref<800xf32, #tpu.memory_space<vmem>>[vector<16xi32>], vector<16xf32>,
      %swap3A_73 = arith.constant 32 : index
      %swap3A_74 = tpu.vector_load %arg12[%swap3A_73] {strides = array<i32>} : memref<160xf32, #tpu.memory_space<vmem>>, vector<16xf32>,
      tpu.vector_store %arg12[%swap3A_73], %gather3A_72 {strides = array<i32>} : memref<160xf32, #tpu.memory_space<vmem>>, vector<16xf32>,
      %get3A_75 = arith.constant 48 : index
      %get3A_76 = tpu.vector_load %arg10[%get3A_75] {strides = array<i32>} : memref<160xi32, #tpu.memory_space<vmem>>, vector<16xi32>,
      %mul3A_77 = arith.constant 8 : i32
      %mul3A_78 = vector.broadcast %mul3A_77 : i32 to vector<16xi32>
      %mul3A_79 = arith.muli %get3A_76, %mul3A_78 : vector<16xi32>
      %get3A_80 = arith.constant 48 : index
      %get3A_81 = tpu.vector_load %arg11[%get3A_80] {strides = array<i32>} : memref<160xi32, #tpu.memory_space<vmem>>, vector<16xi32>,
      %add3A_82 = arith.addi %mul3A_79, %get3A_81 : vector<16xi32>
      %gather3A_83 = tpu.vector_load_idx %arg6[%add3A_82] : memref<800xf32, #tpu.memory_space<vmem>>[vector<16xi32>], vector<16xf32>,
      %swap3A_84 = arith.constant 48 : index
      %swap3A_85 = tpu.vector_load %arg12[%swap3A_84] {strides = array<i32>} : memref<160xf32, #tpu.memory_space<vmem>>, vector<16xf32>,
      tpu.vector_store %arg12[%swap3A_84], %gather3A_83 {strides = array<i32>} : memref<160xf32, #tpu.memory_space<vmem>>, vector<16xf32>,
      %get3A_86 = arith.constant 64 : index
      %get3A_87 = tpu.vector_load %arg10[%get3A_86] {strides = array<i32>} : memref<160xi32, #tpu.memory_space<vmem>>, vector<16xi32>,
      %mul3A_88 = arith.constant 8 : i32
      %mul3A_89 = vector.broadcast %mul3A_88 : i32 to vector<16xi32>
      %mul3A_90 = arith.muli %get3A_87, %mul3A_89 : vector<16xi32>
      %get3A_91 = arith.constant 64 : index
      %get3A_92 = tpu.vector_load %arg11[%get3A_91] {strides = array<i32>} : memref<160xi32, #tpu.memory_space<vmem>>, vector<16xi32>,
      %add3A_93 = arith.addi %mul3A_90, %get3A_92 : vector<16xi32>
      %gather3A_94 = tpu.vector_load_idx %arg6[%add3A_93] : memref<800xf32, #tpu.memory_space<vmem>>[vector<16xi32>], vector<16xf32>,
      %swap3A_95 = arith.constant 64 : index
      %swap3A_96 = tpu.vector_load %arg12[%swap3A_95] {strides = array<i32>} : memref<160xf32, #tpu.memory_space<vmem>>, vector<16xf32>,
      tpu.vector_store %arg12[%swap3A_95], %gather3A_94 {strides = array<i32>} : memref<160xf32, #tpu.memory_space<vmem>>, vector<16xf32>,
      %get3A_97 = arith.constant 80 : index
      %get3A_98 = tpu.vector_load %arg10[%get3A_97] {strides = array<i32>} : memref<160xi32, #tpu.memory_space<vmem>>, vector<16xi32>,
      %mul3A_99 = arith.constant 8 : i32
      %mul3A_100 = vector.broadcast %mul3A_99 : i32 to vector<16xi32>
      %mul3A_101 = arith.muli %get3A_98, %mul3A_100 : vector<16xi32>
      %get3A_102 = arith.constant 80 : index
      %get3A_103 = tpu.vector_load %arg11[%get3A_102] {strides = array<i32>} : memref<160xi32, #tpu.memory_space<vmem>>, vector<16xi32>,
      %add3A_104 = arith.addi %mul3A_101, %get3A_103 : vector<16xi32>
      %gather3A_105 = tpu.vector_load_idx %arg6[%add3A_104] : memref<800xf32, #tpu.memory_space<vmem>>[vector<16xi32>], vector<16xf32>,
      %swap3A_106 = arith.constant 80 : index
      %swap3A_107 = tpu.vector_load %arg12[%swap3A_106] {strides = array<i32>} : memref<160xf32, #tpu.memory_space<vmem>>, vector<16xf32>,
      tpu.vector_store %arg12[%swap3A_106], %gather3A_105 {strides = array<i32>} : memref<160xf32, #tpu.memory_space<vmem>>, vector<16xf32>,
      %get3A_108 = arith.constant 96 : index
      %get3A_109 = tpu.vector_load %arg10[%get3A_108] {strides = array<i32>} : memref<160xi32, #tpu.memory_space<vmem>>, vector<16xi32>,
      %mul3A_110 = arith.constant 8 : i32
      %mul3A_111 = vector.broadcast %mul3A_110 : i32 to vector<16xi32>
      %mul3A_112 = arith.muli %get3A_109, %mul3A_111 : vector<16xi32>
      %get3A_113 = arith.constant 96 : index
      %get3A_114 = tpu.vector_load %arg11[%get3A_113] {strides = array<i32>} : memref<160xi32, #tpu.memory_space<vmem>>, vector<16xi32>,
      %add3A_115 = arith.addi %mul3A_112, %get3A_114 : vector<16xi32>
      %gather3A_116 = tpu.vector_load_idx %arg6[%add3A_115] : memref<800xf32, #tpu.memory_space<vmem>>[vector<16xi32>], vector<16xf32>,
      %swap3A_117 = arith.constant 96 : index
      %swap3A_118 = tpu.vector_load %arg12[%swap3A_117] {strides = array<i32>} : memref<160xf32, #tpu.memory_space<vmem>>, vector<16xf32>,
      tpu.vector_store %arg12[%swap3A_117], %gather3A_116 {strides = array<i32>} : memref<160xf32, #tpu.memory_space<vmem>>, vector<16xf32>,
      %get3A_119 = arith.constant 112 : index
      %get3A_120 = tpu.vector_load %arg10[%get3A_119] {strides = array<i32>} : memref<160xi32, #tpu.memory_space<vmem>>, vector<16xi32>,
      %mul3A_121 = arith.constant 8 : i32
      %mul3A_122 = vector.broadcast %mul3A_121 : i32 to vector<16xi32>
      %mul3A_123 = arith.muli %get3A_120, %mul3A_122 : vector<16xi32>
      %get3A_124 = arith.constant 112 : index
      %get3A_125 = tpu.vector_load %arg11[%get3A_124] {strides = array<i32>} : memref<160xi32, #tpu.memory_space<vmem>>, vector<16xi32>,
      %add3A_126 = arith.addi %mul3A_123, %get3A_125 : vector<16xi32>
      %gather3A_127 = tpu.vector_load_idx %arg6[%add3A_126] : memref<800xf32, #tpu.memory_space<vmem>>[vector<16xi32>], vector<16xf32>,
      %swap3A_128 = arith.constant 112 : index
      %swap3A_129 = tpu.vector_load %arg12[%swap3A_128] {strides = array<i32>} : memref<160xf32, #tpu.memory_space<vmem>>, vector<16xf32>,
      tpu.vector_store %arg12[%swap3A_128], %gather3A_127 {strides = array<i32>} : memref<160xf32, #tpu.memory_space<vmem>>, vector<16xf32>,
      %get3A_130 = arith.constant 128 : index
      %get3A_131 = tpu.vector_load %arg10[%get3A_130] {strides = array<i32>} : memref<160xi32, #tpu.memory_space<vmem>>, vector<16xi32>,
      %mul3A_132 = arith.constant 8 : i32
      %mul3A_133 = vector.broadcast %mul3A_132 : i32 to vector<16xi32>
      %mul3A_134 = arith.muli %get3A_131, %mul3A_133 : vector<16xi32>
      %get3A_135 = arith.constant 128 : index
      %get3A_136 = tpu.vector_load %arg11[%get3A_135] {strides = array<i32>} : memref<160xi32, #tpu.memory_space<vmem>>, vector<16xi32>,
      %add3A_137 = arith.addi %mul3A_134, %get3A_136 : vector<16xi32>
      %gather3A_138 = tpu.vector_load_idx %arg6[%add3A_137] : memref<800xf32, #tpu.memory_space<vmem>>[vector<16xi32>], vector<16xf32>,
      %swap3A_139 = arith.constant 128 : index
      %swap3A_140 = tpu.vector_load %arg12[%swap3A_139] {strides = array<i32>} : memref<160xf32, #tpu.memory_space<vmem>>, vector<16xf32>,
      tpu.vector_store %arg12[%swap3A_139], %gather3A_138 {strides = array<i32>} : memref<160xf32, #tpu.memory_space<vmem>>, vector<16xf32>,
      %get3A_141 = arith.constant 144 : index
      %get3A_142 = tpu.vector_load %arg10[%get3A_141] {strides = array<i32>} : memref<160xi32, #tpu.memory_space<vmem>>, vector<16xi32>,
      %mul3A_143 = arith.constant 8 : i32
      %mul3A_144 = vector.broadcast %mul3A_143 : i32 to vector<16xi32>
      %mul3A_145 = arith.muli %get3A_142, %mul3A_144 : vector<16xi32>
      %get3A_146 = arith.constant 144 : index
      %get3A_147 = tpu.vector_load %arg11[%get3A_146] {strides = array<i32>} : memref<160xi32, #tpu.memory_space<vmem>>, vector<16xi32>,
      %add3A_148 = arith.addi %mul3A_145, %get3A_147 : vector<16xi32>
      %gather3A_149 = tpu.vector_load_idx %arg6[%add3A_148] : memref<800xf32, #tpu.memory_space<vmem>>[vector<16xi32>], vector<16xf32>,
      %swap3A_150 = arith.constant 144 : index
      %swap3A_151 = tpu.vector_load %arg12[%swap3A_150] {strides = array<i32>} : memref<160xf32, #tpu.memory_space<vmem>>, vector<16xf32>,
      tpu.vector_store %arg12[%swap3A_150], %gather3A_149 {strides = array<i32>} : memref<160xf32, #tpu.memory_space<vmem>>, vector<16xf32>,
      "tpu.region"() ({
        %run_scoped3A = tpu.sem_alloc : memref<!tpu.dma_semaphore, #tpu.memory_space<semaphore_mem>>
        %dma_start3A = arith.constant 99840 : i32
        %dma_start3A_152 = tpu.memref_slice %arg5[%dma_start3A] : memref<100000xf32, #tpu.memory_space<hbm>> -> memref<160xf32, #tpu.memory_space<hbm>>
        %dma_start3A_153 = arith.constant 99840 : i32
        %dma_start3A_154 = tpu.memref_slice %arg5[%dma_start3A_153] : memref<100000xf32, #tpu.memory_space<hbm>> -> memref<160xf32, #tpu.memory_space<hbm>>
        tpu.enqueue_dma source(%arg12 : memref<160xf32, #tpu.memory_space<vmem>>) target(%dma_start3A_154 : memref<160xf32, #tpu.memory_space<hbm>>) target_semaphore(%run_scoped3A : memref<!tpu.dma_semaphore, #tpu.memory_space<semaphore_mem>>)
        %dma_wait3A_155 = arith.constant 99840 : i32
        %dma_wait3A_156 = tpu.memref_slice %arg5[%dma_wait3A_155] : memref<100000xf32, #tpu.memory_space<hbm>> -> memref<160xf32, #tpu.memory_space<hbm>>
        %dma_wait3A_157 = arith.constant 99840 : i32
        %dma_wait3A_158 = tpu.memref_slice %arg5[%dma_wait3A_157] : memref<100000xf32, #tpu.memory_space<hbm>> -> memref<160xf32, #tpu.memory_space<hbm>>
        tpu.wait_dma2 semaphore(%run_scoped3A : memref<!tpu.dma_semaphore, #tpu.memory_space<semaphore_mem>>) src(%arg12 : memref<160xf32, #tpu.memory_space<vmem>>) dst(%dma_wait3A_158 : memref<160xf32, #tpu.memory_space<hbm>>)
        tpu.yield
      }) : () -> ()
    } else {
    }
    return
  }
}

#map = affine_map<(d0, d1) -> (0, 0)>
#map1 = affine_map<(d0, d1) -> (0)>
#map2 = affine_map<(d0, d1) -> (0, 0, 0)>
module attributes {stable_mosaic.version = 14 : i64} {
  func.func @_stage_a(%arg0: i32, %arg1: i32, %arg2: memref<100000x128xf32, #tpu.memory_space<hbm>>, %arg3: memref<100000xi32, #tpu.memory_space<hbm>>, %arg4: memref<100000xi32, #tpu.memory_space<hbm>>, %arg5: memref<800x128xf32, #tpu.memory_space<hbm>>, %arg6: memref<800xf32, #tpu.memory_space<hbm>>, %arg7: memref<2x800x128xf32, #tpu.memory_space<hbm>>, %arg8: memref<32x800xf32, #tpu.memory_space<hbm>>, %arg9: memref<3x256x128xf32, #tpu.memory_space<vmem>>, %arg10: memref<3328xi32, #tpu.memory_space<vmem>>, %arg11: memref<3328xi32, #tpu.memory_space<vmem>>, %arg12: memref<768xi32, #tpu.memory_space<vmem>>, %arg13: memref<800xf32, #tpu.memory_space<vmem>>, %arg14: memref<160xi32, #tpu.memory_space<vmem>>, %arg15: memref<160xi32, #tpu.memory_space<vmem>>, %arg16: memref<800x128xf32, #tpu.memory_space<vmem_shared>>, %arg17: memref<!tpu.dma_semaphore, #tpu.memory_space<semaphore_mem>>, %arg18: memref<!tpu.dma_semaphore, #tpu.memory_space<semaphore_mem>>) attributes {dimension_semantics = [#tpu.dimension_semantics<core_parallel>, #tpu.dimension_semantics<subcore_parallel>], iteration_bounds = array<i64: 2, 16>, scalar_prefetch = 0 : i64, scratch_operands = 10 : i64, tpu.core_type = #tpu.core_type<sc_vector_subcore>, window_params = [{transform_indices = #map}, {transform_indices = #map1}, {transform_indices = #map1}, {transform_indices = #map}, {transform_indices = #map1}, {transform_indices = #map2}, {transform_indices = #map}]} {
    %mul3A = arith.constant 16 : i32
    %mul3A_0 = arith.muli %arg0, %mul3A : i32
    %add3A = arith.addi %mul3A_0, %arg1 : i32
    %mul3A_1 = arith.constant 12 : i32
    %mul3A_2 = arith.muli %add3A, %mul3A_1 : i32
    %min3A = arith.constant 6 : i32
    %min3A_3 = arith.minsi %add3A, %min3A : i32
    %add3A_4 = arith.addi %mul3A_2, %min3A_3 : i32
    %lt3A = arith.constant 6 : i32
    %lt3A_5 = arith.cmpi slt, %add3A, %lt3A : i32
    %jit3A = arith.constant 1 : i32
    %jit3A_6 = arith.constant 0 : i32
    %select_n3A = arith.select %lt3A_5, %jit3A, %jit3A_6 : i32
    %add3A_7 = arith.constant 12 : i32
    %add3A_8 = arith.addi %add3A_7, %select_n3A : i32
    %mul3A_9 = arith.constant 256 : i32
    %mul3A_10 = arith.muli %add3A_4, %mul3A_9 : i32
    %dma_start3A = arith.constant 0 : i32
    %dma_start3A_11 = arith.constant 0 : i32
    %dma_start3A_12 = arith.constant 0 : i32
    %dma_start3A_13 = tpu.memref_slice %arg9[%dma_start3A, %dma_start3A_11, %dma_start3A_12] : memref<3x256x128xf32, #tpu.memory_space<vmem>> -> memref<1x256x128xf32, #tpu.memory_space<vmem>>
    %dma_start3A_14 = tpu.memref_squeeze %dma_start3A_13 : memref<1x256x128xf32, #tpu.memory_space<vmem>> -> memref<256x128xf32, #tpu.memory_space<vmem>>
    %dma_start3A_15 = arith.constant 0 : i32
    %dma_start3A_16 = tpu.memref_slice %arg2[%mul3A_10, %dma_start3A_15] : memref<100000x128xf32, #tpu.memory_space<hbm>> -> memref<256x128xf32, #tpu.memory_space<hbm>>
    %dma_start3A_17 = arith.constant 0 : i32
    %dma_start3A_18 = arith.constant 0 : i32
    %dma_start3A_19 = tpu.memref_slice %arg9[%dma_start3A, %dma_start3A_17, %dma_start3A_18] : memref<3x256x128xf32, #tpu.memory_space<vmem>> -> memref<1x256x128xf32, #tpu.memory_space<vmem>>
    %dma_start3A_20 = tpu.memref_squeeze %dma_start3A_19 : memref<1x256x128xf32, #tpu.memory_space<vmem>> -> memref<256x128xf32, #tpu.memory_space<vmem>>
    %dma_start3A_21 = arith.constant 0 : i32
    %dma_start3A_22 = tpu.memref_slice %arg2[%mul3A_10, %dma_start3A_21] : memref<100000x128xf32, #tpu.memory_space<hbm>> -> memref<256x128xf32, #tpu.memory_space<hbm>>
    tpu.enqueue_dma source(%dma_start3A_22 : memref<256x128xf32, #tpu.memory_space<hbm>>) target(%dma_start3A_20 : memref<256x128xf32, #tpu.memory_space<vmem>>) target_semaphore(%arg17 : memref<!tpu.dma_semaphore, #tpu.memory_space<semaphore_mem>>)
    %add3A_23 = arith.constant 1 : i32
    %add3A_24 = arith.addi %add3A_4, %add3A_23 : i32
    %mul3A_25 = arith.constant 256 : i32
    %mul3A_26 = arith.muli %add3A_24, %mul3A_25 : i32
    %dma_start3A_27 = arith.constant 1 : i32
    %dma_start3A_28 = arith.constant 0 : i32
    %dma_start3A_29 = arith.constant 0 : i32
    %dma_start3A_30 = tpu.memref_slice %arg9[%dma_start3A_27, %dma_start3A_28, %dma_start3A_29] : memref<3x256x128xf32, #tpu.memory_space<vmem>> -> memref<1x256x128xf32, #tpu.memory_space<vmem>>
    %dma_start3A_31 = tpu.memref_squeeze %dma_start3A_30 : memref<1x256x128xf32, #tpu.memory_space<vmem>> -> memref<256x128xf32, #tpu.memory_space<vmem>>
    %dma_start3A_32 = arith.constant 0 : i32
    %dma_start3A_33 = tpu.memref_slice %arg2[%mul3A_26, %dma_start3A_32] : memref<100000x128xf32, #tpu.memory_space<hbm>> -> memref<256x128xf32, #tpu.memory_space<hbm>>
    %dma_start3A_34 = arith.constant 0 : i32
    %dma_start3A_35 = arith.constant 0 : i32
    %dma_start3A_36 = tpu.memref_slice %arg9[%dma_start3A_27, %dma_start3A_34, %dma_start3A_35] : memref<3x256x128xf32, #tpu.memory_space<vmem>> -> memref<1x256x128xf32, #tpu.memory_space<vmem>>
    %dma_start3A_37 = tpu.memref_squeeze %dma_start3A_36 : memref<1x256x128xf32, #tpu.memory_space<vmem>> -> memref<256x128xf32, #tpu.memory_space<vmem>>
    %dma_start3A_38 = arith.constant 0 : i32
    %dma_start3A_39 = tpu.memref_slice %arg2[%mul3A_26, %dma_start3A_38] : memref<100000x128xf32, #tpu.memory_space<hbm>> -> memref<256x128xf32, #tpu.memory_space<hbm>>
    tpu.enqueue_dma source(%dma_start3A_39 : memref<256x128xf32, #tpu.memory_space<hbm>>) target(%dma_start3A_37 : memref<256x128xf32, #tpu.memory_space<vmem>>) target_semaphore(%arg17 : memref<!tpu.dma_semaphore, #tpu.memory_space<semaphore_mem>>)
    %eq3A = arith.constant 0 : i32
    %eq3A_40 = arith.cmpi eq, %arg1, %eq3A : i32
    %convert_element_type3A = arith.extui %eq3A_40 : i1 to i32
    %cond3A = arith.constant 0 : i32
    %cond3A_41 = arith.cmpi ne, %convert_element_type3A, %cond3A : i32
    scf.if %cond3A_41 {
      "tpu.region"() ({
        %run_scoped3A = tpu.sem_alloc : memref<!tpu.dma_semaphore, #tpu.memory_space<semaphore_mem>>
        tpu.enqueue_dma source(%arg5 : memref<800x128xf32, #tpu.memory_space<hbm>>) target(%arg16 : memref<800x128xf32, #tpu.memory_space<vmem_shared>>) target_semaphore(%run_scoped3A : memref<!tpu.dma_semaphore, #tpu.memory_space<semaphore_mem>>)
        tpu.wait_dma2 semaphore(%run_scoped3A : memref<!tpu.dma_semaphore, #tpu.memory_space<semaphore_mem>>) src(%arg5 : memref<800x128xf32, #tpu.memory_space<hbm>>) dst(%arg16 : memref<800x128xf32, #tpu.memory_space<vmem_shared>>)
        tpu.yield
      }) : () -> ()
    } else {
    }
    "tpu.region"() ({
      %run_scoped3A = tpu.sem_alloc : memref<!tpu.dma_semaphore, #tpu.memory_space<semaphore_mem>>
      tpu.enqueue_dma source(%arg6 : memref<800xf32, #tpu.memory_space<hbm>>) target(%arg13 : memref<800xf32, #tpu.memory_space<vmem>>) target_semaphore(%run_scoped3A : memref<!tpu.dma_semaphore, #tpu.memory_space<semaphore_mem>>)
      tpu.wait_dma2 semaphore(%run_scoped3A : memref<!tpu.dma_semaphore, #tpu.memory_space<semaphore_mem>>) src(%arg6 : memref<800xf32, #tpu.memory_space<hbm>>) dst(%arg13 : memref<800xf32, #tpu.memory_space<vmem>>)
      tpu.yield
    }) : () -> ()
    %eq3A_42 = arith.constant 13 : i32
    %eq3A_43 = arith.cmpi eq, %add3A_8, %eq3A_42 : i32
    %convert_element_type3A_44 = arith.extui %eq3A_43 : i1 to i32
    %cond3A_45 = arith.constant 0 : i32
    %cond3A_46 = arith.cmpi ne, %convert_element_type3A_44, %cond3A_45 : i32
    scf.if %cond3A_46 {
      %mul3A_96 = arith.constant 256 : i32
      %mul3A_97 = arith.muli %add3A_4, %mul3A_96 : i32
      "tpu.region"() ({
        %run_scoped3A = tpu.sem_alloc : memref<!tpu.dma_semaphore, #tpu.memory_space<semaphore_mem>>
        %dma_start3A_100 = arith.constant 0 : i32
        %dma_start3A_101 = tpu.memref_slice %arg10[%dma_start3A_100] : memref<3328xi32, #tpu.memory_space<vmem>> -> memref<3328xi32, #tpu.memory_space<vmem>>
        %dma_start3A_102 = tpu.memref_slice %arg3[%mul3A_97] : memref<100000xi32, #tpu.memory_space<hbm>> -> memref<3328xi32, #tpu.memory_space<hbm>>
        %dma_start3A_103 = arith.constant 0 : i32
        %dma_start3A_104 = tpu.memref_slice %arg10[%dma_start3A_103] : memref<3328xi32, #tpu.memory_space<vmem>> -> memref<3328xi32, #tpu.memory_space<vmem>>
        %dma_start3A_105 = tpu.memref_slice %arg3[%mul3A_97] : memref<100000xi32, #tpu.memory_space<hbm>> -> memref<3328xi32, #tpu.memory_space<hbm>>
        tpu.enqueue_dma source(%dma_start3A_105 : memref<3328xi32, #tpu.memory_space<hbm>>) target(%dma_start3A_104 : memref<3328xi32, #tpu.memory_space<vmem>>) target_semaphore(%run_scoped3A : memref<!tpu.dma_semaphore, #tpu.memory_space<semaphore_mem>>)
        %dma_wait3A_106 = arith.constant 0 : i32
        %dma_wait3A_107 = tpu.memref_slice %arg10[%dma_wait3A_106] : memref<3328xi32, #tpu.memory_space<vmem>> -> memref<3328xi32, #tpu.memory_space<vmem>>
        %dma_wait3A_108 = tpu.memref_slice %arg3[%mul3A_97] : memref<100000xi32, #tpu.memory_space<hbm>> -> memref<3328xi32, #tpu.memory_space<hbm>>
        %dma_wait3A_109 = arith.constant 0 : i32
        %dma_wait3A_110 = tpu.memref_slice %arg10[%dma_wait3A_109] : memref<3328xi32, #tpu.memory_space<vmem>> -> memref<3328xi32, #tpu.memory_space<vmem>>
        %dma_wait3A_111 = tpu.memref_slice %arg3[%mul3A_97] : memref<100000xi32, #tpu.memory_space<hbm>> -> memref<3328xi32, #tpu.memory_space<hbm>>
        tpu.wait_dma2 semaphore(%run_scoped3A : memref<!tpu.dma_semaphore, #tpu.memory_space<semaphore_mem>>) src(%dma_wait3A_111 : memref<3328xi32, #tpu.memory_space<hbm>>) dst(%dma_wait3A_110 : memref<3328xi32, #tpu.memory_space<vmem>>)
        tpu.yield
      }) : () -> ()
      %mul3A_98 = arith.constant 256 : i32
      %mul3A_99 = arith.muli %add3A_4, %mul3A_98 : i32
      "tpu.region"() ({
        %run_scoped3A = tpu.sem_alloc : memref<!tpu.dma_semaphore, #tpu.memory_space<semaphore_mem>>
        %dma_start3A_100 = arith.constant 0 : i32
        %dma_start3A_101 = tpu.memref_slice %arg11[%dma_start3A_100] : memref<3328xi32, #tpu.memory_space<vmem>> -> memref<3328xi32, #tpu.memory_space<vmem>>
        %dma_start3A_102 = tpu.memref_slice %arg4[%mul3A_99] : memref<100000xi32, #tpu.memory_space<hbm>> -> memref<3328xi32, #tpu.memory_space<hbm>>
        %dma_start3A_103 = arith.constant 0 : i32
        %dma_start3A_104 = tpu.memref_slice %arg11[%dma_start3A_103] : memref<3328xi32, #tpu.memory_space<vmem>> -> memref<3328xi32, #tpu.memory_space<vmem>>
        %dma_start3A_105 = tpu.memref_slice %arg4[%mul3A_99] : memref<100000xi32, #tpu.memory_space<hbm>> -> memref<3328xi32, #tpu.memory_space<hbm>>
        tpu.enqueue_dma source(%dma_start3A_105 : memref<3328xi32, #tpu.memory_space<hbm>>) target(%dma_start3A_104 : memref<3328xi32, #tpu.memory_space<vmem>>) target_semaphore(%run_scoped3A : memref<!tpu.dma_semaphore, #tpu.memory_space<semaphore_mem>>)
        %dma_wait3A_106 = arith.constant 0 : i32
        %dma_wait3A_107 = tpu.memref_slice %arg11[%dma_wait3A_106] : memref<3328xi32, #tpu.memory_space<vmem>> -> memref<3328xi32, #tpu.memory_space<vmem>>
        %dma_wait3A_108 = tpu.memref_slice %arg4[%mul3A_99] : memref<100000xi32, #tpu.memory_space<hbm>> -> memref<3328xi32, #tpu.memory_space<hbm>>
        %dma_wait3A_109 = arith.constant 0 : i32
        %dma_wait3A_110 = tpu.memref_slice %arg11[%dma_wait3A_109] : memref<3328xi32, #tpu.memory_space<vmem>> -> memref<3328xi32, #tpu.memory_space<vmem>>
        %dma_wait3A_111 = tpu.memref_slice %arg4[%mul3A_99] : memref<100000xi32, #tpu.memory_space<hbm>> -> memref<3328xi32, #tpu.memory_space<hbm>>
        tpu.wait_dma2 semaphore(%run_scoped3A : memref<!tpu.dma_semaphore, #tpu.memory_space<semaphore_mem>>) src(%dma_wait3A_111 : memref<3328xi32, #tpu.memory_space<hbm>>) dst(%dma_wait3A_110 : memref<3328xi32, #tpu.memory_space<vmem>>)
        tpu.yield
      }) : () -> ()
    } else {
    }
    %eq3A_47 = arith.constant 12 : i32
    %eq3A_48 = arith.cmpi eq, %add3A_8, %eq3A_47 : i32
    %convert_element_type3A_49 = arith.extui %eq3A_48 : i1 to i32
    %cond3A_50 = arith.constant 0 : i32
    %cond3A_51 = arith.cmpi ne, %convert_element_type3A_49, %cond3A_50 : i32
    scf.if %cond3A_51 {
      %mul3A_96 = arith.constant 256 : i32
      %mul3A_97 = arith.muli %add3A_4, %mul3A_96 : i32
      "tpu.region"() ({
        %run_scoped3A = tpu.sem_alloc : memref<!tpu.dma_semaphore, #tpu.memory_space<semaphore_mem>>
        %dma_start3A_100 = arith.constant 0 : i32
        %dma_start3A_101 = tpu.memref_slice %arg10[%dma_start3A_100] : memref<3328xi32, #tpu.memory_space<vmem>> -> memref<3072xi32, #tpu.memory_space<vmem>>
        %dma_start3A_102 = tpu.memref_slice %arg3[%mul3A_97] : memref<100000xi32, #tpu.memory_space<hbm>> -> memref<3072xi32, #tpu.memory_space<hbm>>
        %dma_start3A_103 = arith.constant 0 : i32
        %dma_start3A_104 = tpu.memref_slice %arg10[%dma_start3A_103] : memref<3328xi32, #tpu.memory_space<vmem>> -> memref<3072xi32, #tpu.memory_space<vmem>>
        %dma_start3A_105 = tpu.memref_slice %arg3[%mul3A_97] : memref<100000xi32, #tpu.memory_space<hbm>> -> memref<3072xi32, #tpu.memory_space<hbm>>
        tpu.enqueue_dma source(%dma_start3A_105 : memref<3072xi32, #tpu.memory_space<hbm>>) target(%dma_start3A_104 : memref<3072xi32, #tpu.memory_space<vmem>>) target_semaphore(%run_scoped3A : memref<!tpu.dma_semaphore, #tpu.memory_space<semaphore_mem>>)
        %dma_wait3A_106 = arith.constant 0 : i32
        %dma_wait3A_107 = tpu.memref_slice %arg10[%dma_wait3A_106] : memref<3328xi32, #tpu.memory_space<vmem>> -> memref<3072xi32, #tpu.memory_space<vmem>>
        %dma_wait3A_108 = tpu.memref_slice %arg3[%mul3A_97] : memref<100000xi32, #tpu.memory_space<hbm>> -> memref<3072xi32, #tpu.memory_space<hbm>>
        %dma_wait3A_109 = arith.constant 0 : i32
        %dma_wait3A_110 = tpu.memref_slice %arg10[%dma_wait3A_109] : memref<3328xi32, #tpu.memory_space<vmem>> -> memref<3072xi32, #tpu.memory_space<vmem>>
        %dma_wait3A_111 = tpu.memref_slice %arg3[%mul3A_97] : memref<100000xi32, #tpu.memory_space<hbm>> -> memref<3072xi32, #tpu.memory_space<hbm>>
        tpu.wait_dma2 semaphore(%run_scoped3A : memref<!tpu.dma_semaphore, #tpu.memory_space<semaphore_mem>>) src(%dma_wait3A_111 : memref<3072xi32, #tpu.memory_space<hbm>>) dst(%dma_wait3A_110 : memref<3072xi32, #tpu.memory_space<vmem>>)
        tpu.yield
      }) : () -> ()
      %mul3A_98 = arith.constant 256 : i32
      %mul3A_99 = arith.muli %add3A_4, %mul3A_98 : i32
      "tpu.region"() ({
        %run_scoped3A = tpu.sem_alloc : memref<!tpu.dma_semaphore, #tpu.memory_space<semaphore_mem>>
        %dma_start3A_100 = arith.constant 0 : i32
        %dma_start3A_101 = tpu.memref_slice %arg11[%dma_start3A_100] : memref<3328xi32, #tpu.memory_space<vmem>> -> memref<3072xi32, #tpu.memory_space<vmem>>
        %dma_start3A_102 = tpu.memref_slice %arg4[%mul3A_99] : memref<100000xi32, #tpu.memory_space<hbm>> -> memref<3072xi32, #tpu.memory_space<hbm>>
        %dma_start3A_103 = arith.constant 0 : i32
        %dma_start3A_104 = tpu.memref_slice %arg11[%dma_start3A_103] : memref<3328xi32, #tpu.memory_space<vmem>> -> memref<3072xi32, #tpu.memory_space<vmem>>
        %dma_start3A_105 = tpu.memref_slice %arg4[%mul3A_99] : memref<100000xi32, #tpu.memory_space<hbm>> -> memref<3072xi32, #tpu.memory_space<hbm>>
        tpu.enqueue_dma source(%dma_start3A_105 : memref<3072xi32, #tpu.memory_space<hbm>>) target(%dma_start3A_104 : memref<3072xi32, #tpu.memory_space<vmem>>) target_semaphore(%run_scoped3A : memref<!tpu.dma_semaphore, #tpu.memory_space<semaphore_mem>>)
        %dma_wait3A_106 = arith.constant 0 : i32
        %dma_wait3A_107 = tpu.memref_slice %arg11[%dma_wait3A_106] : memref<3328xi32, #tpu.memory_space<vmem>> -> memref<3072xi32, #tpu.memory_space<vmem>>
        %dma_wait3A_108 = tpu.memref_slice %arg4[%mul3A_99] : memref<100000xi32, #tpu.memory_space<hbm>> -> memref<3072xi32, #tpu.memory_space<hbm>>
        %dma_wait3A_109 = arith.constant 0 : i32
        %dma_wait3A_110 = tpu.memref_slice %arg11[%dma_wait3A_109] : memref<3328xi32, #tpu.memory_space<vmem>> -> memref<3072xi32, #tpu.memory_space<vmem>>
        %dma_wait3A_111 = tpu.memref_slice %arg4[%mul3A_99] : memref<100000xi32, #tpu.memory_space<hbm>> -> memref<3072xi32, #tpu.memory_space<hbm>>
        tpu.wait_dma2 semaphore(%run_scoped3A : memref<!tpu.dma_semaphore, #tpu.memory_space<semaphore_mem>>) src(%dma_wait3A_111 : memref<3072xi32, #tpu.memory_space<hbm>>) dst(%dma_wait3A_110 : memref<3072xi32, #tpu.memory_space<vmem>>)
        tpu.yield
      }) : () -> ()
    } else {
    }
    %barrier3A = arith.constant 0 : index
    tpu.barrier barrier_id(%barrier3A)
    %broadcast_in_dim3A = arith.constant 1.000000e+00 : f32
    %broadcast_in_dim3A_52 = vector.broadcast %broadcast_in_dim3A : f32 to vector<16xf32>
    %while3A = arith.constant 0 : i32
    %while3A_53 = arith.constant 0 : i32
    %while3A_54 = arith.subi %add3A_8, %while3A_53 : i32
    %while3A_55 = arith.addi %while3A_53, %while3A_54 : i32
    %while3A_56 = arith.constant 1 : i32
    %while3A_57 = arith.divsi %while3A_54, %while3A_56 : i32
    %while3A_58 = arith.muli %while3A_57, %while3A_56 : i32
    %while3A_59 = arith.addi %while3A_53, %while3A_58 : i32
    %while3A_60 = arith.constant 1 : i32
    scf.for %while3A_96 = %while3A_53 to %while3A_59 step %while3A_60  : i32 {
      %rem3A_97 = arith.constant 3 : i32
      %rem3A_98 = arith.remsi %while3A_96, %rem3A_97 : i32
      %add3A_99 = arith.constant 2 : i32
      %add3A_100 = arith.addi %while3A_96, %add3A_99 : i32
      %rem3A_101 = arith.constant 3 : i32
      %rem3A_102 = arith.remsi %add3A_100, %rem3A_101 : i32
      %dma_wait3A_103 = arith.constant 0 : i32
      %dma_wait3A_104 = arith.constant 0 : i32
      %dma_wait3A_105 = tpu.memref_slice %arg9[%rem3A_98, %dma_wait3A_103, %dma_wait3A_104] : memref<3x256x128xf32, #tpu.memory_space<vmem>> -> memref<1x256x128xf32, #tpu.memory_space<vmem>>
      %dma_wait3A_106 = tpu.memref_squeeze %dma_wait3A_105 : memref<1x256x128xf32, #tpu.memory_space<vmem>> -> memref<256x128xf32, #tpu.memory_space<vmem>>
      %dma_wait3A_107 = arith.constant 0 : i32
      %dma_wait3A_108 = arith.constant 0 : i32
      %dma_wait3A_109 = tpu.memref_slice %arg2[%dma_wait3A_107, %dma_wait3A_108] : memref<100000x128xf32, #tpu.memory_space<hbm>> -> memref<256x128xf32, #tpu.memory_space<hbm>>
      %dma_wait3A_110 = arith.constant 0 : i32
      %dma_wait3A_111 = arith.constant 0 : i32
      %dma_wait3A_112 = tpu.memref_slice %arg9[%rem3A_98, %dma_wait3A_110, %dma_wait3A_111] : memref<3x256x128xf32, #tpu.memory_space<vmem>> -> memref<1x256x128xf32, #tpu.memory_space<vmem>>
      %dma_wait3A_113 = tpu.memref_squeeze %dma_wait3A_112 : memref<1x256x128xf32, #tpu.memory_space<vmem>> -> memref<256x128xf32, #tpu.memory_space<vmem>>
      %dma_wait3A_114 = arith.constant 0 : i32
      %dma_wait3A_115 = arith.constant 0 : i32
      %dma_wait3A_116 = tpu.memref_slice %arg2[%dma_wait3A_114, %dma_wait3A_115] : memref<100000x128xf32, #tpu.memory_space<hbm>> -> memref<256x128xf32, #tpu.memory_space<hbm>>
      tpu.wait_dma2 semaphore(%arg17 : memref<!tpu.dma_semaphore, #tpu.memory_space<semaphore_mem>>) src(%dma_wait3A_116 : memref<256x128xf32, #tpu.memory_space<hbm>>) dst(%dma_wait3A_113 : memref<256x128xf32, #tpu.memory_space<vmem>>)
      %gt3A = arith.constant 0 : i32
      %gt3A_117 = arith.cmpi sgt, %while3A_96, %gt3A : i32
      %convert_element_type3A_118 = arith.extui %gt3A_117 : i1 to i32
      %cond3A_119 = arith.constant 0 : i32
      %cond3A_120 = arith.cmpi ne, %convert_element_type3A_118, %cond3A_119 : i32
      scf.if %cond3A_120 {
        %mul3A_435 = arith.constant 256 : i32
        %mul3A_436 = arith.muli %rem3A_102, %mul3A_435 : i32
        %dma_wait3A_437 = arith.constant 0 : i32
        %dma_wait3A_438 = arith.constant 0 : i32
        %dma_wait3A_439 = tpu.memref_slice %arg9[%rem3A_102, %dma_wait3A_437, %dma_wait3A_438] : memref<3x256x128xf32, #tpu.memory_space<vmem>> -> memref<1x128x128xf32, #tpu.memory_space<vmem>>
        %dma_wait3A_440 = tpu.memref_squeeze %dma_wait3A_439 : memref<1x128x128xf32, #tpu.memory_space<vmem>> -> memref<128x128xf32, #tpu.memory_space<vmem>>
        %dma_wait3A_441 = tpu.memref_slice %arg12[%mul3A_436] : memref<768xi32, #tpu.memory_space<vmem>> -> memref<128xi32, #tpu.memory_space<vmem>>
        %dma_wait3A_442 = arith.constant 0 : i32
        %dma_wait3A_443 = arith.constant 0 : i32
        %dma_wait3A_444 = tpu.memref_slice %arg16[%dma_wait3A_442, %dma_wait3A_443] : memref<800x128xf32, #tpu.memory_space<vmem_shared>> -> memref<800x128xf32, #tpu.memory_space<vmem_shared>>
        tpu.wait_indirect_dma semaphore(%arg18 : memref<!tpu.dma_semaphore, #tpu.memory_space<semaphore_mem>>) src(%dma_wait3A_440 : memref<128x128xf32, #tpu.memory_space<vmem>>) dst(%dma_wait3A_444 : memref<800x128xf32, #tpu.memory_space<vmem_shared>>)
        %mul3A_445 = arith.constant 256 : i32
        %mul3A_446 = arith.muli %rem3A_102, %mul3A_445 : i32
        %add3A_447 = arith.constant 128 : i32
        %add3A_448 = arith.addi %mul3A_446, %add3A_447 : i32
        %dma_wait3A_449 = arith.constant 128 : i32
        %dma_wait3A_450 = arith.constant 0 : i32
        %dma_wait3A_451 = tpu.memref_slice %arg9[%rem3A_102, %dma_wait3A_449, %dma_wait3A_450] : memref<3x256x128xf32, #tpu.memory_space<vmem>> -> memref<1x128x128xf32, #tpu.memory_space<vmem>>
        %dma_wait3A_452 = tpu.memref_squeeze %dma_wait3A_451 : memref<1x128x128xf32, #tpu.memory_space<vmem>> -> memref<128x128xf32, #tpu.memory_space<vmem>>
        %dma_wait3A_453 = tpu.memref_slice %arg12[%add3A_448] : memref<768xi32, #tpu.memory_space<vmem>> -> memref<128xi32, #tpu.memory_space<vmem>>
        %dma_wait3A_454 = arith.constant 0 : i32
        %dma_wait3A_455 = arith.constant 0 : i32
        %dma_wait3A_456 = tpu.memref_slice %arg16[%dma_wait3A_454, %dma_wait3A_455] : memref<800x128xf32, #tpu.memory_space<vmem_shared>> -> memref<800x128xf32, #tpu.memory_space<vmem_shared>>
        tpu.wait_indirect_dma semaphore(%arg18 : memref<!tpu.dma_semaphore, #tpu.memory_space<semaphore_mem>>) src(%dma_wait3A_452 : memref<128x128xf32, #tpu.memory_space<vmem>>) dst(%dma_wait3A_456 : memref<800x128xf32, #tpu.memory_space<vmem_shared>>)
      } else {
      }
      %add3A_121 = arith.constant 2 : i32
      %add3A_122 = arith.addi %while3A_96, %add3A_121 : i32
      %lt3A_123 = arith.cmpi slt, %add3A_122, %add3A_8 : i32
      %convert_element_type3A_124 = arith.extui %lt3A_123 : i1 to i32
      %cond3A_125 = arith.constant 0 : i32
      %cond3A_126 = arith.cmpi ne, %convert_element_type3A_124, %cond3A_125 : i32
      scf.if %cond3A_126 {
        %add3A_435 = arith.addi %add3A_4, %while3A_96 : i32
        %add3A_436 = arith.constant 2 : i32
        %add3A_437 = arith.addi %add3A_435, %add3A_436 : i32
        %mul3A_438 = arith.constant 256 : i32
        %mul3A_439 = arith.muli %add3A_437, %mul3A_438 : i32
        %dma_start3A_440 = arith.constant 0 : i32
        %dma_start3A_441 = arith.constant 0 : i32
        %dma_start3A_442 = tpu.memref_slice %arg9[%rem3A_102, %dma_start3A_440, %dma_start3A_441] : memref<3x256x128xf32, #tpu.memory_space<vmem>> -> memref<1x256x128xf32, #tpu.memory_space<vmem>>
        %dma_start3A_443 = tpu.memref_squeeze %dma_start3A_442 : memref<1x256x128xf32, #tpu.memory_space<vmem>> -> memref<256x128xf32, #tpu.memory_space<vmem>>
        %dma_start3A_444 = arith.constant 0 : i32
        %dma_start3A_445 = tpu.memref_slice %arg2[%mul3A_439, %dma_start3A_444] : memref<100000x128xf32, #tpu.memory_space<hbm>> -> memref<256x128xf32, #tpu.memory_space<hbm>>
        %dma_start3A_446 = arith.constant 0 : i32
        %dma_start3A_447 = arith.constant 0 : i32
        %dma_start3A_448 = tpu.memref_slice %arg9[%rem3A_102, %dma_start3A_446, %dma_start3A_447] : memref<3x256x128xf32, #tpu.memory_space<vmem>> -> memref<1x256x128xf32, #tpu.memory_space<vmem>>
        %dma_start3A_449 = tpu.memref_squeeze %dma_start3A_448 : memref<1x256x128xf32, #tpu.memory_space<vmem>> -> memref<256x128xf32, #tpu.memory_space<vmem>>
        %dma_start3A_450 = arith.constant 0 : i32
        %dma_start3A_451 = tpu.memref_slice %arg2[%mul3A_439, %dma_start3A_450] : memref<100000x128xf32, #tpu.memory_space<hbm>> -> memref<256x128xf32, #tpu.memory_space<hbm>>
        tpu.enqueue_dma source(%dma_start3A_451 : memref<256x128xf32, #tpu.memory_space<hbm>>) target(%dma_start3A_449 : memref<256x128xf32, #tpu.memory_space<vmem>>) target_semaphore(%arg17 : memref<!tpu.dma_semaphore, #tpu.memory_space<semaphore_mem>>)
      } else {
      }
      %mul3A_127 = arith.constant 256 : i32
      %mul3A_128 = arith.muli %while3A_96, %mul3A_127 : i32
      %add3A_129 = arith.constant 0 : i32
      %add3A_130 = arith.addi %mul3A_128, %add3A_129 : i32
      %get3A = arith.index_cast %add3A_130 : i32 to index
      %get3A_131 = tpu.vector_load %arg10[%get3A] {strides = array<i32>} : memref<3328xi32, #tpu.memory_space<vmem>>, vector<16xi32>,
      %mul3A_132 = arith.constant 8 : i32
      %mul3A_133 = vector.broadcast %mul3A_132 : i32 to vector<16xi32>
      %mul3A_134 = arith.muli %get3A_131, %mul3A_133 : vector<16xi32>
      %get3A_135 = arith.index_cast %add3A_130 : i32 to index
      %get3A_136 = tpu.vector_load %arg11[%get3A_135] {strides = array<i32>} : memref<3328xi32, #tpu.memory_space<vmem>>, vector<16xi32>,
      %add3A_137 = arith.addi %mul3A_134, %get3A_136 : vector<16xi32>
      %mul3A_138 = arith.constant 256 : i32
      %mul3A_139 = arith.muli %rem3A_98, %mul3A_138 : i32
      %add3A_140 = arith.constant 0 : i32
      %add3A_141 = arith.addi %mul3A_139, %add3A_140 : i32
      %swap3A = arith.index_cast %add3A_141 : i32 to index
      %swap3A_142 = tpu.vector_load %arg12[%swap3A] {strides = array<i32>} : memref<768xi32, #tpu.memory_space<vmem>>, vector<16xi32>,
      tpu.vector_store %arg12[%swap3A], %add3A_137 {strides = array<i32>} : memref<768xi32, #tpu.memory_space<vmem>>, vector<16xi32>,
      tpu.vector_store_idx %arg13[%add3A_137], %broadcast_in_dim3A_52 {add = true} : memref<800xf32, #tpu.memory_space<vmem>>[vector<16xi32>], vector<16xf32>,
      %mul3A_143 = arith.constant 256 : i32
      %mul3A_144 = arith.muli %while3A_96, %mul3A_143 : i32
      %add3A_145 = arith.constant 16 : i32
      %add3A_146 = arith.addi %mul3A_144, %add3A_145 : i32
      %get3A_147 = arith.index_cast %add3A_146 : i32 to index
      %get3A_148 = tpu.vector_load %arg10[%get3A_147] {strides = array<i32>} : memref<3328xi32, #tpu.memory_space<vmem>>, vector<16xi32>,
      %mul3A_149 = arith.constant 8 : i32
      %mul3A_150 = vector.broadcast %mul3A_149 : i32 to vector<16xi32>
      %mul3A_151 = arith.muli %get3A_148, %mul3A_150 : vector<16xi32>
      %get3A_152 = arith.index_cast %add3A_146 : i32 to index
      %get3A_153 = tpu.vector_load %arg11[%get3A_152] {strides = array<i32>} : memref<3328xi32, #tpu.memory_space<vmem>>, vector<16xi32>,
      %add3A_154 = arith.addi %mul3A_151, %get3A_153 : vector<16xi32>
      %mul3A_155 = arith.constant 256 : i32
      %mul3A_156 = arith.muli %rem3A_98, %mul3A_155 : i32
      %add3A_157 = arith.constant 16 : i32
      %add3A_158 = arith.addi %mul3A_156, %add3A_157 : i32
      %swap3A_159 = arith.index_cast %add3A_158 : i32 to index
      %swap3A_160 = tpu.vector_load %arg12[%swap3A_159] {strides = array<i32>} : memref<768xi32, #tpu.memory_space<vmem>>, vector<16xi32>,
      tpu.vector_store %arg12[%swap3A_159], %add3A_154 {strides = array<i32>} : memref<768xi32, #tpu.memory_space<vmem>>, vector<16xi32>,
      tpu.vector_store_idx %arg13[%add3A_154], %broadcast_in_dim3A_52 {add = true} : memref<800xf32, #tpu.memory_space<vmem>>[vector<16xi32>], vector<16xf32>,
      %mul3A_161 = arith.constant 256 : i32
      %mul3A_162 = arith.muli %while3A_96, %mul3A_161 : i32
      %add3A_163 = arith.constant 32 : i32
      %add3A_164 = arith.addi %mul3A_162, %add3A_163 : i32
      %get3A_165 = arith.index_cast %add3A_164 : i32 to index
      %get3A_166 = tpu.vector_load %arg10[%get3A_165] {strides = array<i32>} : memref<3328xi32, #tpu.memory_space<vmem>>, vector<16xi32>,
      %mul3A_167 = arith.constant 8 : i32
      %mul3A_168 = vector.broadcast %mul3A_167 : i32 to vector<16xi32>
      %mul3A_169 = arith.muli %get3A_166, %mul3A_168 : vector<16xi32>
      %get3A_170 = arith.index_cast %add3A_164 : i32 to index
      %get3A_171 = tpu.vector_load %arg11[%get3A_170] {strides = array<i32>} : memref<3328xi32, #tpu.memory_space<vmem>>, vector<16xi32>,
      %add3A_172 = arith.addi %mul3A_169, %get3A_171 : vector<16xi32>
      %mul3A_173 = arith.constant 256 : i32
      %mul3A_174 = arith.muli %rem3A_98, %mul3A_173 : i32
      %add3A_175 = arith.constant 32 : i32
      %add3A_176 = arith.addi %mul3A_174, %add3A_175 : i32
      %swap3A_177 = arith.index_cast %add3A_176 : i32 to index
      %swap3A_178 = tpu.vector_load %arg12[%swap3A_177] {strides = array<i32>} : memref<768xi32, #tpu.memory_space<vmem>>, vector<16xi32>,
      tpu.vector_store %arg12[%swap3A_177], %add3A_172 {strides = array<i32>} : memref<768xi32, #tpu.memory_space<vmem>>, vector<16xi32>,
      tpu.vector_store_idx %arg13[%add3A_172], %broadcast_in_dim3A_52 {add = true} : memref<800xf32, #tpu.memory_space<vmem>>[vector<16xi32>], vector<16xf32>,
      %mul3A_179 = arith.constant 256 : i32
      %mul3A_180 = arith.muli %while3A_96, %mul3A_179 : i32
      %add3A_181 = arith.constant 48 : i32
      %add3A_182 = arith.addi %mul3A_180, %add3A_181 : i32
      %get3A_183 = arith.index_cast %add3A_182 : i32 to index
      %get3A_184 = tpu.vector_load %arg10[%get3A_183] {strides = array<i32>} : memref<3328xi32, #tpu.memory_space<vmem>>, vector<16xi32>,
      %mul3A_185 = arith.constant 8 : i32
      %mul3A_186 = vector.broadcast %mul3A_185 : i32 to vector<16xi32>
      %mul3A_187 = arith.muli %get3A_184, %mul3A_186 : vector<16xi32>
      %get3A_188 = arith.index_cast %add3A_182 : i32 to index
      %get3A_189 = tpu.vector_load %arg11[%get3A_188] {strides = array<i32>} : memref<3328xi32, #tpu.memory_space<vmem>>, vector<16xi32>,
      %add3A_190 = arith.addi %mul3A_187, %get3A_189 : vector<16xi32>
      %mul3A_191 = arith.constant 256 : i32
      %mul3A_192 = arith.muli %rem3A_98, %mul3A_191 : i32
      %add3A_193 = arith.constant 48 : i32
      %add3A_194 = arith.addi %mul3A_192, %add3A_193 : i32
      %swap3A_195 = arith.index_cast %add3A_194 : i32 to index
      %swap3A_196 = tpu.vector_load %arg12[%swap3A_195] {strides = array<i32>} : memref<768xi32, #tpu.memory_space<vmem>>, vector<16xi32>,
      tpu.vector_store %arg12[%swap3A_195], %add3A_190 {strides = array<i32>} : memref<768xi32, #tpu.memory_space<vmem>>, vector<16xi32>,
      tpu.vector_store_idx %arg13[%add3A_190], %broadcast_in_dim3A_52 {add = true} : memref<800xf32, #tpu.memory_space<vmem>>[vector<16xi32>], vector<16xf32>,
      %mul3A_197 = arith.constant 256 : i32
      %mul3A_198 = arith.muli %while3A_96, %mul3A_197 : i32
      %add3A_199 = arith.constant 64 : i32
      %add3A_200 = arith.addi %mul3A_198, %add3A_199 : i32
      %get3A_201 = arith.index_cast %add3A_200 : i32 to index
      %get3A_202 = tpu.vector_load %arg10[%get3A_201] {strides = array<i32>} : memref<3328xi32, #tpu.memory_space<vmem>>, vector<16xi32>,
      %mul3A_203 = arith.constant 8 : i32
      %mul3A_204 = vector.broadcast %mul3A_203 : i32 to vector<16xi32>
      %mul3A_205 = arith.muli %get3A_202, %mul3A_204 : vector<16xi32>
      %get3A_206 = arith.index_cast %add3A_200 : i32 to index
      %get3A_207 = tpu.vector_load %arg11[%get3A_206] {strides = array<i32>} : memref<3328xi32, #tpu.memory_space<vmem>>, vector<16xi32>,
      %add3A_208 = arith.addi %mul3A_205, %get3A_207 : vector<16xi32>
      %mul3A_209 = arith.constant 256 : i32
      %mul3A_210 = arith.muli %rem3A_98, %mul3A_209 : i32
      %add3A_211 = arith.constant 64 : i32
      %add3A_212 = arith.addi %mul3A_210, %add3A_211 : i32
      %swap3A_213 = arith.index_cast %add3A_212 : i32 to index
      %swap3A_214 = tpu.vector_load %arg12[%swap3A_213] {strides = array<i32>} : memref<768xi32, #tpu.memory_space<vmem>>, vector<16xi32>,
      tpu.vector_store %arg12[%swap3A_213], %add3A_208 {strides = array<i32>} : memref<768xi32, #tpu.memory_space<vmem>>, vector<16xi32>,
      tpu.vector_store_idx %arg13[%add3A_208], %broadcast_in_dim3A_52 {add = true} : memref<800xf32, #tpu.memory_space<vmem>>[vector<16xi32>], vector<16xf32>,
      %mul3A_215 = arith.constant 256 : i32
      %mul3A_216 = arith.muli %while3A_96, %mul3A_215 : i32
      %add3A_217 = arith.constant 80 : i32
      %add3A_218 = arith.addi %mul3A_216, %add3A_217 : i32
      %get3A_219 = arith.index_cast %add3A_218 : i32 to index
      %get3A_220 = tpu.vector_load %arg10[%get3A_219] {strides = array<i32>} : memref<3328xi32, #tpu.memory_space<vmem>>, vector<16xi32>,
      %mul3A_221 = arith.constant 8 : i32
      %mul3A_222 = vector.broadcast %mul3A_221 : i32 to vector<16xi32>
      %mul3A_223 = arith.muli %get3A_220, %mul3A_222 : vector<16xi32>
      %get3A_224 = arith.index_cast %add3A_218 : i32 to index
      %get3A_225 = tpu.vector_load %arg11[%get3A_224] {strides = array<i32>} : memref<3328xi32, #tpu.memory_space<vmem>>, vector<16xi32>,
      %add3A_226 = arith.addi %mul3A_223, %get3A_225 : vector<16xi32>
      %mul3A_227 = arith.constant 256 : i32
      %mul3A_228 = arith.muli %rem3A_98, %mul3A_227 : i32
      %add3A_229 = arith.constant 80 : i32
      %add3A_230 = arith.addi %mul3A_228, %add3A_229 : i32
      %swap3A_231 = arith.index_cast %add3A_230 : i32 to index
      %swap3A_232 = tpu.vector_load %arg12[%swap3A_231] {strides = array<i32>} : memref<768xi32, #tpu.memory_space<vmem>>, vector<16xi32>,
      tpu.vector_store %arg12[%swap3A_231], %add3A_226 {strides = array<i32>} : memref<768xi32, #tpu.memory_space<vmem>>, vector<16xi32>,
      tpu.vector_store_idx %arg13[%add3A_226], %broadcast_in_dim3A_52 {add = true} : memref<800xf32, #tpu.memory_space<vmem>>[vector<16xi32>], vector<16xf32>,
      %mul3A_233 = arith.constant 256 : i32
      %mul3A_234 = arith.muli %while3A_96, %mul3A_233 : i32
      %add3A_235 = arith.constant 96 : i32
      %add3A_236 = arith.addi %mul3A_234, %add3A_235 : i32
      %get3A_237 = arith.index_cast %add3A_236 : i32 to index
      %get3A_238 = tpu.vector_load %arg10[%get3A_237] {strides = array<i32>} : memref<3328xi32, #tpu.memory_space<vmem>>, vector<16xi32>,
      %mul3A_239 = arith.constant 8 : i32
      %mul3A_240 = vector.broadcast %mul3A_239 : i32 to vector<16xi32>
      %mul3A_241 = arith.muli %get3A_238, %mul3A_240 : vector<16xi32>
      %get3A_242 = arith.index_cast %add3A_236 : i32 to index
      %get3A_243 = tpu.vector_load %arg11[%get3A_242] {strides = array<i32>} : memref<3328xi32, #tpu.memory_space<vmem>>, vector<16xi32>,
      %add3A_244 = arith.addi %mul3A_241, %get3A_243 : vector<16xi32>
      %mul3A_245 = arith.constant 256 : i32
      %mul3A_246 = arith.muli %rem3A_98, %mul3A_245 : i32
      %add3A_247 = arith.constant 96 : i32
      %add3A_248 = arith.addi %mul3A_246, %add3A_247 : i32
      %swap3A_249 = arith.index_cast %add3A_248 : i32 to index
      %swap3A_250 = tpu.vector_load %arg12[%swap3A_249] {strides = array<i32>} : memref<768xi32, #tpu.memory_space<vmem>>, vector<16xi32>,
      tpu.vector_store %arg12[%swap3A_249], %add3A_244 {strides = array<i32>} : memref<768xi32, #tpu.memory_space<vmem>>, vector<16xi32>,
      tpu.vector_store_idx %arg13[%add3A_244], %broadcast_in_dim3A_52 {add = true} : memref<800xf32, #tpu.memory_space<vmem>>[vector<16xi32>], vector<16xf32>,
      %mul3A_251 = arith.constant 256 : i32
      %mul3A_252 = arith.muli %while3A_96, %mul3A_251 : i32
      %add3A_253 = arith.constant 112 : i32
      %add3A_254 = arith.addi %mul3A_252, %add3A_253 : i32
      %get3A_255 = arith.index_cast %add3A_254 : i32 to index
      %get3A_256 = tpu.vector_load %arg10[%get3A_255] {strides = array<i32>} : memref<3328xi32, #tpu.memory_space<vmem>>, vector<16xi32>,
      %mul3A_257 = arith.constant 8 : i32
      %mul3A_258 = vector.broadcast %mul3A_257 : i32 to vector<16xi32>
      %mul3A_259 = arith.muli %get3A_256, %mul3A_258 : vector<16xi32>
      %get3A_260 = arith.index_cast %add3A_254 : i32 to index
      %get3A_261 = tpu.vector_load %arg11[%get3A_260] {strides = array<i32>} : memref<3328xi32, #tpu.memory_space<vmem>>, vector<16xi32>,
      %add3A_262 = arith.addi %mul3A_259, %get3A_261 : vector<16xi32>
      %mul3A_263 = arith.constant 256 : i32
      %mul3A_264 = arith.muli %rem3A_98, %mul3A_263 : i32
      %add3A_265 = arith.constant 112 : i32
      %add3A_266 = arith.addi %mul3A_264, %add3A_265 : i32
      %swap3A_267 = arith.index_cast %add3A_266 : i32 to index
      %swap3A_268 = tpu.vector_load %arg12[%swap3A_267] {strides = array<i32>} : memref<768xi32, #tpu.memory_space<vmem>>, vector<16xi32>,
      tpu.vector_store %arg12[%swap3A_267], %add3A_262 {strides = array<i32>} : memref<768xi32, #tpu.memory_space<vmem>>, vector<16xi32>,
      tpu.vector_store_idx %arg13[%add3A_262], %broadcast_in_dim3A_52 {add = true} : memref<800xf32, #tpu.memory_space<vmem>>[vector<16xi32>], vector<16xf32>,
      %mul3A_269 = arith.constant 256 : i32
      %mul3A_270 = arith.muli %while3A_96, %mul3A_269 : i32
      %add3A_271 = arith.constant 128 : i32
      %add3A_272 = arith.addi %mul3A_270, %add3A_271 : i32
      %get3A_273 = arith.index_cast %add3A_272 : i32 to index
      %get3A_274 = tpu.vector_load %arg10[%get3A_273] {strides = array<i32>} : memref<3328xi32, #tpu.memory_space<vmem>>, vector<16xi32>,
      %mul3A_275 = arith.constant 8 : i32
      %mul3A_276 = vector.broadcast %mul3A_275 : i32 to vector<16xi32>
      %mul3A_277 = arith.muli %get3A_274, %mul3A_276 : vector<16xi32>
      %get3A_278 = arith.index_cast %add3A_272 : i32 to index
      %get3A_279 = tpu.vector_load %arg11[%get3A_278] {strides = array<i32>} : memref<3328xi32, #tpu.memory_space<vmem>>, vector<16xi32>,
      %add3A_280 = arith.addi %mul3A_277, %get3A_279 : vector<16xi32>
      %mul3A_281 = arith.constant 256 : i32
      %mul3A_282 = arith.muli %rem3A_98, %mul3A_281 : i32
      %add3A_283 = arith.constant 128 : i32
      %add3A_284 = arith.addi %mul3A_282, %add3A_283 : i32
      %swap3A_285 = arith.index_cast %add3A_284 : i32 to index
      %swap3A_286 = tpu.vector_load %arg12[%swap3A_285] {strides = array<i32>} : memref<768xi32, #tpu.memory_space<vmem>>, vector<16xi32>,
      tpu.vector_store %arg12[%swap3A_285], %add3A_280 {strides = array<i32>} : memref<768xi32, #tpu.memory_space<vmem>>, vector<16xi32>,
      tpu.vector_store_idx %arg13[%add3A_280], %broadcast_in_dim3A_52 {add = true} : memref<800xf32, #tpu.memory_space<vmem>>[vector<16xi32>], vector<16xf32>,
      %mul3A_287 = arith.constant 256 : i32
      %mul3A_288 = arith.muli %while3A_96, %mul3A_287 : i32
      %add3A_289 = arith.constant 144 : i32
      %add3A_290 = arith.addi %mul3A_288, %add3A_289 : i32
      %get3A_291 = arith.index_cast %add3A_290 : i32 to index
      %get3A_292 = tpu.vector_load %arg10[%get3A_291] {strides = array<i32>} : memref<3328xi32, #tpu.memory_space<vmem>>, vector<16xi32>,
      %mul3A_293 = arith.constant 8 : i32
      %mul3A_294 = vector.broadcast %mul3A_293 : i32 to vector<16xi32>
      %mul3A_295 = arith.muli %get3A_292, %mul3A_294 : vector<16xi32>
      %get3A_296 = arith.index_cast %add3A_290 : i32 to index
      %get3A_297 = tpu.vector_load %arg11[%get3A_296] {strides = array<i32>} : memref<3328xi32, #tpu.memory_space<vmem>>, vector<16xi32>,
      %add3A_298 = arith.addi %mul3A_295, %get3A_297 : vector<16xi32>
      %mul3A_299 = arith.constant 256 : i32
      %mul3A_300 = arith.muli %rem3A_98, %mul3A_299 : i32
      %add3A_301 = arith.constant 144 : i32
      %add3A_302 = arith.addi %mul3A_300, %add3A_301 : i32
      %swap3A_303 = arith.index_cast %add3A_302 : i32 to index
      %swap3A_304 = tpu.vector_load %arg12[%swap3A_303] {strides = array<i32>} : memref<768xi32, #tpu.memory_space<vmem>>, vector<16xi32>,
      tpu.vector_store %arg12[%swap3A_303], %add3A_298 {strides = array<i32>} : memref<768xi32, #tpu.memory_space<vmem>>, vector<16xi32>,
      tpu.vector_store_idx %arg13[%add3A_298], %broadcast_in_dim3A_52 {add = true} : memref<800xf32, #tpu.memory_space<vmem>>[vector<16xi32>], vector<16xf32>,
      %mul3A_305 = arith.constant 256 : i32
      %mul3A_306 = arith.muli %while3A_96, %mul3A_305 : i32
      %add3A_307 = arith.constant 160 : i32
      %add3A_308 = arith.addi %mul3A_306, %add3A_307 : i32
      %get3A_309 = arith.index_cast %add3A_308 : i32 to index
      %get3A_310 = tpu.vector_load %arg10[%get3A_309] {strides = array<i32>} : memref<3328xi32, #tpu.memory_space<vmem>>, vector<16xi32>,
      %mul3A_311 = arith.constant 8 : i32
      %mul3A_312 = vector.broadcast %mul3A_311 : i32 to vector<16xi32>
      %mul3A_313 = arith.muli %get3A_310, %mul3A_312 : vector<16xi32>
      %get3A_314 = arith.index_cast %add3A_308 : i32 to index
      %get3A_315 = tpu.vector_load %arg11[%get3A_314] {strides = array<i32>} : memref<3328xi32, #tpu.memory_space<vmem>>, vector<16xi32>,
      %add3A_316 = arith.addi %mul3A_313, %get3A_315 : vector<16xi32>
      %mul3A_317 = arith.constant 256 : i32
      %mul3A_318 = arith.muli %rem3A_98, %mul3A_317 : i32
      %add3A_319 = arith.constant 160 : i32
      %add3A_320 = arith.addi %mul3A_318, %add3A_319 : i32
      %swap3A_321 = arith.index_cast %add3A_320 : i32 to index
      %swap3A_322 = tpu.vector_load %arg12[%swap3A_321] {strides = array<i32>} : memref<768xi32, #tpu.memory_space<vmem>>, vector<16xi32>,
      tpu.vector_store %arg12[%swap3A_321], %add3A_316 {strides = array<i32>} : memref<768xi32, #tpu.memory_space<vmem>>, vector<16xi32>,
      tpu.vector_store_idx %arg13[%add3A_316], %broadcast_in_dim3A_52 {add = true} : memref<800xf32, #tpu.memory_space<vmem>>[vector<16xi32>], vector<16xf32>,
      %mul3A_323 = arith.constant 256 : i32
      %mul3A_324 = arith.muli %while3A_96, %mul3A_323 : i32
      %add3A_325 = arith.constant 176 : i32
      %add3A_326 = arith.addi %mul3A_324, %add3A_325 : i32
      %get3A_327 = arith.index_cast %add3A_326 : i32 to index
      %get3A_328 = tpu.vector_load %arg10[%get3A_327] {strides = array<i32>} : memref<3328xi32, #tpu.memory_space<vmem>>, vector<16xi32>,
      %mul3A_329 = arith.constant 8 : i32
      %mul3A_330 = vector.broadcast %mul3A_329 : i32 to vector<16xi32>
      %mul3A_331 = arith.muli %get3A_328, %mul3A_330 : vector<16xi32>
      %get3A_332 = arith.index_cast %add3A_326 : i32 to index
      %get3A_333 = tpu.vector_load %arg11[%get3A_332] {strides = array<i32>} : memref<3328xi32, #tpu.memory_space<vmem>>, vector<16xi32>,
      %add3A_334 = arith.addi %mul3A_331, %get3A_333 : vector<16xi32>
      %mul3A_335 = arith.constant 256 : i32
      %mul3A_336 = arith.muli %rem3A_98, %mul3A_335 : i32
      %add3A_337 = arith.constant 176 : i32
      %add3A_338 = arith.addi %mul3A_336, %add3A_337 : i32
      %swap3A_339 = arith.index_cast %add3A_338 : i32 to index
      %swap3A_340 = tpu.vector_load %arg12[%swap3A_339] {strides = array<i32>} : memref<768xi32, #tpu.memory_space<vmem>>, vector<16xi32>,
      tpu.vector_store %arg12[%swap3A_339], %add3A_334 {strides = array<i32>} : memref<768xi32, #tpu.memory_space<vmem>>, vector<16xi32>,
      tpu.vector_store_idx %arg13[%add3A_334], %broadcast_in_dim3A_52 {add = true} : memref<800xf32, #tpu.memory_space<vmem>>[vector<16xi32>], vector<16xf32>,
      %mul3A_341 = arith.constant 256 : i32
      %mul3A_342 = arith.muli %while3A_96, %mul3A_341 : i32
      %add3A_343 = arith.constant 192 : i32
      %add3A_344 = arith.addi %mul3A_342, %add3A_343 : i32
      %get3A_345 = arith.index_cast %add3A_344 : i32 to index
      %get3A_346 = tpu.vector_load %arg10[%get3A_345] {strides = array<i32>} : memref<3328xi32, #tpu.memory_space<vmem>>, vector<16xi32>,
      %mul3A_347 = arith.constant 8 : i32
      %mul3A_348 = vector.broadcast %mul3A_347 : i32 to vector<16xi32>
      %mul3A_349 = arith.muli %get3A_346, %mul3A_348 : vector<16xi32>
      %get3A_350 = arith.index_cast %add3A_344 : i32 to index
      %get3A_351 = tpu.vector_load %arg11[%get3A_350] {strides = array<i32>} : memref<3328xi32, #tpu.memory_space<vmem>>, vector<16xi32>,
      %add3A_352 = arith.addi %mul3A_349, %get3A_351 : vector<16xi32>
      %mul3A_353 = arith.constant 256 : i32
      %mul3A_354 = arith.muli %rem3A_98, %mul3A_353 : i32
      %add3A_355 = arith.constant 192 : i32
      %add3A_356 = arith.addi %mul3A_354, %add3A_355 : i32
      %swap3A_357 = arith.index_cast %add3A_356 : i32 to index
      %swap3A_358 = tpu.vector_load %arg12[%swap3A_357] {strides = array<i32>} : memref<768xi32, #tpu.memory_space<vmem>>, vector<16xi32>,
      tpu.vector_store %arg12[%swap3A_357], %add3A_352 {strides = array<i32>} : memref<768xi32, #tpu.memory_space<vmem>>, vector<16xi32>,
      tpu.vector_store_idx %arg13[%add3A_352], %broadcast_in_dim3A_52 {add = true} : memref<800xf32, #tpu.memory_space<vmem>>[vector<16xi32>], vector<16xf32>,
      %mul3A_359 = arith.constant 256 : i32
      %mul3A_360 = arith.muli %while3A_96, %mul3A_359 : i32
      %add3A_361 = arith.constant 208 : i32
      %add3A_362 = arith.addi %mul3A_360, %add3A_361 : i32
      %get3A_363 = arith.index_cast %add3A_362 : i32 to index
      %get3A_364 = tpu.vector_load %arg10[%get3A_363] {strides = array<i32>} : memref<3328xi32, #tpu.memory_space<vmem>>, vector<16xi32>,
      %mul3A_365 = arith.constant 8 : i32
      %mul3A_366 = vector.broadcast %mul3A_365 : i32 to vector<16xi32>
      %mul3A_367 = arith.muli %get3A_364, %mul3A_366 : vector<16xi32>
      %get3A_368 = arith.index_cast %add3A_362 : i32 to index
      %get3A_369 = tpu.vector_load %arg11[%get3A_368] {strides = array<i32>} : memref<3328xi32, #tpu.memory_space<vmem>>, vector<16xi32>,
      %add3A_370 = arith.addi %mul3A_367, %get3A_369 : vector<16xi32>
      %mul3A_371 = arith.constant 256 : i32
      %mul3A_372 = arith.muli %rem3A_98, %mul3A_371 : i32
      %add3A_373 = arith.constant 208 : i32
      %add3A_374 = arith.addi %mul3A_372, %add3A_373 : i32
      %swap3A_375 = arith.index_cast %add3A_374 : i32 to index
      %swap3A_376 = tpu.vector_load %arg12[%swap3A_375] {strides = array<i32>} : memref<768xi32, #tpu.memory_space<vmem>>, vector<16xi32>,
      tpu.vector_store %arg12[%swap3A_375], %add3A_370 {strides = array<i32>} : memref<768xi32, #tpu.memory_space<vmem>>, vector<16xi32>,
      tpu.vector_store_idx %arg13[%add3A_370], %broadcast_in_dim3A_52 {add = true} : memref<800xf32, #tpu.memory_space<vmem>>[vector<16xi32>], vector<16xf32>,
      %mul3A_377 = arith.constant 256 : i32
      %mul3A_378 = arith.muli %while3A_96, %mul3A_377 : i32
      %add3A_379 = arith.constant 224 : i32
      %add3A_380 = arith.addi %mul3A_378, %add3A_379 : i32
      %get3A_381 = arith.index_cast %add3A_380 : i32 to index
      %get3A_382 = tpu.vector_load %arg10[%get3A_381] {strides = array<i32>} : memref<3328xi32, #tpu.memory_space<vmem>>, vector<16xi32>,
      %mul3A_383 = arith.constant 8 : i32
      %mul3A_384 = vector.broadcast %mul3A_383 : i32 to vector<16xi32>
      %mul3A_385 = arith.muli %get3A_382, %mul3A_384 : vector<16xi32>
      %get3A_386 = arith.index_cast %add3A_380 : i32 to index
      %get3A_387 = tpu.vector_load %arg11[%get3A_386] {strides = array<i32>} : memref<3328xi32, #tpu.memory_space<vmem>>, vector<16xi32>,
      %add3A_388 = arith.addi %mul3A_385, %get3A_387 : vector<16xi32>
      %mul3A_389 = arith.constant 256 : i32
      %mul3A_390 = arith.muli %rem3A_98, %mul3A_389 : i32
      %add3A_391 = arith.constant 224 : i32
      %add3A_392 = arith.addi %mul3A_390, %add3A_391 : i32
      %swap3A_393 = arith.index_cast %add3A_392 : i32 to index
      %swap3A_394 = tpu.vector_load %arg12[%swap3A_393] {strides = array<i32>} : memref<768xi32, #tpu.memory_space<vmem>>, vector<16xi32>,
      tpu.vector_store %arg12[%swap3A_393], %add3A_388 {strides = array<i32>} : memref<768xi32, #tpu.memory_space<vmem>>, vector<16xi32>,
      tpu.vector_store_idx %arg13[%add3A_388], %broadcast_in_dim3A_52 {add = true} : memref<800xf32, #tpu.memory_space<vmem>>[vector<16xi32>], vector<16xf32>,
      %mul3A_395 = arith.constant 256 : i32
      %mul3A_396 = arith.muli %while3A_96, %mul3A_395 : i32
      %add3A_397 = arith.constant 240 : i32
      %add3A_398 = arith.addi %mul3A_396, %add3A_397 : i32
      %get3A_399 = arith.index_cast %add3A_398 : i32 to index
      %get3A_400 = tpu.vector_load %arg10[%get3A_399] {strides = array<i32>} : memref<3328xi32, #tpu.memory_space<vmem>>, vector<16xi32>,
      %mul3A_401 = arith.constant 8 : i32
      %mul3A_402 = vector.broadcast %mul3A_401 : i32 to vector<16xi32>
      %mul3A_403 = arith.muli %get3A_400, %mul3A_402 : vector<16xi32>
      %get3A_404 = arith.index_cast %add3A_398 : i32 to index
      %get3A_405 = tpu.vector_load %arg11[%get3A_404] {strides = array<i32>} : memref<3328xi32, #tpu.memory_space<vmem>>, vector<16xi32>,
      %add3A_406 = arith.addi %mul3A_403, %get3A_405 : vector<16xi32>
      %mul3A_407 = arith.constant 256 : i32
      %mul3A_408 = arith.muli %rem3A_98, %mul3A_407 : i32
      %add3A_409 = arith.constant 240 : i32
      %add3A_410 = arith.addi %mul3A_408, %add3A_409 : i32
      %swap3A_411 = arith.index_cast %add3A_410 : i32 to index
      %swap3A_412 = tpu.vector_load %arg12[%swap3A_411] {strides = array<i32>} : memref<768xi32, #tpu.memory_space<vmem>>, vector<16xi32>,
      tpu.vector_store %arg12[%swap3A_411], %add3A_406 {strides = array<i32>} : memref<768xi32, #tpu.memory_space<vmem>>, vector<16xi32>,
      tpu.vector_store_idx %arg13[%add3A_406], %broadcast_in_dim3A_52 {add = true} : memref<800xf32, #tpu.memory_space<vmem>>[vector<16xi32>], vector<16xf32>,
      %mul3A_413 = arith.constant 256 : i32
      %mul3A_414 = arith.muli %rem3A_98, %mul3A_413 : i32
      %dma_start3A_415 = arith.constant 0 : i32
      %dma_start3A_416 = arith.constant 0 : i32
      %dma_start3A_417 = tpu.memref_slice %arg9[%rem3A_98, %dma_start3A_415, %dma_start3A_416] : memref<3x256x128xf32, #tpu.memory_space<vmem>> -> memref<1x128x128xf32, #tpu.memory_space<vmem>>
      %dma_start3A_418 = tpu.memref_squeeze %dma_start3A_417 : memref<1x128x128xf32, #tpu.memory_space<vmem>> -> memref<128x128xf32, #tpu.memory_space<vmem>>
      %dma_start3A_419 = tpu.memref_slice %arg12[%mul3A_414] : memref<768xi32, #tpu.memory_space<vmem>> -> memref<128xi32, #tpu.memory_space<vmem>>
      %dma_start3A_420 = arith.constant 0 : i32
      %dma_start3A_421 = arith.constant 0 : i32
      %dma_start3A_422 = tpu.memref_slice %arg16[%dma_start3A_420, %dma_start3A_421] : memref<800x128xf32, #tpu.memory_space<vmem_shared>> -> memref<800x128xf32, #tpu.memory_space<vmem_shared>>
      tpu.enqueue_indirect_dma source(%dma_start3A_418 : memref<128x128xf32, #tpu.memory_space<vmem>>) target(%dma_start3A_422 : memref<800x128xf32, #tpu.memory_space<vmem_shared>>) offsets(%dma_start3A_419 : memref<128xi32, #tpu.memory_space<vmem>>) semaphore(%arg18 : memref<!tpu.dma_semaphore, #tpu.memory_space<semaphore_mem>>) {add = true}
      %mul3A_423 = arith.constant 256 : i32
      %mul3A_424 = arith.muli %rem3A_98, %mul3A_423 : i32
      %add3A_425 = arith.constant 128 : i32
      %add3A_426 = arith.addi %mul3A_424, %add3A_425 : i32
      %dma_start3A_427 = arith.constant 128 : i32
      %dma_start3A_428 = arith.constant 0 : i32
      %dma_start3A_429 = tpu.memref_slice %arg9[%rem3A_98, %dma_start3A_427, %dma_start3A_428] : memref<3x256x128xf32, #tpu.memory_space<vmem>> -> memref<1x128x128xf32, #tpu.memory_space<vmem>>
      %dma_start3A_430 = tpu.memref_squeeze %dma_start3A_429 : memref<1x128x128xf32, #tpu.memory_space<vmem>> -> memref<128x128xf32, #tpu.memory_space<vmem>>
      %dma_start3A_431 = tpu.memref_slice %arg12[%add3A_426] : memref<768xi32, #tpu.memory_space<vmem>> -> memref<128xi32, #tpu.memory_space<vmem>>
      %dma_start3A_432 = arith.constant 0 : i32
      %dma_start3A_433 = arith.constant 0 : i32
      %dma_start3A_434 = tpu.memref_slice %arg16[%dma_start3A_432, %dma_start3A_433] : memref<800x128xf32, #tpu.memory_space<vmem_shared>> -> memref<800x128xf32, #tpu.memory_space<vmem_shared>>
      tpu.enqueue_indirect_dma source(%dma_start3A_430 : memref<128x128xf32, #tpu.memory_space<vmem>>) target(%dma_start3A_434 : memref<800x128xf32, #tpu.memory_space<vmem_shared>>) offsets(%dma_start3A_431 : memref<128xi32, #tpu.memory_space<vmem>>) semaphore(%arg18 : memref<!tpu.dma_semaphore, #tpu.memory_space<semaphore_mem>>) {add = true}
    }
    %while3A_61 = arith.constant 1 : i32
    scf.for %while3A_96 = %while3A_59 to %while3A_55 step %while3A_61  : i32 {
      %rem3A_97 = arith.constant 3 : i32
      %rem3A_98 = arith.remsi %while3A_96, %rem3A_97 : i32
      %add3A_99 = arith.constant 2 : i32
      %add3A_100 = arith.addi %while3A_96, %add3A_99 : i32
      %rem3A_101 = arith.constant 3 : i32
      %rem3A_102 = arith.remsi %add3A_100, %rem3A_101 : i32
      %dma_wait3A_103 = arith.constant 0 : i32
      %dma_wait3A_104 = arith.constant 0 : i32
      %dma_wait3A_105 = tpu.memref_slice %arg9[%rem3A_98, %dma_wait3A_103, %dma_wait3A_104] : memref<3x256x128xf32, #tpu.memory_space<vmem>> -> memref<1x256x128xf32, #tpu.memory_space<vmem>>
      %dma_wait3A_106 = tpu.memref_squeeze %dma_wait3A_105 : memref<1x256x128xf32, #tpu.memory_space<vmem>> -> memref<256x128xf32, #tpu.memory_space<vmem>>
      %dma_wait3A_107 = arith.constant 0 : i32
      %dma_wait3A_108 = arith.constant 0 : i32
      %dma_wait3A_109 = tpu.memref_slice %arg2[%dma_wait3A_107, %dma_wait3A_108] : memref<100000x128xf32, #tpu.memory_space<hbm>> -> memref<256x128xf32, #tpu.memory_space<hbm>>
      %dma_wait3A_110 = arith.constant 0 : i32
      %dma_wait3A_111 = arith.constant 0 : i32
      %dma_wait3A_112 = tpu.memref_slice %arg9[%rem3A_98, %dma_wait3A_110, %dma_wait3A_111] : memref<3x256x128xf32, #tpu.memory_space<vmem>> -> memref<1x256x128xf32, #tpu.memory_space<vmem>>
      %dma_wait3A_113 = tpu.memref_squeeze %dma_wait3A_112 : memref<1x256x128xf32, #tpu.memory_space<vmem>> -> memref<256x128xf32, #tpu.memory_space<vmem>>
      %dma_wait3A_114 = arith.constant 0 : i32
      %dma_wait3A_115 = arith.constant 0 : i32
      %dma_wait3A_116 = tpu.memref_slice %arg2[%dma_wait3A_114, %dma_wait3A_115] : memref<100000x128xf32, #tpu.memory_space<hbm>> -> memref<256x128xf32, #tpu.memory_space<hbm>>
      tpu.wait_dma2 semaphore(%arg17 : memref<!tpu.dma_semaphore, #tpu.memory_space<semaphore_mem>>) src(%dma_wait3A_116 : memref<256x128xf32, #tpu.memory_space<hbm>>) dst(%dma_wait3A_113 : memref<256x128xf32, #tpu.memory_space<vmem>>)
      %gt3A = arith.constant 0 : i32
      %gt3A_117 = arith.cmpi sgt, %while3A_96, %gt3A : i32
      %convert_element_type3A_118 = arith.extui %gt3A_117 : i1 to i32
      %cond3A_119 = arith.constant 0 : i32
      %cond3A_120 = arith.cmpi ne, %convert_element_type3A_118, %cond3A_119 : i32
      scf.if %cond3A_120 {
        %mul3A_435 = arith.constant 256 : i32
        %mul3A_436 = arith.muli %rem3A_102, %mul3A_435 : i32
        %dma_wait3A_437 = arith.constant 0 : i32
        %dma_wait3A_438 = arith.constant 0 : i32
        %dma_wait3A_439 = tpu.memref_slice %arg9[%rem3A_102, %dma_wait3A_437, %dma_wait3A_438] : memref<3x256x128xf32, #tpu.memory_space<vmem>> -> memref<1x128x128xf32, #tpu.memory_space<vmem>>
        %dma_wait3A_440 = tpu.memref_squeeze %dma_wait3A_439 : memref<1x128x128xf32, #tpu.memory_space<vmem>> -> memref<128x128xf32, #tpu.memory_space<vmem>>
        %dma_wait3A_441 = tpu.memref_slice %arg12[%mul3A_436] : memref<768xi32, #tpu.memory_space<vmem>> -> memref<128xi32, #tpu.memory_space<vmem>>
        %dma_wait3A_442 = arith.constant 0 : i32
        %dma_wait3A_443 = arith.constant 0 : i32
        %dma_wait3A_444 = tpu.memref_slice %arg16[%dma_wait3A_442, %dma_wait3A_443] : memref<800x128xf32, #tpu.memory_space<vmem_shared>> -> memref<800x128xf32, #tpu.memory_space<vmem_shared>>
        tpu.wait_indirect_dma semaphore(%arg18 : memref<!tpu.dma_semaphore, #tpu.memory_space<semaphore_mem>>) src(%dma_wait3A_440 : memref<128x128xf32, #tpu.memory_space<vmem>>) dst(%dma_wait3A_444 : memref<800x128xf32, #tpu.memory_space<vmem_shared>>)
        %mul3A_445 = arith.constant 256 : i32
        %mul3A_446 = arith.muli %rem3A_102, %mul3A_445 : i32
        %add3A_447 = arith.constant 128 : i32
        %add3A_448 = arith.addi %mul3A_446, %add3A_447 : i32
        %dma_wait3A_449 = arith.constant 128 : i32
        %dma_wait3A_450 = arith.constant 0 : i32
        %dma_wait3A_451 = tpu.memref_slice %arg9[%rem3A_102, %dma_wait3A_449, %dma_wait3A_450] : memref<3x256x128xf32, #tpu.memory_space<vmem>> -> memref<1x128x128xf32, #tpu.memory_space<vmem>>
        %dma_wait3A_452 = tpu.memref_squeeze %dma_wait3A_451 : memref<1x128x128xf32, #tpu.memory_space<vmem>> -> memref<128x128xf32, #tpu.memory_space<vmem>>
        %dma_wait3A_453 = tpu.memref_slice %arg12[%add3A_448] : memref<768xi32, #tpu.memory_space<vmem>> -> memref<128xi32, #tpu.memory_space<vmem>>
        %dma_wait3A_454 = arith.constant 0 : i32
        %dma_wait3A_455 = arith.constant 0 : i32
        %dma_wait3A_456 = tpu.memref_slice %arg16[%dma_wait3A_454, %dma_wait3A_455] : memref<800x128xf32, #tpu.memory_space<vmem_shared>> -> memref<800x128xf32, #tpu.memory_space<vmem_shared>>
        tpu.wait_indirect_dma semaphore(%arg18 : memref<!tpu.dma_semaphore, #tpu.memory_space<semaphore_mem>>) src(%dma_wait3A_452 : memref<128x128xf32, #tpu.memory_space<vmem>>) dst(%dma_wait3A_456 : memref<800x128xf32, #tpu.memory_space<vmem_shared>>)
      } else {
      }
      %add3A_121 = arith.constant 2 : i32
      %add3A_122 = arith.addi %while3A_96, %add3A_121 : i32
      %lt3A_123 = arith.cmpi slt, %add3A_122, %add3A_8 : i32
      %convert_element_type3A_124 = arith.extui %lt3A_123 : i1 to i32
      %cond3A_125 = arith.constant 0 : i32
      %cond3A_126 = arith.cmpi ne, %convert_element_type3A_124, %cond3A_125 : i32
      scf.if %cond3A_126 {
        %add3A_435 = arith.addi %add3A_4, %while3A_96 : i32
        %add3A_436 = arith.constant 2 : i32
        %add3A_437 = arith.addi %add3A_435, %add3A_436 : i32
        %mul3A_438 = arith.constant 256 : i32
        %mul3A_439 = arith.muli %add3A_437, %mul3A_438 : i32
        %dma_start3A_440 = arith.constant 0 : i32
        %dma_start3A_441 = arith.constant 0 : i32
        %dma_start3A_442 = tpu.memref_slice %arg9[%rem3A_102, %dma_start3A_440, %dma_start3A_441] : memref<3x256x128xf32, #tpu.memory_space<vmem>> -> memref<1x256x128xf32, #tpu.memory_space<vmem>>
        %dma_start3A_443 = tpu.memref_squeeze %dma_start3A_442 : memref<1x256x128xf32, #tpu.memory_space<vmem>> -> memref<256x128xf32, #tpu.memory_space<vmem>>
        %dma_start3A_444 = arith.constant 0 : i32
        %dma_start3A_445 = tpu.memref_slice %arg2[%mul3A_439, %dma_start3A_444] : memref<100000x128xf32, #tpu.memory_space<hbm>> -> memref<256x128xf32, #tpu.memory_space<hbm>>
        %dma_start3A_446 = arith.constant 0 : i32
        %dma_start3A_447 = arith.constant 0 : i32
        %dma_start3A_448 = tpu.memref_slice %arg9[%rem3A_102, %dma_start3A_446, %dma_start3A_447] : memref<3x256x128xf32, #tpu.memory_space<vmem>> -> memref<1x256x128xf32, #tpu.memory_space<vmem>>
        %dma_start3A_449 = tpu.memref_squeeze %dma_start3A_448 : memref<1x256x128xf32, #tpu.memory_space<vmem>> -> memref<256x128xf32, #tpu.memory_space<vmem>>
        %dma_start3A_450 = arith.constant 0 : i32
        %dma_start3A_451 = tpu.memref_slice %arg2[%mul3A_439, %dma_start3A_450] : memref<100000x128xf32, #tpu.memory_space<hbm>> -> memref<256x128xf32, #tpu.memory_space<hbm>>
        tpu.enqueue_dma source(%dma_start3A_451 : memref<256x128xf32, #tpu.memory_space<hbm>>) target(%dma_start3A_449 : memref<256x128xf32, #tpu.memory_space<vmem>>) target_semaphore(%arg17 : memref<!tpu.dma_semaphore, #tpu.memory_space<semaphore_mem>>)
      } else {
      }
      %mul3A_127 = arith.constant 256 : i32
      %mul3A_128 = arith.muli %while3A_96, %mul3A_127 : i32
      %add3A_129 = arith.constant 0 : i32
      %add3A_130 = arith.addi %mul3A_128, %add3A_129 : i32
      %get3A = arith.index_cast %add3A_130 : i32 to index
      %get3A_131 = tpu.vector_load %arg10[%get3A] {strides = array<i32>} : memref<3328xi32, #tpu.memory_space<vmem>>, vector<16xi32>,
      %mul3A_132 = arith.constant 8 : i32
      %mul3A_133 = vector.broadcast %mul3A_132 : i32 to vector<16xi32>
      %mul3A_134 = arith.muli %get3A_131, %mul3A_133 : vector<16xi32>
      %get3A_135 = arith.index_cast %add3A_130 : i32 to index
      %get3A_136 = tpu.vector_load %arg11[%get3A_135] {strides = array<i32>} : memref<3328xi32, #tpu.memory_space<vmem>>, vector<16xi32>,
      %add3A_137 = arith.addi %mul3A_134, %get3A_136 : vector<16xi32>
      %mul3A_138 = arith.constant 256 : i32
      %mul3A_139 = arith.muli %rem3A_98, %mul3A_138 : i32
      %add3A_140 = arith.constant 0 : i32
      %add3A_141 = arith.addi %mul3A_139, %add3A_140 : i32
      %swap3A = arith.index_cast %add3A_141 : i32 to index
      %swap3A_142 = tpu.vector_load %arg12[%swap3A] {strides = array<i32>} : memref<768xi32, #tpu.memory_space<vmem>>, vector<16xi32>,
      tpu.vector_store %arg12[%swap3A], %add3A_137 {strides = array<i32>} : memref<768xi32, #tpu.memory_space<vmem>>, vector<16xi32>,
      tpu.vector_store_idx %arg13[%add3A_137], %broadcast_in_dim3A_52 {add = true} : memref<800xf32, #tpu.memory_space<vmem>>[vector<16xi32>], vector<16xf32>,
      %mul3A_143 = arith.constant 256 : i32
      %mul3A_144 = arith.muli %while3A_96, %mul3A_143 : i32
      %add3A_145 = arith.constant 16 : i32
      %add3A_146 = arith.addi %mul3A_144, %add3A_145 : i32
      %get3A_147 = arith.index_cast %add3A_146 : i32 to index
      %get3A_148 = tpu.vector_load %arg10[%get3A_147] {strides = array<i32>} : memref<3328xi32, #tpu.memory_space<vmem>>, vector<16xi32>,
      %mul3A_149 = arith.constant 8 : i32
      %mul3A_150 = vector.broadcast %mul3A_149 : i32 to vector<16xi32>
      %mul3A_151 = arith.muli %get3A_148, %mul3A_150 : vector<16xi32>
      %get3A_152 = arith.index_cast %add3A_146 : i32 to index
      %get3A_153 = tpu.vector_load %arg11[%get3A_152] {strides = array<i32>} : memref<3328xi32, #tpu.memory_space<vmem>>, vector<16xi32>,
      %add3A_154 = arith.addi %mul3A_151, %get3A_153 : vector<16xi32>
      %mul3A_155 = arith.constant 256 : i32
      %mul3A_156 = arith.muli %rem3A_98, %mul3A_155 : i32
      %add3A_157 = arith.constant 16 : i32
      %add3A_158 = arith.addi %mul3A_156, %add3A_157 : i32
      %swap3A_159 = arith.index_cast %add3A_158 : i32 to index
      %swap3A_160 = tpu.vector_load %arg12[%swap3A_159] {strides = array<i32>} : memref<768xi32, #tpu.memory_space<vmem>>, vector<16xi32>,
      tpu.vector_store %arg12[%swap3A_159], %add3A_154 {strides = array<i32>} : memref<768xi32, #tpu.memory_space<vmem>>, vector<16xi32>,
      tpu.vector_store_idx %arg13[%add3A_154], %broadcast_in_dim3A_52 {add = true} : memref<800xf32, #tpu.memory_space<vmem>>[vector<16xi32>], vector<16xf32>,
      %mul3A_161 = arith.constant 256 : i32
      %mul3A_162 = arith.muli %while3A_96, %mul3A_161 : i32
      %add3A_163 = arith.constant 32 : i32
      %add3A_164 = arith.addi %mul3A_162, %add3A_163 : i32
      %get3A_165 = arith.index_cast %add3A_164 : i32 to index
      %get3A_166 = tpu.vector_load %arg10[%get3A_165] {strides = array<i32>} : memref<3328xi32, #tpu.memory_space<vmem>>, vector<16xi32>,
      %mul3A_167 = arith.constant 8 : i32
      %mul3A_168 = vector.broadcast %mul3A_167 : i32 to vector<16xi32>
      %mul3A_169 = arith.muli %get3A_166, %mul3A_168 : vector<16xi32>
      %get3A_170 = arith.index_cast %add3A_164 : i32 to index
      %get3A_171 = tpu.vector_load %arg11[%get3A_170] {strides = array<i32>} : memref<3328xi32, #tpu.memory_space<vmem>>, vector<16xi32>,
      %add3A_172 = arith.addi %mul3A_169, %get3A_171 : vector<16xi32>
      %mul3A_173 = arith.constant 256 : i32
      %mul3A_174 = arith.muli %rem3A_98, %mul3A_173 : i32
      %add3A_175 = arith.constant 32 : i32
      %add3A_176 = arith.addi %mul3A_174, %add3A_175 : i32
      %swap3A_177 = arith.index_cast %add3A_176 : i32 to index
      %swap3A_178 = tpu.vector_load %arg12[%swap3A_177] {strides = array<i32>} : memref<768xi32, #tpu.memory_space<vmem>>, vector<16xi32>,
      tpu.vector_store %arg12[%swap3A_177], %add3A_172 {strides = array<i32>} : memref<768xi32, #tpu.memory_space<vmem>>, vector<16xi32>,
      tpu.vector_store_idx %arg13[%add3A_172], %broadcast_in_dim3A_52 {add = true} : memref<800xf32, #tpu.memory_space<vmem>>[vector<16xi32>], vector<16xf32>,
      %mul3A_179 = arith.constant 256 : i32
      %mul3A_180 = arith.muli %while3A_96, %mul3A_179 : i32
      %add3A_181 = arith.constant 48 : i32
      %add3A_182 = arith.addi %mul3A_180, %add3A_181 : i32
      %get3A_183 = arith.index_cast %add3A_182 : i32 to index
      %get3A_184 = tpu.vector_load %arg10[%get3A_183] {strides = array<i32>} : memref<3328xi32, #tpu.memory_space<vmem>>, vector<16xi32>,
      %mul3A_185 = arith.constant 8 : i32
      %mul3A_186 = vector.broadcast %mul3A_185 : i32 to vector<16xi32>
      %mul3A_187 = arith.muli %get3A_184, %mul3A_186 : vector<16xi32>
      %get3A_188 = arith.index_cast %add3A_182 : i32 to index
      %get3A_189 = tpu.vector_load %arg11[%get3A_188] {strides = array<i32>} : memref<3328xi32, #tpu.memory_space<vmem>>, vector<16xi32>,
      %add3A_190 = arith.addi %mul3A_187, %get3A_189 : vector<16xi32>
      %mul3A_191 = arith.constant 256 : i32
      %mul3A_192 = arith.muli %rem3A_98, %mul3A_191 : i32
      %add3A_193 = arith.constant 48 : i32
      %add3A_194 = arith.addi %mul3A_192, %add3A_193 : i32
      %swap3A_195 = arith.index_cast %add3A_194 : i32 to index
      %swap3A_196 = tpu.vector_load %arg12[%swap3A_195] {strides = array<i32>} : memref<768xi32, #tpu.memory_space<vmem>>, vector<16xi32>,
      tpu.vector_store %arg12[%swap3A_195], %add3A_190 {strides = array<i32>} : memref<768xi32, #tpu.memory_space<vmem>>, vector<16xi32>,
      tpu.vector_store_idx %arg13[%add3A_190], %broadcast_in_dim3A_52 {add = true} : memref<800xf32, #tpu.memory_space<vmem>>[vector<16xi32>], vector<16xf32>,
      %mul3A_197 = arith.constant 256 : i32
      %mul3A_198 = arith.muli %while3A_96, %mul3A_197 : i32
      %add3A_199 = arith.constant 64 : i32
      %add3A_200 = arith.addi %mul3A_198, %add3A_199 : i32
      %get3A_201 = arith.index_cast %add3A_200 : i32 to index
      %get3A_202 = tpu.vector_load %arg10[%get3A_201] {strides = array<i32>} : memref<3328xi32, #tpu.memory_space<vmem>>, vector<16xi32>,
      %mul3A_203 = arith.constant 8 : i32
      %mul3A_204 = vector.broadcast %mul3A_203 : i32 to vector<16xi32>
      %mul3A_205 = arith.muli %get3A_202, %mul3A_204 : vector<16xi32>
      %get3A_206 = arith.index_cast %add3A_200 : i32 to index
      %get3A_207 = tpu.vector_load %arg11[%get3A_206] {strides = array<i32>} : memref<3328xi32, #tpu.memory_space<vmem>>, vector<16xi32>,
      %add3A_208 = arith.addi %mul3A_205, %get3A_207 : vector<16xi32>
      %mul3A_209 = arith.constant 256 : i32
      %mul3A_210 = arith.muli %rem3A_98, %mul3A_209 : i32
      %add3A_211 = arith.constant 64 : i32
      %add3A_212 = arith.addi %mul3A_210, %add3A_211 : i32
      %swap3A_213 = arith.index_cast %add3A_212 : i32 to index
      %swap3A_214 = tpu.vector_load %arg12[%swap3A_213] {strides = array<i32>} : memref<768xi32, #tpu.memory_space<vmem>>, vector<16xi32>,
      tpu.vector_store %arg12[%swap3A_213], %add3A_208 {strides = array<i32>} : memref<768xi32, #tpu.memory_space<vmem>>, vector<16xi32>,
      tpu.vector_store_idx %arg13[%add3A_208], %broadcast_in_dim3A_52 {add = true} : memref<800xf32, #tpu.memory_space<vmem>>[vector<16xi32>], vector<16xf32>,
      %mul3A_215 = arith.constant 256 : i32
      %mul3A_216 = arith.muli %while3A_96, %mul3A_215 : i32
      %add3A_217 = arith.constant 80 : i32
      %add3A_218 = arith.addi %mul3A_216, %add3A_217 : i32
      %get3A_219 = arith.index_cast %add3A_218 : i32 to index
      %get3A_220 = tpu.vector_load %arg10[%get3A_219] {strides = array<i32>} : memref<3328xi32, #tpu.memory_space<vmem>>, vector<16xi32>,
      %mul3A_221 = arith.constant 8 : i32
      %mul3A_222 = vector.broadcast %mul3A_221 : i32 to vector<16xi32>
      %mul3A_223 = arith.muli %get3A_220, %mul3A_222 : vector<16xi32>
      %get3A_224 = arith.index_cast %add3A_218 : i32 to index
      %get3A_225 = tpu.vector_load %arg11[%get3A_224] {strides = array<i32>} : memref<3328xi32, #tpu.memory_space<vmem>>, vector<16xi32>,
      %add3A_226 = arith.addi %mul3A_223, %get3A_225 : vector<16xi32>
      %mul3A_227 = arith.constant 256 : i32
      %mul3A_228 = arith.muli %rem3A_98, %mul3A_227 : i32
      %add3A_229 = arith.constant 80 : i32
      %add3A_230 = arith.addi %mul3A_228, %add3A_229 : i32
      %swap3A_231 = arith.index_cast %add3A_230 : i32 to index
      %swap3A_232 = tpu.vector_load %arg12[%swap3A_231] {strides = array<i32>} : memref<768xi32, #tpu.memory_space<vmem>>, vector<16xi32>,
      tpu.vector_store %arg12[%swap3A_231], %add3A_226 {strides = array<i32>} : memref<768xi32, #tpu.memory_space<vmem>>, vector<16xi32>,
      tpu.vector_store_idx %arg13[%add3A_226], %broadcast_in_dim3A_52 {add = true} : memref<800xf32, #tpu.memory_space<vmem>>[vector<16xi32>], vector<16xf32>,
      %mul3A_233 = arith.constant 256 : i32
      %mul3A_234 = arith.muli %while3A_96, %mul3A_233 : i32
      %add3A_235 = arith.constant 96 : i32
      %add3A_236 = arith.addi %mul3A_234, %add3A_235 : i32
      %get3A_237 = arith.index_cast %add3A_236 : i32 to index
      %get3A_238 = tpu.vector_load %arg10[%get3A_237] {strides = array<i32>} : memref<3328xi32, #tpu.memory_space<vmem>>, vector<16xi32>,
      %mul3A_239 = arith.constant 8 : i32
      %mul3A_240 = vector.broadcast %mul3A_239 : i32 to vector<16xi32>
      %mul3A_241 = arith.muli %get3A_238, %mul3A_240 : vector<16xi32>
      %get3A_242 = arith.index_cast %add3A_236 : i32 to index
      %get3A_243 = tpu.vector_load %arg11[%get3A_242] {strides = array<i32>} : memref<3328xi32, #tpu.memory_space<vmem>>, vector<16xi32>,
      %add3A_244 = arith.addi %mul3A_241, %get3A_243 : vector<16xi32>
      %mul3A_245 = arith.constant 256 : i32
      %mul3A_246 = arith.muli %rem3A_98, %mul3A_245 : i32
      %add3A_247 = arith.constant 96 : i32
      %add3A_248 = arith.addi %mul3A_246, %add3A_247 : i32
      %swap3A_249 = arith.index_cast %add3A_248 : i32 to index
      %swap3A_250 = tpu.vector_load %arg12[%swap3A_249] {strides = array<i32>} : memref<768xi32, #tpu.memory_space<vmem>>, vector<16xi32>,
      tpu.vector_store %arg12[%swap3A_249], %add3A_244 {strides = array<i32>} : memref<768xi32, #tpu.memory_space<vmem>>, vector<16xi32>,
      tpu.vector_store_idx %arg13[%add3A_244], %broadcast_in_dim3A_52 {add = true} : memref<800xf32, #tpu.memory_space<vmem>>[vector<16xi32>], vector<16xf32>,
      %mul3A_251 = arith.constant 256 : i32
      %mul3A_252 = arith.muli %while3A_96, %mul3A_251 : i32
      %add3A_253 = arith.constant 112 : i32
      %add3A_254 = arith.addi %mul3A_252, %add3A_253 : i32
      %get3A_255 = arith.index_cast %add3A_254 : i32 to index
      %get3A_256 = tpu.vector_load %arg10[%get3A_255] {strides = array<i32>} : memref<3328xi32, #tpu.memory_space<vmem>>, vector<16xi32>,
      %mul3A_257 = arith.constant 8 : i32
      %mul3A_258 = vector.broadcast %mul3A_257 : i32 to vector<16xi32>
      %mul3A_259 = arith.muli %get3A_256, %mul3A_258 : vector<16xi32>
      %get3A_260 = arith.index_cast %add3A_254 : i32 to index
      %get3A_261 = tpu.vector_load %arg11[%get3A_260] {strides = array<i32>} : memref<3328xi32, #tpu.memory_space<vmem>>, vector<16xi32>,
      %add3A_262 = arith.addi %mul3A_259, %get3A_261 : vector<16xi32>
      %mul3A_263 = arith.constant 256 : i32
      %mul3A_264 = arith.muli %rem3A_98, %mul3A_263 : i32
      %add3A_265 = arith.constant 112 : i32
      %add3A_266 = arith.addi %mul3A_264, %add3A_265 : i32
      %swap3A_267 = arith.index_cast %add3A_266 : i32 to index
      %swap3A_268 = tpu.vector_load %arg12[%swap3A_267] {strides = array<i32>} : memref<768xi32, #tpu.memory_space<vmem>>, vector<16xi32>,
      tpu.vector_store %arg12[%swap3A_267], %add3A_262 {strides = array<i32>} : memref<768xi32, #tpu.memory_space<vmem>>, vector<16xi32>,
      tpu.vector_store_idx %arg13[%add3A_262], %broadcast_in_dim3A_52 {add = true} : memref<800xf32, #tpu.memory_space<vmem>>[vector<16xi32>], vector<16xf32>,
      %mul3A_269 = arith.constant 256 : i32
      %mul3A_270 = arith.muli %while3A_96, %mul3A_269 : i32
      %add3A_271 = arith.constant 128 : i32
      %add3A_272 = arith.addi %mul3A_270, %add3A_271 : i32
      %get3A_273 = arith.index_cast %add3A_272 : i32 to index
      %get3A_274 = tpu.vector_load %arg10[%get3A_273] {strides = array<i32>} : memref<3328xi32, #tpu.memory_space<vmem>>, vector<16xi32>,
      %mul3A_275 = arith.constant 8 : i32
      %mul3A_276 = vector.broadcast %mul3A_275 : i32 to vector<16xi32>
      %mul3A_277 = arith.muli %get3A_274, %mul3A_276 : vector<16xi32>
      %get3A_278 = arith.index_cast %add3A_272 : i32 to index
      %get3A_279 = tpu.vector_load %arg11[%get3A_278] {strides = array<i32>} : memref<3328xi32, #tpu.memory_space<vmem>>, vector<16xi32>,
      %add3A_280 = arith.addi %mul3A_277, %get3A_279 : vector<16xi32>
      %mul3A_281 = arith.constant 256 : i32
      %mul3A_282 = arith.muli %rem3A_98, %mul3A_281 : i32
      %add3A_283 = arith.constant 128 : i32
      %add3A_284 = arith.addi %mul3A_282, %add3A_283 : i32
      %swap3A_285 = arith.index_cast %add3A_284 : i32 to index
      %swap3A_286 = tpu.vector_load %arg12[%swap3A_285] {strides = array<i32>} : memref<768xi32, #tpu.memory_space<vmem>>, vector<16xi32>,
      tpu.vector_store %arg12[%swap3A_285], %add3A_280 {strides = array<i32>} : memref<768xi32, #tpu.memory_space<vmem>>, vector<16xi32>,
      tpu.vector_store_idx %arg13[%add3A_280], %broadcast_in_dim3A_52 {add = true} : memref<800xf32, #tpu.memory_space<vmem>>[vector<16xi32>], vector<16xf32>,
      %mul3A_287 = arith.constant 256 : i32
      %mul3A_288 = arith.muli %while3A_96, %mul3A_287 : i32
      %add3A_289 = arith.constant 144 : i32
      %add3A_290 = arith.addi %mul3A_288, %add3A_289 : i32
      %get3A_291 = arith.index_cast %add3A_290 : i32 to index
      %get3A_292 = tpu.vector_load %arg10[%get3A_291] {strides = array<i32>} : memref<3328xi32, #tpu.memory_space<vmem>>, vector<16xi32>,
      %mul3A_293 = arith.constant 8 : i32
      %mul3A_294 = vector.broadcast %mul3A_293 : i32 to vector<16xi32>
      %mul3A_295 = arith.muli %get3A_292, %mul3A_294 : vector<16xi32>
      %get3A_296 = arith.index_cast %add3A_290 : i32 to index
      %get3A_297 = tpu.vector_load %arg11[%get3A_296] {strides = array<i32>} : memref<3328xi32, #tpu.memory_space<vmem>>, vector<16xi32>,
      %add3A_298 = arith.addi %mul3A_295, %get3A_297 : vector<16xi32>
      %mul3A_299 = arith.constant 256 : i32
      %mul3A_300 = arith.muli %rem3A_98, %mul3A_299 : i32
      %add3A_301 = arith.constant 144 : i32
      %add3A_302 = arith.addi %mul3A_300, %add3A_301 : i32
      %swap3A_303 = arith.index_cast %add3A_302 : i32 to index
      %swap3A_304 = tpu.vector_load %arg12[%swap3A_303] {strides = array<i32>} : memref<768xi32, #tpu.memory_space<vmem>>, vector<16xi32>,
      tpu.vector_store %arg12[%swap3A_303], %add3A_298 {strides = array<i32>} : memref<768xi32, #tpu.memory_space<vmem>>, vector<16xi32>,
      tpu.vector_store_idx %arg13[%add3A_298], %broadcast_in_dim3A_52 {add = true} : memref<800xf32, #tpu.memory_space<vmem>>[vector<16xi32>], vector<16xf32>,
      %mul3A_305 = arith.constant 256 : i32
      %mul3A_306 = arith.muli %while3A_96, %mul3A_305 : i32
      %add3A_307 = arith.constant 160 : i32
      %add3A_308 = arith.addi %mul3A_306, %add3A_307 : i32
      %get3A_309 = arith.index_cast %add3A_308 : i32 to index
      %get3A_310 = tpu.vector_load %arg10[%get3A_309] {strides = array<i32>} : memref<3328xi32, #tpu.memory_space<vmem>>, vector<16xi32>,
      %mul3A_311 = arith.constant 8 : i32
      %mul3A_312 = vector.broadcast %mul3A_311 : i32 to vector<16xi32>
      %mul3A_313 = arith.muli %get3A_310, %mul3A_312 : vector<16xi32>
      %get3A_314 = arith.index_cast %add3A_308 : i32 to index
      %get3A_315 = tpu.vector_load %arg11[%get3A_314] {strides = array<i32>} : memref<3328xi32, #tpu.memory_space<vmem>>, vector<16xi32>,
      %add3A_316 = arith.addi %mul3A_313, %get3A_315 : vector<16xi32>
      %mul3A_317 = arith.constant 256 : i32
      %mul3A_318 = arith.muli %rem3A_98, %mul3A_317 : i32
      %add3A_319 = arith.constant 160 : i32
      %add3A_320 = arith.addi %mul3A_318, %add3A_319 : i32
      %swap3A_321 = arith.index_cast %add3A_320 : i32 to index
      %swap3A_322 = tpu.vector_load %arg12[%swap3A_321] {strides = array<i32>} : memref<768xi32, #tpu.memory_space<vmem>>, vector<16xi32>,
      tpu.vector_store %arg12[%swap3A_321], %add3A_316 {strides = array<i32>} : memref<768xi32, #tpu.memory_space<vmem>>, vector<16xi32>,
      tpu.vector_store_idx %arg13[%add3A_316], %broadcast_in_dim3A_52 {add = true} : memref<800xf32, #tpu.memory_space<vmem>>[vector<16xi32>], vector<16xf32>,
      %mul3A_323 = arith.constant 256 : i32
      %mul3A_324 = arith.muli %while3A_96, %mul3A_323 : i32
      %add3A_325 = arith.constant 176 : i32
      %add3A_326 = arith.addi %mul3A_324, %add3A_325 : i32
      %get3A_327 = arith.index_cast %add3A_326 : i32 to index
      %get3A_328 = tpu.vector_load %arg10[%get3A_327] {strides = array<i32>} : memref<3328xi32, #tpu.memory_space<vmem>>, vector<16xi32>,
      %mul3A_329 = arith.constant 8 : i32
      %mul3A_330 = vector.broadcast %mul3A_329 : i32 to vector<16xi32>
      %mul3A_331 = arith.muli %get3A_328, %mul3A_330 : vector<16xi32>
      %get3A_332 = arith.index_cast %add3A_326 : i32 to index
      %get3A_333 = tpu.vector_load %arg11[%get3A_332] {strides = array<i32>} : memref<3328xi32, #tpu.memory_space<vmem>>, vector<16xi32>,
      %add3A_334 = arith.addi %mul3A_331, %get3A_333 : vector<16xi32>
      %mul3A_335 = arith.constant 256 : i32
      %mul3A_336 = arith.muli %rem3A_98, %mul3A_335 : i32
      %add3A_337 = arith.constant 176 : i32
      %add3A_338 = arith.addi %mul3A_336, %add3A_337 : i32
      %swap3A_339 = arith.index_cast %add3A_338 : i32 to index
      %swap3A_340 = tpu.vector_load %arg12[%swap3A_339] {strides = array<i32>} : memref<768xi32, #tpu.memory_space<vmem>>, vector<16xi32>,
      tpu.vector_store %arg12[%swap3A_339], %add3A_334 {strides = array<i32>} : memref<768xi32, #tpu.memory_space<vmem>>, vector<16xi32>,
      tpu.vector_store_idx %arg13[%add3A_334], %broadcast_in_dim3A_52 {add = true} : memref<800xf32, #tpu.memory_space<vmem>>[vector<16xi32>], vector<16xf32>,
      %mul3A_341 = arith.constant 256 : i32
      %mul3A_342 = arith.muli %while3A_96, %mul3A_341 : i32
      %add3A_343 = arith.constant 192 : i32
      %add3A_344 = arith.addi %mul3A_342, %add3A_343 : i32
      %get3A_345 = arith.index_cast %add3A_344 : i32 to index
      %get3A_346 = tpu.vector_load %arg10[%get3A_345] {strides = array<i32>} : memref<3328xi32, #tpu.memory_space<vmem>>, vector<16xi32>,
      %mul3A_347 = arith.constant 8 : i32
      %mul3A_348 = vector.broadcast %mul3A_347 : i32 to vector<16xi32>
      %mul3A_349 = arith.muli %get3A_346, %mul3A_348 : vector<16xi32>
      %get3A_350 = arith.index_cast %add3A_344 : i32 to index
      %get3A_351 = tpu.vector_load %arg11[%get3A_350] {strides = array<i32>} : memref<3328xi32, #tpu.memory_space<vmem>>, vector<16xi32>,
      %add3A_352 = arith.addi %mul3A_349, %get3A_351 : vector<16xi32>
      %mul3A_353 = arith.constant 256 : i32
      %mul3A_354 = arith.muli %rem3A_98, %mul3A_353 : i32
      %add3A_355 = arith.constant 192 : i32
      %add3A_356 = arith.addi %mul3A_354, %add3A_355 : i32
      %swap3A_357 = arith.index_cast %add3A_356 : i32 to index
      %swap3A_358 = tpu.vector_load %arg12[%swap3A_357] {strides = array<i32>} : memref<768xi32, #tpu.memory_space<vmem>>, vector<16xi32>,
      tpu.vector_store %arg12[%swap3A_357], %add3A_352 {strides = array<i32>} : memref<768xi32, #tpu.memory_space<vmem>>, vector<16xi32>,
      tpu.vector_store_idx %arg13[%add3A_352], %broadcast_in_dim3A_52 {add = true} : memref<800xf32, #tpu.memory_space<vmem>>[vector<16xi32>], vector<16xf32>,
      %mul3A_359 = arith.constant 256 : i32
      %mul3A_360 = arith.muli %while3A_96, %mul3A_359 : i32
      %add3A_361 = arith.constant 208 : i32
      %add3A_362 = arith.addi %mul3A_360, %add3A_361 : i32
      %get3A_363 = arith.index_cast %add3A_362 : i32 to index
      %get3A_364 = tpu.vector_load %arg10[%get3A_363] {strides = array<i32>} : memref<3328xi32, #tpu.memory_space<vmem>>, vector<16xi32>,
      %mul3A_365 = arith.constant 8 : i32
      %mul3A_366 = vector.broadcast %mul3A_365 : i32 to vector<16xi32>
      %mul3A_367 = arith.muli %get3A_364, %mul3A_366 : vector<16xi32>
      %get3A_368 = arith.index_cast %add3A_362 : i32 to index
      %get3A_369 = tpu.vector_load %arg11[%get3A_368] {strides = array<i32>} : memref<3328xi32, #tpu.memory_space<vmem>>, vector<16xi32>,
      %add3A_370 = arith.addi %mul3A_367, %get3A_369 : vector<16xi32>
      %mul3A_371 = arith.constant 256 : i32
      %mul3A_372 = arith.muli %rem3A_98, %mul3A_371 : i32
      %add3A_373 = arith.constant 208 : i32
      %add3A_374 = arith.addi %mul3A_372, %add3A_373 : i32
      %swap3A_375 = arith.index_cast %add3A_374 : i32 to index
      %swap3A_376 = tpu.vector_load %arg12[%swap3A_375] {strides = array<i32>} : memref<768xi32, #tpu.memory_space<vmem>>, vector<16xi32>,
      tpu.vector_store %arg12[%swap3A_375], %add3A_370 {strides = array<i32>} : memref<768xi32, #tpu.memory_space<vmem>>, vector<16xi32>,
      tpu.vector_store_idx %arg13[%add3A_370], %broadcast_in_dim3A_52 {add = true} : memref<800xf32, #tpu.memory_space<vmem>>[vector<16xi32>], vector<16xf32>,
      %mul3A_377 = arith.constant 256 : i32
      %mul3A_378 = arith.muli %while3A_96, %mul3A_377 : i32
      %add3A_379 = arith.constant 224 : i32
      %add3A_380 = arith.addi %mul3A_378, %add3A_379 : i32
      %get3A_381 = arith.index_cast %add3A_380 : i32 to index
      %get3A_382 = tpu.vector_load %arg10[%get3A_381] {strides = array<i32>} : memref<3328xi32, #tpu.memory_space<vmem>>, vector<16xi32>,
      %mul3A_383 = arith.constant 8 : i32
      %mul3A_384 = vector.broadcast %mul3A_383 : i32 to vector<16xi32>
      %mul3A_385 = arith.muli %get3A_382, %mul3A_384 : vector<16xi32>
      %get3A_386 = arith.index_cast %add3A_380 : i32 to index
      %get3A_387 = tpu.vector_load %arg11[%get3A_386] {strides = array<i32>} : memref<3328xi32, #tpu.memory_space<vmem>>, vector<16xi32>,
      %add3A_388 = arith.addi %mul3A_385, %get3A_387 : vector<16xi32>
      %mul3A_389 = arith.constant 256 : i32
      %mul3A_390 = arith.muli %rem3A_98, %mul3A_389 : i32
      %add3A_391 = arith.constant 224 : i32
      %add3A_392 = arith.addi %mul3A_390, %add3A_391 : i32
      %swap3A_393 = arith.index_cast %add3A_392 : i32 to index
      %swap3A_394 = tpu.vector_load %arg12[%swap3A_393] {strides = array<i32>} : memref<768xi32, #tpu.memory_space<vmem>>, vector<16xi32>,
      tpu.vector_store %arg12[%swap3A_393], %add3A_388 {strides = array<i32>} : memref<768xi32, #tpu.memory_space<vmem>>, vector<16xi32>,
      tpu.vector_store_idx %arg13[%add3A_388], %broadcast_in_dim3A_52 {add = true} : memref<800xf32, #tpu.memory_space<vmem>>[vector<16xi32>], vector<16xf32>,
      %mul3A_395 = arith.constant 256 : i32
      %mul3A_396 = arith.muli %while3A_96, %mul3A_395 : i32
      %add3A_397 = arith.constant 240 : i32
      %add3A_398 = arith.addi %mul3A_396, %add3A_397 : i32
      %get3A_399 = arith.index_cast %add3A_398 : i32 to index
      %get3A_400 = tpu.vector_load %arg10[%get3A_399] {strides = array<i32>} : memref<3328xi32, #tpu.memory_space<vmem>>, vector<16xi32>,
      %mul3A_401 = arith.constant 8 : i32
      %mul3A_402 = vector.broadcast %mul3A_401 : i32 to vector<16xi32>
      %mul3A_403 = arith.muli %get3A_400, %mul3A_402 : vector<16xi32>
      %get3A_404 = arith.index_cast %add3A_398 : i32 to index
      %get3A_405 = tpu.vector_load %arg11[%get3A_404] {strides = array<i32>} : memref<3328xi32, #tpu.memory_space<vmem>>, vector<16xi32>,
      %add3A_406 = arith.addi %mul3A_403, %get3A_405 : vector<16xi32>
      %mul3A_407 = arith.constant 256 : i32
      %mul3A_408 = arith.muli %rem3A_98, %mul3A_407 : i32
      %add3A_409 = arith.constant 240 : i32
      %add3A_410 = arith.addi %mul3A_408, %add3A_409 : i32
      %swap3A_411 = arith.index_cast %add3A_410 : i32 to index
      %swap3A_412 = tpu.vector_load %arg12[%swap3A_411] {strides = array<i32>} : memref<768xi32, #tpu.memory_space<vmem>>, vector<16xi32>,
      tpu.vector_store %arg12[%swap3A_411], %add3A_406 {strides = array<i32>} : memref<768xi32, #tpu.memory_space<vmem>>, vector<16xi32>,
      tpu.vector_store_idx %arg13[%add3A_406], %broadcast_in_dim3A_52 {add = true} : memref<800xf32, #tpu.memory_space<vmem>>[vector<16xi32>], vector<16xf32>,
      %mul3A_413 = arith.constant 256 : i32
      %mul3A_414 = arith.muli %rem3A_98, %mul3A_413 : i32
      %dma_start3A_415 = arith.constant 0 : i32
      %dma_start3A_416 = arith.constant 0 : i32
      %dma_start3A_417 = tpu.memref_slice %arg9[%rem3A_98, %dma_start3A_415, %dma_start3A_416] : memref<3x256x128xf32, #tpu.memory_space<vmem>> -> memref<1x128x128xf32, #tpu.memory_space<vmem>>
      %dma_start3A_418 = tpu.memref_squeeze %dma_start3A_417 : memref<1x128x128xf32, #tpu.memory_space<vmem>> -> memref<128x128xf32, #tpu.memory_space<vmem>>
      %dma_start3A_419 = tpu.memref_slice %arg12[%mul3A_414] : memref<768xi32, #tpu.memory_space<vmem>> -> memref<128xi32, #tpu.memory_space<vmem>>
      %dma_start3A_420 = arith.constant 0 : i32
      %dma_start3A_421 = arith.constant 0 : i32
      %dma_start3A_422 = tpu.memref_slice %arg16[%dma_start3A_420, %dma_start3A_421] : memref<800x128xf32, #tpu.memory_space<vmem_shared>> -> memref<800x128xf32, #tpu.memory_space<vmem_shared>>
      tpu.enqueue_indirect_dma source(%dma_start3A_418 : memref<128x128xf32, #tpu.memory_space<vmem>>) target(%dma_start3A_422 : memref<800x128xf32, #tpu.memory_space<vmem_shared>>) offsets(%dma_start3A_419 : memref<128xi32, #tpu.memory_space<vmem>>) semaphore(%arg18 : memref<!tpu.dma_semaphore, #tpu.memory_space<semaphore_mem>>) {add = true}
      %mul3A_423 = arith.constant 256 : i32
      %mul3A_424 = arith.muli %rem3A_98, %mul3A_423 : i32
      %add3A_425 = arith.constant 128 : i32
      %add3A_426 = arith.addi %mul3A_424, %add3A_425 : i32
      %dma_start3A_427 = arith.constant 128 : i32
      %dma_start3A_428 = arith.constant 0 : i32
      %dma_start3A_429 = tpu.memref_slice %arg9[%rem3A_98, %dma_start3A_427, %dma_start3A_428] : memref<3x256x128xf32, #tpu.memory_space<vmem>> -> memref<1x128x128xf32, #tpu.memory_space<vmem>>
      %dma_start3A_430 = tpu.memref_squeeze %dma_start3A_429 : memref<1x128x128xf32, #tpu.memory_space<vmem>> -> memref<128x128xf32, #tpu.memory_space<vmem>>
      %dma_start3A_431 = tpu.memref_slice %arg12[%add3A_426] : memref<768xi32, #tpu.memory_space<vmem>> -> memref<128xi32, #tpu.memory_space<vmem>>
      %dma_start3A_432 = arith.constant 0 : i32
      %dma_start3A_433 = arith.constant 0 : i32
      %dma_start3A_434 = tpu.memref_slice %arg16[%dma_start3A_432, %dma_start3A_433] : memref<800x128xf32, #tpu.memory_space<vmem_shared>> -> memref<800x128xf32, #tpu.memory_space<vmem_shared>>
      tpu.enqueue_indirect_dma source(%dma_start3A_430 : memref<128x128xf32, #tpu.memory_space<vmem>>) target(%dma_start3A_434 : memref<800x128xf32, #tpu.memory_space<vmem_shared>>) offsets(%dma_start3A_431 : memref<128xi32, #tpu.memory_space<vmem>>) semaphore(%arg18 : memref<!tpu.dma_semaphore, #tpu.memory_space<semaphore_mem>>) {add = true}
    }
    %sub3A = arith.constant 1 : i32
    %sub3A_62 = arith.subi %add3A_8, %sub3A : i32
    %rem3A = arith.constant 3 : i32
    %rem3A_63 = arith.remsi %sub3A_62, %rem3A : i32
    %mul3A_64 = arith.constant 256 : i32
    %mul3A_65 = arith.muli %rem3A_63, %mul3A_64 : i32
    %dma_wait3A = arith.constant 0 : i32
    %dma_wait3A_66 = arith.constant 0 : i32
    %dma_wait3A_67 = tpu.memref_slice %arg9[%rem3A_63, %dma_wait3A, %dma_wait3A_66] : memref<3x256x128xf32, #tpu.memory_space<vmem>> -> memref<1x128x128xf32, #tpu.memory_space<vmem>>
    %dma_wait3A_68 = tpu.memref_squeeze %dma_wait3A_67 : memref<1x128x128xf32, #tpu.memory_space<vmem>> -> memref<128x128xf32, #tpu.memory_space<vmem>>
    %dma_wait3A_69 = tpu.memref_slice %arg12[%mul3A_65] : memref<768xi32, #tpu.memory_space<vmem>> -> memref<128xi32, #tpu.memory_space<vmem>>
    %dma_wait3A_70 = arith.constant 0 : i32
    %dma_wait3A_71 = arith.constant 0 : i32
    %dma_wait3A_72 = tpu.memref_slice %arg16[%dma_wait3A_70, %dma_wait3A_71] : memref<800x128xf32, #tpu.memory_space<vmem_shared>> -> memref<800x128xf32, #tpu.memory_space<vmem_shared>>
    tpu.wait_indirect_dma semaphore(%arg18 : memref<!tpu.dma_semaphore, #tpu.memory_space<semaphore_mem>>) src(%dma_wait3A_68 : memref<128x128xf32, #tpu.memory_space<vmem>>) dst(%dma_wait3A_72 : memref<800x128xf32, #tpu.memory_space<vmem_shared>>)
    %mul3A_73 = arith.constant 256 : i32
    %mul3A_74 = arith.muli %rem3A_63, %mul3A_73 : i32
    %add3A_75 = arith.constant 128 : i32
    %add3A_76 = arith.addi %mul3A_74, %add3A_75 : i32
    %dma_wait3A_77 = arith.constant 128 : i32
    %dma_wait3A_78 = arith.constant 0 : i32
    %dma_wait3A_79 = tpu.memref_slice %arg9[%rem3A_63, %dma_wait3A_77, %dma_wait3A_78] : memref<3x256x128xf32, #tpu.memory_space<vmem>> -> memref<1x128x128xf32, #tpu.memory_space<vmem>>
    %dma_wait3A_80 = tpu.memref_squeeze %dma_wait3A_79 : memref<1x128x128xf32, #tpu.memory_space<vmem>> -> memref<128x128xf32, #tpu.memory_space<vmem>>
    %dma_wait3A_81 = tpu.memref_slice %arg12[%add3A_76] : memref<768xi32, #tpu.memory_space<vmem>> -> memref<128xi32, #tpu.memory_space<vmem>>
    %dma_wait3A_82 = arith.constant 0 : i32
    %dma_wait3A_83 = arith.constant 0 : i32
    %dma_wait3A_84 = tpu.memref_slice %arg16[%dma_wait3A_82, %dma_wait3A_83] : memref<800x128xf32, #tpu.memory_space<vmem_shared>> -> memref<800x128xf32, #tpu.memory_space<vmem_shared>>
    tpu.wait_indirect_dma semaphore(%arg18 : memref<!tpu.dma_semaphore, #tpu.memory_space<semaphore_mem>>) src(%dma_wait3A_80 : memref<128x128xf32, #tpu.memory_space<vmem>>) dst(%dma_wait3A_84 : memref<800x128xf32, #tpu.memory_space<vmem_shared>>)
    %eq3A_85 = arith.constant 31 : i32
    %eq3A_86 = arith.cmpi eq, %add3A, %eq3A_85 : i32
    %convert_element_type3A_87 = arith.extui %eq3A_86 : i1 to i32
    %cond3A_88 = arith.constant 0 : i32
    %cond3A_89 = arith.cmpi ne, %convert_element_type3A_87, %cond3A_88 : i32
    scf.if %cond3A_89 {
      "tpu.region"() ({
        %run_scoped3A_196 = tpu.sem_alloc : memref<!tpu.dma_semaphore, #tpu.memory_space<semaphore_mem>>
        %dma_start3A_197 = arith.constant 99840 : i32
        %dma_start3A_198 = tpu.memref_slice %arg3[%dma_start3A_197] : memref<100000xi32, #tpu.memory_space<hbm>> -> memref<160xi32, #tpu.memory_space<hbm>>
        %dma_start3A_199 = arith.constant 99840 : i32
        %dma_start3A_200 = tpu.memref_slice %arg3[%dma_start3A_199] : memref<100000xi32, #tpu.memory_space<hbm>> -> memref<160xi32, #tpu.memory_space<hbm>>
        tpu.enqueue_dma source(%dma_start3A_200 : memref<160xi32, #tpu.memory_space<hbm>>) target(%arg14 : memref<160xi32, #tpu.memory_space<vmem>>) target_semaphore(%run_scoped3A_196 : memref<!tpu.dma_semaphore, #tpu.memory_space<semaphore_mem>>)
        %dma_wait3A_201 = arith.constant 99840 : i32
        %dma_wait3A_202 = tpu.memref_slice %arg3[%dma_wait3A_201] : memref<100000xi32, #tpu.memory_space<hbm>> -> memref<160xi32, #tpu.memory_space<hbm>>
        %dma_wait3A_203 = arith.constant 99840 : i32
        %dma_wait3A_204 = tpu.memref_slice %arg3[%dma_wait3A_203] : memref<100000xi32, #tpu.memory_space<hbm>> -> memref<160xi32, #tpu.memory_space<hbm>>
        tpu.wait_dma2 semaphore(%run_scoped3A_196 : memref<!tpu.dma_semaphore, #tpu.memory_space<semaphore_mem>>) src(%dma_wait3A_204 : memref<160xi32, #tpu.memory_space<hbm>>) dst(%arg14 : memref<160xi32, #tpu.memory_space<vmem>>)
        tpu.yield
      }) : () -> ()
      "tpu.region"() ({
        %run_scoped3A_196 = tpu.sem_alloc : memref<!tpu.dma_semaphore, #tpu.memory_space<semaphore_mem>>
        %dma_start3A_197 = arith.constant 99840 : i32
        %dma_start3A_198 = tpu.memref_slice %arg4[%dma_start3A_197] : memref<100000xi32, #tpu.memory_space<hbm>> -> memref<160xi32, #tpu.memory_space<hbm>>
        %dma_start3A_199 = arith.constant 99840 : i32
        %dma_start3A_200 = tpu.memref_slice %arg4[%dma_start3A_199] : memref<100000xi32, #tpu.memory_space<hbm>> -> memref<160xi32, #tpu.memory_space<hbm>>
        tpu.enqueue_dma source(%dma_start3A_200 : memref<160xi32, #tpu.memory_space<hbm>>) target(%arg15 : memref<160xi32, #tpu.memory_space<vmem>>) target_semaphore(%run_scoped3A_196 : memref<!tpu.dma_semaphore, #tpu.memory_space<semaphore_mem>>)
        %dma_wait3A_201 = arith.constant 99840 : i32
        %dma_wait3A_202 = tpu.memref_slice %arg4[%dma_wait3A_201] : memref<100000xi32, #tpu.memory_space<hbm>> -> memref<160xi32, #tpu.memory_space<hbm>>
        %dma_wait3A_203 = arith.constant 99840 : i32
        %dma_wait3A_204 = tpu.memref_slice %arg4[%dma_wait3A_203] : memref<100000xi32, #tpu.memory_space<hbm>> -> memref<160xi32, #tpu.memory_space<hbm>>
        tpu.wait_dma2 semaphore(%run_scoped3A_196 : memref<!tpu.dma_semaphore, #tpu.memory_space<semaphore_mem>>) src(%dma_wait3A_204 : memref<160xi32, #tpu.memory_space<hbm>>) dst(%arg15 : memref<160xi32, #tpu.memory_space<vmem>>)
        tpu.yield
      }) : () -> ()
      %run_scoped3A = arith.constant 0 : i32
      "tpu.region"() ({
        %run_scoped3A_196 = tpu.sem_alloc : memref<!tpu.dma_semaphore, #tpu.memory_space<semaphore_mem>>
        %dma_start3A_197 = arith.constant 0 : i32
        %dma_start3A_198 = arith.constant 0 : i32
        %dma_start3A_199 = tpu.memref_slice %arg9[%run_scoped3A, %dma_start3A_197, %dma_start3A_198] : memref<3x256x128xf32, #tpu.memory_space<vmem>> -> memref<1x160x128xf32, #tpu.memory_space<vmem>>
        %dma_start3A_200 = tpu.memref_squeeze %dma_start3A_199 : memref<1x160x128xf32, #tpu.memory_space<vmem>> -> memref<160x128xf32, #tpu.memory_space<vmem>>
        %dma_start3A_201 = arith.constant 99840 : i32
        %dma_start3A_202 = arith.constant 0 : i32
        %dma_start3A_203 = tpu.memref_slice %arg2[%dma_start3A_201, %dma_start3A_202] : memref<100000x128xf32, #tpu.memory_space<hbm>> -> memref<160x128xf32, #tpu.memory_space<hbm>>
        %dma_start3A_204 = arith.constant 0 : i32
        %dma_start3A_205 = arith.constant 0 : i32
        %dma_start3A_206 = tpu.memref_slice %arg9[%run_scoped3A, %dma_start3A_204, %dma_start3A_205] : memref<3x256x128xf32, #tpu.memory_space<vmem>> -> memref<1x160x128xf32, #tpu.memory_space<vmem>>
        %dma_start3A_207 = tpu.memref_squeeze %dma_start3A_206 : memref<1x160x128xf32, #tpu.memory_space<vmem>> -> memref<160x128xf32, #tpu.memory_space<vmem>>
        %dma_start3A_208 = arith.constant 99840 : i32
        %dma_start3A_209 = arith.constant 0 : i32
        %dma_start3A_210 = tpu.memref_slice %arg2[%dma_start3A_208, %dma_start3A_209] : memref<100000x128xf32, #tpu.memory_space<hbm>> -> memref<160x128xf32, #tpu.memory_space<hbm>>
        tpu.enqueue_dma source(%dma_start3A_210 : memref<160x128xf32, #tpu.memory_space<hbm>>) target(%dma_start3A_207 : memref<160x128xf32, #tpu.memory_space<vmem>>) target_semaphore(%run_scoped3A_196 : memref<!tpu.dma_semaphore, #tpu.memory_space<semaphore_mem>>)
        %dma_wait3A_211 = arith.constant 0 : i32
        %dma_wait3A_212 = arith.constant 0 : i32
        %dma_wait3A_213 = tpu.memref_slice %arg9[%run_scoped3A, %dma_wait3A_211, %dma_wait3A_212] : memref<3x256x128xf32, #tpu.memory_space<vmem>> -> memref<1x160x128xf32, #tpu.memory_space<vmem>>
        %dma_wait3A_214 = tpu.memref_squeeze %dma_wait3A_213 : memref<1x160x128xf32, #tpu.memory_space<vmem>> -> memref<160x128xf32, #tpu.memory_space<vmem>>
        %dma_wait3A_215 = arith.constant 99840 : i32
        %dma_wait3A_216 = arith.constant 0 : i32
        %dma_wait3A_217 = tpu.memref_slice %arg2[%dma_wait3A_215, %dma_wait3A_216] : memref<100000x128xf32, #tpu.memory_space<hbm>> -> memref<160x128xf32, #tpu.memory_space<hbm>>
        %dma_wait3A_218 = arith.constant 0 : i32
        %dma_wait3A_219 = arith.constant 0 : i32
        %dma_wait3A_220 = tpu.memref_slice %arg9[%run_scoped3A, %dma_wait3A_218, %dma_wait3A_219] : memref<3x256x128xf32, #tpu.memory_space<vmem>> -> memref<1x160x128xf32, #tpu.memory_space<vmem>>
        %dma_wait3A_221 = tpu.memref_squeeze %dma_wait3A_220 : memref<1x160x128xf32, #tpu.memory_space<vmem>> -> memref<160x128xf32, #tpu.memory_space<vmem>>
        %dma_wait3A_222 = arith.constant 99840 : i32
        %dma_wait3A_223 = arith.constant 0 : i32
        %dma_wait3A_224 = tpu.memref_slice %arg2[%dma_wait3A_222, %dma_wait3A_223] : memref<100000x128xf32, #tpu.memory_space<hbm>> -> memref<160x128xf32, #tpu.memory_space<hbm>>
        tpu.wait_dma2 semaphore(%run_scoped3A_196 : memref<!tpu.dma_semaphore, #tpu.memory_space<semaphore_mem>>) src(%dma_wait3A_224 : memref<160x128xf32, #tpu.memory_space<hbm>>) dst(%dma_wait3A_221 : memref<160x128xf32, #tpu.memory_space<vmem>>)
        tpu.yield
      }) : () -> ()
      %get3A = arith.constant 0 : index
      %get3A_96 = tpu.vector_load %arg14[%get3A] {strides = array<i32>} : memref<160xi32, #tpu.memory_space<vmem>>, vector<16xi32>,
      %mul3A_97 = arith.constant 8 : i32
      %mul3A_98 = vector.broadcast %mul3A_97 : i32 to vector<16xi32>
      %mul3A_99 = arith.muli %get3A_96, %mul3A_98 : vector<16xi32>
      %get3A_100 = arith.constant 0 : index
      %get3A_101 = tpu.vector_load %arg15[%get3A_100] {strides = array<i32>} : memref<160xi32, #tpu.memory_space<vmem>>, vector<16xi32>,
      %add3A_102 = arith.addi %mul3A_99, %get3A_101 : vector<16xi32>
      %swap3A = arith.constant 0 : index
      %swap3A_103 = tpu.vector_load %arg12[%swap3A] {strides = array<i32>} : memref<768xi32, #tpu.memory_space<vmem>>, vector<16xi32>,
      tpu.vector_store %arg12[%swap3A], %add3A_102 {strides = array<i32>} : memref<768xi32, #tpu.memory_space<vmem>>, vector<16xi32>,
      tpu.vector_store_idx %arg13[%add3A_102], %broadcast_in_dim3A_52 {add = true} : memref<800xf32, #tpu.memory_space<vmem>>[vector<16xi32>], vector<16xf32>,
      %get3A_104 = arith.constant 16 : index
      %get3A_105 = tpu.vector_load %arg14[%get3A_104] {strides = array<i32>} : memref<160xi32, #tpu.memory_space<vmem>>, vector<16xi32>,
      %mul3A_106 = arith.constant 8 : i32
      %mul3A_107 = vector.broadcast %mul3A_106 : i32 to vector<16xi32>
      %mul3A_108 = arith.muli %get3A_105, %mul3A_107 : vector<16xi32>
      %get3A_109 = arith.constant 16 : index
      %get3A_110 = tpu.vector_load %arg15[%get3A_109] {strides = array<i32>} : memref<160xi32, #tpu.memory_space<vmem>>, vector<16xi32>,
      %add3A_111 = arith.addi %mul3A_108, %get3A_110 : vector<16xi32>
      %swap3A_112 = arith.constant 16 : index
      %swap3A_113 = tpu.vector_load %arg12[%swap3A_112] {strides = array<i32>} : memref<768xi32, #tpu.memory_space<vmem>>, vector<16xi32>,
      tpu.vector_store %arg12[%swap3A_112], %add3A_111 {strides = array<i32>} : memref<768xi32, #tpu.memory_space<vmem>>, vector<16xi32>,
      tpu.vector_store_idx %arg13[%add3A_111], %broadcast_in_dim3A_52 {add = true} : memref<800xf32, #tpu.memory_space<vmem>>[vector<16xi32>], vector<16xf32>,
      %get3A_114 = arith.constant 32 : index
      %get3A_115 = tpu.vector_load %arg14[%get3A_114] {strides = array<i32>} : memref<160xi32, #tpu.memory_space<vmem>>, vector<16xi32>,
      %mul3A_116 = arith.constant 8 : i32
      %mul3A_117 = vector.broadcast %mul3A_116 : i32 to vector<16xi32>
      %mul3A_118 = arith.muli %get3A_115, %mul3A_117 : vector<16xi32>
      %get3A_119 = arith.constant 32 : index
      %get3A_120 = tpu.vector_load %arg15[%get3A_119] {strides = array<i32>} : memref<160xi32, #tpu.memory_space<vmem>>, vector<16xi32>,
      %add3A_121 = arith.addi %mul3A_118, %get3A_120 : vector<16xi32>
      %swap3A_122 = arith.constant 32 : index
      %swap3A_123 = tpu.vector_load %arg12[%swap3A_122] {strides = array<i32>} : memref<768xi32, #tpu.memory_space<vmem>>, vector<16xi32>,
      tpu.vector_store %arg12[%swap3A_122], %add3A_121 {strides = array<i32>} : memref<768xi32, #tpu.memory_space<vmem>>, vector<16xi32>,
      tpu.vector_store_idx %arg13[%add3A_121], %broadcast_in_dim3A_52 {add = true} : memref<800xf32, #tpu.memory_space<vmem>>[vector<16xi32>], vector<16xf32>,
      %get3A_124 = arith.constant 48 : index
      %get3A_125 = tpu.vector_load %arg14[%get3A_124] {strides = array<i32>} : memref<160xi32, #tpu.memory_space<vmem>>, vector<16xi32>,
      %mul3A_126 = arith.constant 8 : i32
      %mul3A_127 = vector.broadcast %mul3A_126 : i32 to vector<16xi32>
      %mul3A_128 = arith.muli %get3A_125, %mul3A_127 : vector<16xi32>
      %get3A_129 = arith.constant 48 : index
      %get3A_130 = tpu.vector_load %arg15[%get3A_129] {strides = array<i32>} : memref<160xi32, #tpu.memory_space<vmem>>, vector<16xi32>,
      %add3A_131 = arith.addi %mul3A_128, %get3A_130 : vector<16xi32>
      %swap3A_132 = arith.constant 48 : index
      %swap3A_133 = tpu.vector_load %arg12[%swap3A_132] {strides = array<i32>} : memref<768xi32, #tpu.memory_space<vmem>>, vector<16xi32>,
      tpu.vector_store %arg12[%swap3A_132], %add3A_131 {strides = array<i32>} : memref<768xi32, #tpu.memory_space<vmem>>, vector<16xi32>,
      tpu.vector_store_idx %arg13[%add3A_131], %broadcast_in_dim3A_52 {add = true} : memref<800xf32, #tpu.memory_space<vmem>>[vector<16xi32>], vector<16xf32>,
      %get3A_134 = arith.constant 64 : index
      %get3A_135 = tpu.vector_load %arg14[%get3A_134] {strides = array<i32>} : memref<160xi32, #tpu.memory_space<vmem>>, vector<16xi32>,
      %mul3A_136 = arith.constant 8 : i32
      %mul3A_137 = vector.broadcast %mul3A_136 : i32 to vector<16xi32>
      %mul3A_138 = arith.muli %get3A_135, %mul3A_137 : vector<16xi32>
      %get3A_139 = arith.constant 64 : index
      %get3A_140 = tpu.vector_load %arg15[%get3A_139] {strides = array<i32>} : memref<160xi32, #tpu.memory_space<vmem>>, vector<16xi32>,
      %add3A_141 = arith.addi %mul3A_138, %get3A_140 : vector<16xi32>
      %swap3A_142 = arith.constant 64 : index
      %swap3A_143 = tpu.vector_load %arg12[%swap3A_142] {strides = array<i32>} : memref<768xi32, #tpu.memory_space<vmem>>, vector<16xi32>,
      tpu.vector_store %arg12[%swap3A_142], %add3A_141 {strides = array<i32>} : memref<768xi32, #tpu.memory_space<vmem>>, vector<16xi32>,
      tpu.vector_store_idx %arg13[%add3A_141], %broadcast_in_dim3A_52 {add = true} : memref<800xf32, #tpu.memory_space<vmem>>[vector<16xi32>], vector<16xf32>,
      %get3A_144 = arith.constant 80 : index
      %get3A_145 = tpu.vector_load %arg14[%get3A_144] {strides = array<i32>} : memref<160xi32, #tpu.memory_space<vmem>>, vector<16xi32>,
      %mul3A_146 = arith.constant 8 : i32
      %mul3A_147 = vector.broadcast %mul3A_146 : i32 to vector<16xi32>
      %mul3A_148 = arith.muli %get3A_145, %mul3A_147 : vector<16xi32>
      %get3A_149 = arith.constant 80 : index
      %get3A_150 = tpu.vector_load %arg15[%get3A_149] {strides = array<i32>} : memref<160xi32, #tpu.memory_space<vmem>>, vector<16xi32>,
      %add3A_151 = arith.addi %mul3A_148, %get3A_150 : vector<16xi32>
      %swap3A_152 = arith.constant 80 : index
      %swap3A_153 = tpu.vector_load %arg12[%swap3A_152] {strides = array<i32>} : memref<768xi32, #tpu.memory_space<vmem>>, vector<16xi32>,
      tpu.vector_store %arg12[%swap3A_152], %add3A_151 {strides = array<i32>} : memref<768xi32, #tpu.memory_space<vmem>>, vector<16xi32>,
      tpu.vector_store_idx %arg13[%add3A_151], %broadcast_in_dim3A_52 {add = true} : memref<800xf32, #tpu.memory_space<vmem>>[vector<16xi32>], vector<16xf32>,
      %get3A_154 = arith.constant 96 : index
      %get3A_155 = tpu.vector_load %arg14[%get3A_154] {strides = array<i32>} : memref<160xi32, #tpu.memory_space<vmem>>, vector<16xi32>,
      %mul3A_156 = arith.constant 8 : i32
      %mul3A_157 = vector.broadcast %mul3A_156 : i32 to vector<16xi32>
      %mul3A_158 = arith.muli %get3A_155, %mul3A_157 : vector<16xi32>
      %get3A_159 = arith.constant 96 : index
      %get3A_160 = tpu.vector_load %arg15[%get3A_159] {strides = array<i32>} : memref<160xi32, #tpu.memory_space<vmem>>, vector<16xi32>,
      %add3A_161 = arith.addi %mul3A_158, %get3A_160 : vector<16xi32>
      %swap3A_162 = arith.constant 96 : index
      %swap3A_163 = tpu.vector_load %arg12[%swap3A_162] {strides = array<i32>} : memref<768xi32, #tpu.memory_space<vmem>>, vector<16xi32>,
      tpu.vector_store %arg12[%swap3A_162], %add3A_161 {strides = array<i32>} : memref<768xi32, #tpu.memory_space<vmem>>, vector<16xi32>,
      tpu.vector_store_idx %arg13[%add3A_161], %broadcast_in_dim3A_52 {add = true} : memref<800xf32, #tpu.memory_space<vmem>>[vector<16xi32>], vector<16xf32>,
      %get3A_164 = arith.constant 112 : index
      %get3A_165 = tpu.vector_load %arg14[%get3A_164] {strides = array<i32>} : memref<160xi32, #tpu.memory_space<vmem>>, vector<16xi32>,
      %mul3A_166 = arith.constant 8 : i32
      %mul3A_167 = vector.broadcast %mul3A_166 : i32 to vector<16xi32>
      %mul3A_168 = arith.muli %get3A_165, %mul3A_167 : vector<16xi32>
      %get3A_169 = arith.constant 112 : index
      %get3A_170 = tpu.vector_load %arg15[%get3A_169] {strides = array<i32>} : memref<160xi32, #tpu.memory_space<vmem>>, vector<16xi32>,
      %add3A_171 = arith.addi %mul3A_168, %get3A_170 : vector<16xi32>
      %swap3A_172 = arith.constant 112 : index
      %swap3A_173 = tpu.vector_load %arg12[%swap3A_172] {strides = array<i32>} : memref<768xi32, #tpu.memory_space<vmem>>, vector<16xi32>,
      tpu.vector_store %arg12[%swap3A_172], %add3A_171 {strides = array<i32>} : memref<768xi32, #tpu.memory_space<vmem>>, vector<16xi32>,
      tpu.vector_store_idx %arg13[%add3A_171], %broadcast_in_dim3A_52 {add = true} : memref<800xf32, #tpu.memory_space<vmem>>[vector<16xi32>], vector<16xf32>,
      %get3A_174 = arith.constant 128 : index
      %get3A_175 = tpu.vector_load %arg14[%get3A_174] {strides = array<i32>} : memref<160xi32, #tpu.memory_space<vmem>>, vector<16xi32>,
      %mul3A_176 = arith.constant 8 : i32
      %mul3A_177 = vector.broadcast %mul3A_176 : i32 to vector<16xi32>
      %mul3A_178 = arith.muli %get3A_175, %mul3A_177 : vector<16xi32>
      %get3A_179 = arith.constant 128 : index
      %get3A_180 = tpu.vector_load %arg15[%get3A_179] {strides = array<i32>} : memref<160xi32, #tpu.memory_space<vmem>>, vector<16xi32>,
      %add3A_181 = arith.addi %mul3A_178, %get3A_180 : vector<16xi32>
      %swap3A_182 = arith.constant 128 : index
      %swap3A_183 = tpu.vector_load %arg12[%swap3A_182] {strides = array<i32>} : memref<768xi32, #tpu.memory_space<vmem>>, vector<16xi32>,
      tpu.vector_store %arg12[%swap3A_182], %add3A_181 {strides = array<i32>} : memref<768xi32, #tpu.memory_space<vmem>>, vector<16xi32>,
      tpu.vector_store_idx %arg13[%add3A_181], %broadcast_in_dim3A_52 {add = true} : memref<800xf32, #tpu.memory_space<vmem>>[vector<16xi32>], vector<16xf32>,
      %get3A_184 = arith.constant 144 : index
      %get3A_185 = tpu.vector_load %arg14[%get3A_184] {strides = array<i32>} : memref<160xi32, #tpu.memory_space<vmem>>, vector<16xi32>,
      %mul3A_186 = arith.constant 8 : i32
      %mul3A_187 = vector.broadcast %mul3A_186 : i32 to vector<16xi32>
      %mul3A_188 = arith.muli %get3A_185, %mul3A_187 : vector<16xi32>
      %get3A_189 = arith.constant 144 : index
      %get3A_190 = tpu.vector_load %arg15[%get3A_189] {strides = array<i32>} : memref<160xi32, #tpu.memory_space<vmem>>, vector<16xi32>,
      %add3A_191 = arith.addi %mul3A_188, %get3A_190 : vector<16xi32>
      %swap3A_192 = arith.constant 144 : index
      %swap3A_193 = tpu.vector_load %arg12[%swap3A_192] {strides = array<i32>} : memref<768xi32, #tpu.memory_space<vmem>>, vector<16xi32>,
      tpu.vector_store %arg12[%swap3A_192], %add3A_191 {strides = array<i32>} : memref<768xi32, #tpu.memory_space<vmem>>, vector<16xi32>,
      tpu.vector_store_idx %arg13[%add3A_191], %broadcast_in_dim3A_52 {add = true} : memref<800xf32, #tpu.memory_space<vmem>>[vector<16xi32>], vector<16xf32>,
      %run_scoped3A_194 = arith.constant 0 : i32
      "tpu.region"() ({
        %run_scoped3A_196 = tpu.sem_alloc : memref<!tpu.dma_semaphore, #tpu.memory_space<semaphore_mem>>
        %dma_start3A_197 = arith.constant 0 : i32
        %dma_start3A_198 = arith.constant 0 : i32
        %dma_start3A_199 = tpu.memref_slice %arg9[%run_scoped3A_194, %dma_start3A_197, %dma_start3A_198] : memref<3x256x128xf32, #tpu.memory_space<vmem>> -> memref<1x128x128xf32, #tpu.memory_space<vmem>>
        %dma_start3A_200 = tpu.memref_squeeze %dma_start3A_199 : memref<1x128x128xf32, #tpu.memory_space<vmem>> -> memref<128x128xf32, #tpu.memory_space<vmem>>
        %dma_start3A_201 = arith.constant 0 : i32
        %dma_start3A_202 = tpu.memref_slice %arg12[%dma_start3A_201] : memref<768xi32, #tpu.memory_space<vmem>> -> memref<128xi32, #tpu.memory_space<vmem>>
        %dma_start3A_203 = arith.constant 0 : i32
        %dma_start3A_204 = arith.constant 0 : i32
        %dma_start3A_205 = tpu.memref_slice %arg16[%dma_start3A_203, %dma_start3A_204] : memref<800x128xf32, #tpu.memory_space<vmem_shared>> -> memref<800x128xf32, #tpu.memory_space<vmem_shared>>
        tpu.enqueue_indirect_dma source(%dma_start3A_200 : memref<128x128xf32, #tpu.memory_space<vmem>>) target(%dma_start3A_205 : memref<800x128xf32, #tpu.memory_space<vmem_shared>>) offsets(%dma_start3A_202 : memref<128xi32, #tpu.memory_space<vmem>>) semaphore(%run_scoped3A_196 : memref<!tpu.dma_semaphore, #tpu.memory_space<semaphore_mem>>) {add = true}
        %dma_wait3A_206 = arith.constant 0 : i32
        %dma_wait3A_207 = arith.constant 0 : i32
        %dma_wait3A_208 = tpu.memref_slice %arg9[%run_scoped3A_194, %dma_wait3A_206, %dma_wait3A_207] : memref<3x256x128xf32, #tpu.memory_space<vmem>> -> memref<1x128x128xf32, #tpu.memory_space<vmem>>
        %dma_wait3A_209 = tpu.memref_squeeze %dma_wait3A_208 : memref<1x128x128xf32, #tpu.memory_space<vmem>> -> memref<128x128xf32, #tpu.memory_space<vmem>>
        %dma_wait3A_210 = arith.constant 0 : i32
        %dma_wait3A_211 = tpu.memref_slice %arg12[%dma_wait3A_210] : memref<768xi32, #tpu.memory_space<vmem>> -> memref<128xi32, #tpu.memory_space<vmem>>
        %dma_wait3A_212 = arith.constant 0 : i32
        %dma_wait3A_213 = arith.constant 0 : i32
        %dma_wait3A_214 = tpu.memref_slice %arg16[%dma_wait3A_212, %dma_wait3A_213] : memref<800x128xf32, #tpu.memory_space<vmem_shared>> -> memref<800x128xf32, #tpu.memory_space<vmem_shared>>
        tpu.wait_indirect_dma semaphore(%run_scoped3A_196 : memref<!tpu.dma_semaphore, #tpu.memory_space<semaphore_mem>>) src(%dma_wait3A_209 : memref<128x128xf32, #tpu.memory_space<vmem>>) dst(%dma_wait3A_214 : memref<800x128xf32, #tpu.memory_space<vmem_shared>>)
        tpu.yield
      }) : () -> ()
      %run_scoped3A_195 = arith.constant 0 : i32
      "tpu.region"() ({
        %run_scoped3A_196 = tpu.sem_alloc : memref<!tpu.dma_semaphore, #tpu.memory_space<semaphore_mem>>
        %dma_start3A_197 = arith.constant 128 : i32
        %dma_start3A_198 = arith.constant 0 : i32
        %dma_start3A_199 = tpu.memref_slice %arg9[%run_scoped3A_195, %dma_start3A_197, %dma_start3A_198] : memref<3x256x128xf32, #tpu.memory_space<vmem>> -> memref<1x32x128xf32, #tpu.memory_space<vmem>>
        %dma_start3A_200 = tpu.memref_squeeze %dma_start3A_199 : memref<1x32x128xf32, #tpu.memory_space<vmem>> -> memref<32x128xf32, #tpu.memory_space<vmem>>
        %dma_start3A_201 = arith.constant 128 : i32
        %dma_start3A_202 = tpu.memref_slice %arg12[%dma_start3A_201] : memref<768xi32, #tpu.memory_space<vmem>> -> memref<32xi32, #tpu.memory_space<vmem>>
        %dma_start3A_203 = arith.constant 0 : i32
        %dma_start3A_204 = arith.constant 0 : i32
        %dma_start3A_205 = tpu.memref_slice %arg16[%dma_start3A_203, %dma_start3A_204] : memref<800x128xf32, #tpu.memory_space<vmem_shared>> -> memref<800x128xf32, #tpu.memory_space<vmem_shared>>
        tpu.enqueue_indirect_dma source(%dma_start3A_200 : memref<32x128xf32, #tpu.memory_space<vmem>>) target(%dma_start3A_205 : memref<800x128xf32, #tpu.memory_space<vmem_shared>>) offsets(%dma_start3A_202 : memref<32xi32, #tpu.memory_space<vmem>>) semaphore(%run_scoped3A_196 : memref<!tpu.dma_semaphore, #tpu.memory_space<semaphore_mem>>) {add = true}
        %dma_wait3A_206 = arith.constant 128 : i32
        %dma_wait3A_207 = arith.constant 0 : i32
        %dma_wait3A_208 = tpu.memref_slice %arg9[%run_scoped3A_195, %dma_wait3A_206, %dma_wait3A_207] : memref<3x256x128xf32, #tpu.memory_space<vmem>> -> memref<1x32x128xf32, #tpu.memory_space<vmem>>
        %dma_wait3A_209 = tpu.memref_squeeze %dma_wait3A_208 : memref<1x32x128xf32, #tpu.memory_space<vmem>> -> memref<32x128xf32, #tpu.memory_space<vmem>>
        %dma_wait3A_210 = arith.constant 128 : i32
        %dma_wait3A_211 = tpu.memref_slice %arg12[%dma_wait3A_210] : memref<768xi32, #tpu.memory_space<vmem>> -> memref<32xi32, #tpu.memory_space<vmem>>
        %dma_wait3A_212 = arith.constant 0 : i32
        %dma_wait3A_213 = arith.constant 0 : i32
        %dma_wait3A_214 = tpu.memref_slice %arg16[%dma_wait3A_212, %dma_wait3A_213] : memref<800x128xf32, #tpu.memory_space<vmem_shared>> -> memref<800x128xf32, #tpu.memory_space<vmem_shared>>
        tpu.wait_indirect_dma semaphore(%run_scoped3A_196 : memref<!tpu.dma_semaphore, #tpu.memory_space<semaphore_mem>>) src(%dma_wait3A_209 : memref<32x128xf32, #tpu.memory_space<vmem>>) dst(%dma_wait3A_214 : memref<800x128xf32, #tpu.memory_space<vmem_shared>>)
        tpu.yield
      }) : () -> ()
    } else {
    }
    "tpu.region"() ({
      %run_scoped3A = tpu.sem_alloc : memref<!tpu.dma_semaphore, #tpu.memory_space<semaphore_mem>>
      %dma_start3A_96 = arith.constant 0 : i32
      %dma_start3A_97 = tpu.memref_slice %arg8[%add3A, %dma_start3A_96] : memref<32x800xf32, #tpu.memory_space<hbm>> -> memref<1x800xf32, #tpu.memory_space<hbm>>
      %dma_start3A_98 = tpu.memref_squeeze %dma_start3A_97 : memref<1x800xf32, #tpu.memory_space<hbm>> -> memref<800xf32, #tpu.memory_space<hbm>>
      %dma_start3A_99 = arith.constant 0 : i32
      %dma_start3A_100 = tpu.memref_slice %arg8[%add3A, %dma_start3A_99] : memref<32x800xf32, #tpu.memory_space<hbm>> -> memref<1x800xf32, #tpu.memory_space<hbm>>
      %dma_start3A_101 = tpu.memref_squeeze %dma_start3A_100 : memref<1x800xf32, #tpu.memory_space<hbm>> -> memref<800xf32, #tpu.memory_space<hbm>>
      tpu.enqueue_dma source(%arg13 : memref<800xf32, #tpu.memory_space<vmem>>) target(%dma_start3A_101 : memref<800xf32, #tpu.memory_space<hbm>>) target_semaphore(%run_scoped3A : memref<!tpu.dma_semaphore, #tpu.memory_space<semaphore_mem>>)
      %dma_wait3A_102 = arith.constant 0 : i32
      %dma_wait3A_103 = tpu.memref_slice %arg8[%add3A, %dma_wait3A_102] : memref<32x800xf32, #tpu.memory_space<hbm>> -> memref<1x800xf32, #tpu.memory_space<hbm>>
      %dma_wait3A_104 = tpu.memref_squeeze %dma_wait3A_103 : memref<1x800xf32, #tpu.memory_space<hbm>> -> memref<800xf32, #tpu.memory_space<hbm>>
      %dma_wait3A_105 = arith.constant 0 : i32
      %dma_wait3A_106 = tpu.memref_slice %arg8[%add3A, %dma_wait3A_105] : memref<32x800xf32, #tpu.memory_space<hbm>> -> memref<1x800xf32, #tpu.memory_space<hbm>>
      %dma_wait3A_107 = tpu.memref_squeeze %dma_wait3A_106 : memref<1x800xf32, #tpu.memory_space<hbm>> -> memref<800xf32, #tpu.memory_space<hbm>>
      tpu.wait_dma2 semaphore(%run_scoped3A : memref<!tpu.dma_semaphore, #tpu.memory_space<semaphore_mem>>) src(%arg13 : memref<800xf32, #tpu.memory_space<vmem>>) dst(%dma_wait3A_107 : memref<800xf32, #tpu.memory_space<hbm>>)
      tpu.yield
    }) : () -> ()
    %barrier3A_90 = arith.constant 0 : index
    tpu.barrier barrier_id(%barrier3A_90)
    %eq3A_91 = arith.constant 0 : i32
    %eq3A_92 = arith.cmpi eq, %arg1, %eq3A_91 : i32
    %convert_element_type3A_93 = arith.extui %eq3A_92 : i1 to i32
    %cond3A_94 = arith.constant 0 : i32
    %cond3A_95 = arith.cmpi ne, %convert_element_type3A_93, %cond3A_94 : i32
    scf.if %cond3A_95 {
      "tpu.region"() ({
        %run_scoped3A = tpu.sem_alloc : memref<!tpu.dma_semaphore, #tpu.memory_space<semaphore_mem>>
        %dma_start3A_96 = arith.constant 0 : i32
        %dma_start3A_97 = arith.constant 0 : i32
        %dma_start3A_98 = tpu.memref_slice %arg7[%arg0, %dma_start3A_96, %dma_start3A_97] : memref<2x800x128xf32, #tpu.memory_space<hbm>> -> memref<1x800x128xf32, #tpu.memory_space<hbm>>
        %dma_start3A_99 = tpu.memref_squeeze %dma_start3A_98 : memref<1x800x128xf32, #tpu.memory_space<hbm>> -> memref<800x128xf32, #tpu.memory_space<hbm>>
        tpu.enqueue_dma source(%arg16 : memref<800x128xf32, #tpu.memory_space<vmem_shared>>) target(%dma_start3A_99 : memref<800x128xf32, #tpu.memory_space<hbm>>) target_semaphore(%run_scoped3A : memref<!tpu.dma_semaphore, #tpu.memory_space<semaphore_mem>>)
        %dma_wait3A_100 = arith.constant 0 : i32
        %dma_wait3A_101 = arith.constant 0 : i32
        %dma_wait3A_102 = tpu.memref_slice %arg7[%arg0, %dma_wait3A_100, %dma_wait3A_101] : memref<2x800x128xf32, #tpu.memory_space<hbm>> -> memref<1x800x128xf32, #tpu.memory_space<hbm>>
        %dma_wait3A_103 = tpu.memref_squeeze %dma_wait3A_102 : memref<1x800x128xf32, #tpu.memory_space<hbm>> -> memref<800x128xf32, #tpu.memory_space<hbm>>
        tpu.wait_dma2 semaphore(%run_scoped3A : memref<!tpu.dma_semaphore, #tpu.memory_space<semaphore_mem>>) src(%arg16 : memref<800x128xf32, #tpu.memory_space<vmem_shared>>) dst(%dma_wait3A_103 : memref<800x128xf32, #tpu.memory_space<hbm>>)
        tpu.yield
      }) : () -> ()
    } else {
    }
    return
  }
}

module attributes {stable_mosaic.version = 14 : i64} {
  func.func @_mid_body(%arg0: memref<100x1024xf32, #tpu.memory_space<vmem>>, %arg1: memref<100x1024xf32, #tpu.memory_space<vmem>>, %arg2: memref<32x100x8xf32, #tpu.memory_space<vmem>>, %arg3: memref<8x1024xf32, #tpu.memory_space<vmem>>, %arg4: memref<1024x512xf32, #tpu.memory_space<vmem>>, %arg5: memref<1x512xf32, #tpu.memory_space<vmem>>, %arg6: memref<512x8xf32, #tpu.memory_space<vmem>>, %arg7: memref<1x1xf32, #tpu.memory_space<vmem>>, %arg8: memref<100x8xf32, #tpu.memory_space<vmem>>) attributes {dimension_semantics = [], scalar_prefetch = 0 : i64, scratch_operands = 0 : i64, tpu.core_type = #tpu.core_type<tc>} {
    %get3A = arith.constant 0 : index
    %get3A_0 = arith.constant 0 : index
    %get3A_1 = arith.constant 0 : index
    %get3A_2 = vector.load %arg2[%get3A, %get3A_0, %get3A_1] : memref<32x100x8xf32, #tpu.memory_space<vmem>>, vector<32x100x8xf32>
    %reduce_sum3A = arith.constant dense<0.000000e+00> : vector<100x8xf32>
    %reduce_sum3A_3 = vector.multi_reduction <add>, %get3A_2, %reduce_sum3A [0] : vector<32x100x8xf32> to vector<100x8xf32>
    %mul3A = arith.mulf %reduce_sum3A_3, %reduce_sum3A_3 : vector<100x8xf32>
    %reduce_sum3A_4 = arith.constant dense<0.000000e+00> : vector<100xf32>
    %reduce_sum3A_5 = vector.multi_reduction <add>, %mul3A, %reduce_sum3A_4 [1] : vector<100x8xf32> to vector<100xf32>
    %broadcast_in_dim3A = vector.shape_cast %reduce_sum3A_5 : vector<100xf32> to vector<100x1xf32>
    %gt3A = arith.constant 0.000000e+00 : f32
    %gt3A_6 = vector.broadcast %gt3A : f32 to vector<100x1xf32>
    %gt3A_7 = arith.cmpf ogt, %broadcast_in_dim3A, %gt3A_6 : vector<100x1xf32>
    %jit3A = arith.constant 1.000000e+00 : f32
    %broadcast_in_dim3A_8 = vector.broadcast %jit3A : f32 to vector<100x1xf32>
    %select_n3A = arith.select %gt3A_7, %broadcast_in_dim3A, %broadcast_in_dim3A_8 : vector<100x1xi1>, vector<100x1xf32>
    %div3A = vector.broadcast %select_n3A : vector<100x1xf32> to vector<100x8xf32>
    %div3A_9 = arith.divf %reduce_sum3A_3, %div3A : vector<100x8xf32>
    %get3A_10 = arith.constant 0 : index
    %get3A_11 = arith.constant 0 : index
    %get3A_12 = vector.load %arg3[%get3A_10, %get3A_11] : memref<8x1024xf32, #tpu.memory_space<vmem>>, vector<8x1024xf32>
    %dot_general3A = arith.constant dense<0.000000e+00> : vector<100x1024xf32>
    %dot_general3A_13 = tpu.matmul %div3A_9, %get3A_12, %dot_general3A {dimension_numbers = #tpu.dot_dimension_numbers<[1], [0], [0], [1], [0, 0, 1, 1], [], []>, precision = #tpu.contract_precision<fp32>, transpose_lhs_hint = false} : vector<100x8xf32>, vector<8x1024xf32>, vector<100x1024xf32> -> vector<100x1024xf32>
    %get3A_14 = arith.constant 0 : index
    %get3A_15 = arith.constant 0 : index
    %get3A_16 = vector.load %arg0[%get3A_14, %get3A_15] : memref<100x1024xf32, #tpu.memory_space<vmem>>, vector<100x1024xf32>
    %get3A_17 = arith.constant 0 : index
    %get3A_18 = arith.constant 0 : index
    %get3A_19 = vector.load %arg1[%get3A_17, %get3A_18] : memref<100x1024xf32, #tpu.memory_space<vmem>>, vector<100x1024xf32>
    %add3A = arith.addf %get3A_16, %get3A_19 : vector<100x1024xf32>
    %mul3A_20 = arith.mulf %add3A, %dot_general3A_13 : vector<100x1024xf32>
    %get3A_21 = arith.constant 0 : index
    %get3A_22 = arith.constant 0 : index
    %get3A_23 = vector.load %arg4[%get3A_21, %get3A_22] : memref<1024x512xf32, #tpu.memory_space<vmem>>, vector<1024x512xf32>
    %dot_general3A_24 = arith.constant dense<0.000000e+00> : vector<100x512xf32>
    %dot_general3A_25 = tpu.matmul %mul3A_20, %get3A_23, %dot_general3A_24 {dimension_numbers = #tpu.dot_dimension_numbers<[1], [0], [0], [1], [0, 0, 1, 1], [], []>, precision = #tpu.contract_precision<fp32>, transpose_lhs_hint = false} : vector<100x1024xf32>, vector<1024x512xf32>, vector<100x512xf32> -> vector<100x512xf32>
    %get3A_26 = arith.constant 0 : index
    %get3A_27 = arith.constant 0 : index
    %get3A_28 = vector.load %arg5[%get3A_26, %get3A_27] : memref<1x512xf32, #tpu.memory_space<vmem>>, vector<1x512xf32>
    %add3A_29 = vector.broadcast %get3A_28 : vector<1x512xf32> to vector<100x512xf32>
    %add3A_30 = arith.addf %dot_general3A_25, %add3A_29 : vector<100x512xf32>
    %ge3A = arith.constant 0.000000e+00 : f32
    %ge3A_31 = vector.broadcast %ge3A : f32 to vector<100x512xf32>
    %ge3A_32 = arith.cmpf oge, %add3A_30, %ge3A_31 : vector<100x512xf32>
    %mul3A_33 = arith.constant 4.500000e-01 : f32
    %mul3A_34 = vector.broadcast %mul3A_33 : f32 to vector<100x512xf32>
    %mul3A_35 = arith.mulf %mul3A_34, %add3A_30 : vector<100x512xf32>
    %select_n3A_36 = arith.select %ge3A_32, %add3A_30, %mul3A_35 : vector<100x512xi1>, vector<100x512xf32>
    %get3A_37 = arith.constant 0 : index
    %get3A_38 = arith.constant 0 : index
    %get3A_39 = vector.load %arg6[%get3A_37, %get3A_38] : memref<512x8xf32, #tpu.memory_space<vmem>>, vector<512x8xf32>
    %dot_general3A_40 = arith.constant dense<0.000000e+00> : vector<100x8xf32>
    %dot_general3A_41 = tpu.matmul %select_n3A_36, %get3A_39, %dot_general3A_40 {dimension_numbers = #tpu.dot_dimension_numbers<[1], [0], [0], [1], [0, 0, 1, 1], [], []>, precision = #tpu.contract_precision<fp32>, transpose_lhs_hint = false} : vector<100x512xf32>, vector<512x8xf32>, vector<100x8xf32> -> vector<100x8xf32>
    %get3A_42 = arith.constant 0 : index
    %get3A_43 = arith.constant 0 : index
    %get3A_44 = vector.load %arg7[%get3A_42, %get3A_43] : memref<1x1xf32, #tpu.memory_space<vmem>>, vector<1x1xf32>
    %add3A_45 = vector.broadcast %get3A_44 : vector<1x1xf32> to vector<100x8xf32>
    %add3A_46 = arith.addf %dot_general3A_41, %add3A_45 : vector<100x8xf32>
    %gt3A_47 = arith.constant 0.000000e+00 : f32
    %gt3A_48 = vector.broadcast %gt3A_47 : f32 to vector<100x8xf32>
    %gt3A_49 = arith.cmpf ogt, %reduce_sum3A_3, %gt3A_48 : vector<100x8xf32>
    %jit3A_50 = arith.constant -1.000000e+30 : f32
    %broadcast_in_dim3A_51 = vector.broadcast %jit3A_50 : f32 to vector<100x8xf32>
    %select_n3A_52 = arith.select %gt3A_49, %add3A_46, %broadcast_in_dim3A_51 : vector<100x8xi1>, vector<100x8xf32>
    %reduce_max3A = arith.constant dense<0xFF800000> : vector<100xf32>
    %reduce_max3A_53 = vector.multi_reduction <maximumf>, %select_n3A_52, %reduce_max3A [1] : vector<100x8xf32> to vector<100xf32>
    %broadcast_in_dim3A_54 = vector.shape_cast %reduce_max3A_53 : vector<100xf32> to vector<100x1xf32>
    %gt3A_55 = arith.constant -1.000000e+29 : f32
    %gt3A_56 = vector.broadcast %gt3A_55 : f32 to vector<100x1xf32>
    %gt3A_57 = arith.cmpf ogt, %broadcast_in_dim3A_54, %gt3A_56 : vector<100x1xf32>
    %jit3A_58 = arith.constant 0.000000e+00 : f32
    %broadcast_in_dim3A_59 = vector.broadcast %jit3A_58 : f32 to vector<100x1xf32>
    %select_n3A_60 = arith.select %gt3A_57, %broadcast_in_dim3A_54, %broadcast_in_dim3A_59 : vector<100x1xi1>, vector<100x1xf32>
    %sub3A = vector.broadcast %select_n3A_60 : vector<100x1xf32> to vector<100x8xf32>
    %sub3A_61 = arith.subf %add3A_46, %sub3A : vector<100x8xf32>
    %exp3A = math.exp %sub3A_61 : vector<100x8xf32>
    %mul3A_62 = arith.mulf %reduce_sum3A_3, %exp3A : vector<100x8xf32>
    %reduce_sum3A_63 = arith.constant dense<0.000000e+00> : vector<100xf32>
    %reduce_sum3A_64 = vector.multi_reduction <add>, %mul3A_62, %reduce_sum3A_63 [1] : vector<100x8xf32> to vector<100xf32>
    %broadcast_in_dim3A_65 = vector.shape_cast %reduce_sum3A_64 : vector<100xf32> to vector<100x1xf32>
    %add3A_66 = arith.constant 1.000000e-16 : f32
    %add3A_67 = vector.broadcast %add3A_66 : f32 to vector<100x1xf32>
    %add3A_68 = arith.addf %broadcast_in_dim3A_65, %add3A_67 : vector<100x1xf32>
    %div3A_69 = vector.broadcast %add3A_68 : vector<100x1xf32> to vector<100x8xf32>
    %div3A_70 = arith.divf %exp3A, %div3A_69 : vector<100x8xf32>
    %swap3A = arith.constant 0 : index
    %swap3A_71 = arith.constant 0 : index
    %swap3A_72 = vector.load %arg8[%swap3A, %swap3A_71] : memref<100x8xf32, #tpu.memory_space<vmem>>, vector<100x8xf32>
    tpu.vector_store %arg8[%swap3A, %swap3A_71], %div3A_70 {strides = array<i32>} : memref<100x8xf32, #tpu.memory_space<vmem>>, vector<100x8xf32>,
    return
  }
}

</mosaic_0001>

<sc_bundles>
// kernel: kernel.5.cloned.1.call-start
scs
__scs_entry_jumppad:
0x0: {  	(pc) =	sbr.rel $0x88, $3  }
0x1: {  	(tag) =	ssettag $0x0;
	lr =	simm.s32 $0x1  }
0x2: {  	[smem:$0x3F9A] =	sst lr;
	_ =	strace $0xD0000000  }
0x3: {  	_ = 	snop  }
0x4: {  	_ = 	snop  }
0x5: {  	_ = 	snop  }
0x6: {  	_ = 	snop  }
0x7: {  	_ = 	snop  }
__scs_overlays_trampoline_lowered:
0x8: {  	[smem:$0x3FA9] =	sst s0  }
0x9: {  	[smem:$0x3FAA] =	sst s1  }
0xa: {  	[smem:$0x3FAB] =	sst s2  }
0xb: {  	[smem:$0x3FAC] =	sst s3  }
0xc: {  	[smem:$0x3FAD] =	sst s4  }
0xd: {  	[smem:$0x3FAE] =	sst s5  }
0xe: {  	[smem:$0x3FAF] =	sst s6  }
0xf: {  	[smem:$0x3FB0] =	sst s7  }
0x10: {  	[smem:$0x3FB1] =	sst s8  }
0x11: {  	[smem:$0x3FB2] =	sst s9;
	s0 =	simm.s32 @!p0 $0x0  }
0x12: {  	s1 =	sld [smem:$0x3F98];
	s0 =	simm.s32 @p0 $0x1  }
0x13: {  	[smem:$0x3FB3] =	sst s0;
	s0 =	simm.s32 @!p1 $0x0  }
0x14: {  	s2 =	sld [smem:$0x3F97];
	s0 =	simm.s32 @p1 $0x1  }
0x15: {  	[smem:$0x3FB4] =	sst s0;
	s0 =	simm.s32 @!p2 $0x0  }
0x16: {  	s3 =	sld [smem:$0x3FDB];
	s0 =	simm.s32 @p2 $0x1  }
0x17: {  	s4 =	simm.s32 $0x1BF5;
	[smem:$0x3FB6] =	sst s0  }
0x18: {  	s0 =	sld [smem:$0x3F99];
	_ =	swait.ge [sflag:s4], $0x0  }
0x19: {  	s7 =	sld [smem:$0x3F9A]  }
0x1a: {  	s8 =	sadd.s32 $0xFFFFE003, lr  }
0x1b: {  	s9 =	sadd.s32 $0xFFFFFEF7, lr;
	s5 =	simm.s32 $0xFFFFFFFF;
	p2 =	slt.u32 s8, $0xFFFFF086  }
0x1c: {  	p1 =	slt.u32 s9, $0xF7A;
	s5 =	simm.s32 @!p2 $0x0  }
0x1d: {  	s5 =	simm.s32 @p1 $0x1;
	p0 =	seq.s32 s7, s2  }
0x1e: {  	s7 =	smul.u32 @!p0 $0xF7A, s2;
	p2 =	seq.s32 @!p0 s5, $0x0  }
0x1f: {  	s9 =	smul.u32 $0xF7A, s1;
	s8 =	simm.s32 @!p0 $0x1BF5;
	p2 =	por !p2, p0  }
0x20: {  	[sflag:s8] =	ssyncset.s32 @!p0 $0xFFFFF086;
	s6 =	sadd.s32 @!p0 s3, s7;
	s7 =	simm.s32 @!p0 $0x108  }
0x21: {  	s3 =	sadd.s32 s3, s9;
	s6 =	sadd.s32 @!p0 $0x88, s6;
	s7 =	simm.s32 @p2 $0x1082  }
0x22: {  	[simem:s7], [sflag:s8] =	dma.local @!p0 [hbm:s6], $0xF7A  }
0x23: {  	s9 =	sor.u32 $0xD0000000, s2;
	s6 =	simm.s32 $0x108;
	_ =	swait.ge @!p0 [sflag:s8], $0x0  }
0x24: {  	s3 =	sadd.s32 $0x88, s3;
	s6 =	simm.s32 @!p1 $0x1082;
	[sflag:s4] =	ssyncset.s32 $0xFFFFF086  }
0x25: {  	[simem:s6], [sflag:s4] =	dma.local [hbm:s3], $0xF7A  }
0x26: {  	[smem:$0x3F9A] =	sst s1;
	(tag) =	ssettag s2;
	_ =	strace s9  }
0x27: {  	s1 =	sld [smem:$0x3FAA]  }
0x28: {  	s2 =	sld [smem:$0x3FAB]  }
0x29: {  	s4 =	sld [smem:$0x3FAD]  }
0x2a: {  	p0 =	seq.s32 s5, $0x0;
	s5 =	sld [smem:$0x3FAE]  }
0x2b: {  	s6 =	sld [smem:$0x3FAF]  }
0x2c: {  	s7 =	sld [smem:$0x3FB0]  }
0x2d: {  	s3 =	simm.s32 $0x108;
	s8 =	sld [smem:$0x3FB1]  }
0x2e: {  	s3 =	simm.s32 @!p0 $0x1082;
	s9 =	sld [smem:$0x3FB2]  }
0x2f: {  	lr =	sadd.s32 s0, s3;
	s0 =	sld [smem:$0x3FA9]  }
0x30: {  	s3 =	sld [smem:$0x3FAC]  }
0x31: {  	[smem:$0x3FB5] =	sst s10  }
0x32: {  	s10 =	sld [smem:$0x3FB3];
	_ =	sdelay $0x3  }
0x33: {  	p0 =	seq.s32 s10, $0x1;
	s10 =	sld [smem:$0x3FB5];
	_ =	sdelay $0x3  }
0x34: {  	[smem:$0x3FB5] =	sst s10  }
0x35: {  	s10 =	sld [smem:$0x3FB4];
	_ =	sdelay $0x3  }
0x36: {  	p1 =	seq.s32 s10, $0x1;
	s10 =	sld [smem:$0x3FB5];
	_ =	sdelay $0x3  }
0x37: {  	[smem:$0x3FB5] =	sst s10  }
0x38: {  	s10 =	sld [smem:$0x3FB6]  }
0x39: {  	_ = 	snop;
	(pc) =	sbr.ind lr, $3  }
0x3a: {  	_ = 	snop  }
0x3b: {  	_ = 	snop  }
0x3c: {  	p2 =	seq.s32 s10, $0x1;
	s10 =	sld [smem:$0x3FB5]  }
0x3d: {  	_ =	shalt  }
0x3e: {  	_ =	shalt  }
0x3f: {  	_ =	shalt  }
0x40: {  	_ =	shalt  }
0x41: {  	_ =	shalt  }
0x42: {  	_ =	shalt  }
0x43: {  	_ =	shalt  }
0x44: {  	_ =	shalt  }
0x45: {  	_ =	shalt  }
0x46: {  	_ =	shalt  }
0x47: {  	_ =	shalt  }
0x48: {  	_ =	shalt  }
0x49: {  	_ =	shalt  }
0x4a: {  	_ =	shalt  }
0x4b: {  	_ =	shalt  }
0x4c: {  	_ =	shalt  }
0x4d: {  	_ =	shalt  }
0x4e: {  	_ =	shalt  }
0x4f: {  	_ =	shalt  }
0x50: {  	_ =	shalt  }
0x51: {  	_ =	shalt  }
0x52: {  	_ =	shalt  }
0x53: {  	_ =	shalt  }
0x54: {  	_ =	shalt  }
0x55: {  	_ =	shalt  }
0x56: {  	_ =	shalt  }
0x57: {  	_ =	shalt  }
0x58: {  	_ =	shalt  }
0x59: {  	_ =	shalt  }
0x5a: {  	_ =	shalt  }
0x5b: {  	_ =	shalt  }
0x5c: {  	_ =	shalt  }
0x5d: {  	_ =	shalt  }
0x5e: {  	_ =	shalt  }
0x5f: {  	_ =	shalt  }
0x60: {  	_ =	shalt  }
0x61: {  	_ =	shalt  }
0x62: {  	_ =	shalt  }
0x63: {  	_ =	shalt  }
0x64: {  	_ =	shalt  }
0x65: {  	_ =	shalt  }
0x66: {  	_ =	shalt  }
0x67: {  	_ =	shalt  }
0x68: {  	_ =	shalt  }
0x69: {  	_ =	shalt  }
0x6a: {  	_ =	shalt  }
0x6b: {  	_ =	shalt  }
0x6c: {  	_ =	shalt  }
0x6d: {  	_ =	shalt  }
0x6e: {  	_ =	shalt  }
0x6f: {  	_ =	shalt  }
0x70: {  	_ =	shalt  }
0x71: {  	_ =	shalt  }
0x72: {  	_ =	shalt  }
0x73: {  	_ =	shalt  }
0x74: {  	_ =	shalt  }
0x75: {  	_ =	shalt  }
0x76: {  	_ =	shalt  }
0x77: {  	_ =	shalt  }
0x78: {  	_ =	shalt  }
0x79: {  	_ =	shalt  }
0x7a: {  	_ =	shalt  }
0x7b: {  	_ =	shalt  }
0x7c: {  	_ =	shalt  }
0x7d: {  	_ =	shalt  }
0x7e: {  	_ =	shalt  }
0x7f: {  	_ =	shalt  }
0x80: {  	_ =	shalt  }
0x81: {  	_ =	shalt  }
0x82: {  	_ =	shalt  }
0x83: {  	_ =	shalt  }
0x84: {  	_ =	shalt  }
0x85: {  	_ =	shalt  }
0x86: {  	_ =	shalt  }
0x87: {  	_ =	shalt  }
.Lfunc_end0:
.L_simem_size_0:
called_computation_lowered:
.L_overlay_start_0:
0x88: {  	s2 =	sld [smem:$0x3FD9]  }
0x89: {  	s3 =	sld [smem:$0x3FFE];
	_ =	sdelay $0x1  }
0x8a: {  	s1 =	srdreg.scid  }
0x8b: {  	s0 =	sand.u32 $0x1, s1  }
0x8c: {  	s17 =	sshll.u32 s0, $0xA;
	s2 =	sadd.s32 s3, s2  }
0x8d: {  	s2 =	sadd.s32 s2, s17  }
0x8e: {  	[smem:$0x3FC1] =	sst s2  }
0x8f: {  	_ = 	snop  }
0x90: {  	s2 =	sld [smem:$0x3FC9]  }
0x91: {  	s18 =	sld [smem:$0x3FC8]  }
0x92: {  	s4 =	sld [smem:$0x3FC7]  }
0x93: {  	s5 =	sld [smem:$0x3FD0];
	(tm) =	ssettm $0x1  }
0x94: {  	s6 =	sld [smem:$0x3FFB];
	_ =	sdelay $0x3  }
0x95: {  	_ =	strace s6  }
0x96: {  	s6 =	sld [smem:$0x3FFC];
	_ =	sdelay $0x3  }
0x97: {  	_ =	strace s6  }
0x98: {  	s6 =	sld [smem:$0x3FFD];
	_ =	sdelay $0x3  }
0x99: {  	_ =	strace s6  }
0x9a: {  	_ =	strace $0x8FFFFFFF  }
0x9b: {  	s19 =	sld [smem:$0x3FDB];
	_ =	sdelay $0x1  }
0x9c: {  	s7 =	simm.s32 $_scs_section_size  }
0x9d: {  	s8 =	simm.s32 $_size__tile_overlayer_lowered;
	s9 =	simm.s32 $_tile_overlayer_lowered  }
0x9e: {  	s22 =	simm.s32 $0x1BFF;
	s21 =	sshll.u32 s9, $0x1;
	s6 =	sadd.s32 s7, s19  }
0x9f: {  	s10 =	simm.s32 $0x0;
	s20 =	sshll.u32 s8, $0x1;
	s8 =	sadd.s32 s21, s6  }
0xa0: {  	[timem:s10], [sflag:s22] =	dma.local [hbm:s8], s20  }
0xa1: {  	_ =	swait.ge [sflag:s22], s20  }
0xa2: {  	s7 =	ssub.s32 $0x0, s20;
	[sflag:s22] =	ssyncset.done $0x0  }
0xa3: {  	[sflag:s22] =	ssyncadd.s32 s7;
	_ =	sdelay $0x1  }
0xa4: {  	s23 =	simm.s32 $0x1B8B  }
0xa5: {  	_ =	swait.ge [sflag:s23], $0x1  }
0xa6: {  	[sflag:s23] =	ssyncset.done $0x0  }
0xa7: {  	s25 =	simm.s32 $0x1B8E;
	s24 =	sld [smem:$0x3FFE];
	[sflag:s23] =	ssyncadd.s32 $0xFFFFFFFF  }
0xa8: {  	s26 =	simm.s32 $execute0_lowered;
	[smem:$0x3FD2] =	sst s25  }
0xa9: {  	s8 =	sshll.u32 s26, $0x1;
	_ =	strace $0x80000046;
	[dreg:$0x1] =	wrdreg $0xFFFFFFFF  }
0xaa: {  	s28 =	simm.s32 $_size_execute0_lowered;
	s6 =	sadd.s32 s6, s8;
	[dreg:$0x0] =	wrdreg $0x0  }
0xab: {  	s8 =	sshll.u32 s28, $0x1;
	[dreg:$0x2] =	wrdreg s6  }
0xac: {  	[dreg:$0x3] =	wrdreg s8  }
0xad: {  	[dreg:$0x4] =	wrdreg $0xC0  }
0xae: {  	_ =	task [dreg:s10], $0x5FFFF  }
0xaf: {  	[dreg:$0x1] =	wrdreg $0xFFFFFFFF  }
0xb0: {  	[dreg:$0x0] =	wrdreg $0x60  }
0xb1: {  	[dreg:$0x2] =	wrdreg s2  }
0xb2: {  	[dreg:$0x3] =	wrdreg s4  }
0xb3: {  	[dreg:$0x4] =	wrdreg s18  }
0xb4: {  	[dreg:$0x5] =	wrdreg s24  }
0xb5: {  	[dreg:$0x6] =	wrdreg s5  }
0xb6: {  	[dreg:$0x7] =	wrdreg $0x1A2800  }
0xb7: {  	[dreg:$0x8] =	wrdreg $0x9  }
0xb8: {  	_ =	task.clear_ibuf [dreg:s10], $0x9FFFF;
	_ =	strace $0x90000046  }
0xb9: {  	s29 =	simm.s32 $0x9;
	_ =	strace $0x80000048  }
0xba: {  	_ =	swait.ge [sflag:s29], $0x1  }
0xbb: {  	[sflag:s29] =	ssyncadd.s32 $0xFFFFFFFF  }
0xbc: {  	_ =	strace $0x90000048  }
0xbd: {  	_ =	sfence  }
0xbe: {  	s30 =	sld [smem:$0x0];
	_ =	sdelay $0x2  }
0xbf: {  	s31 =	sshll.u32 s1, $0xD;
	s1 =	sshrl.u32 s1, $0x2  }
0xc0: {  	s3 =	sand.u32 $0x4000, s31;
	s1 =	sadd.s32 s1, s30  }
0xc1: {  	s0 =	sor.u32 s3, s0;
	s1 =	sshll.u32 s1, $0x11  }
0xc2: {  	s0 =	sor.u32 s1, s0  }
0xc3: {  	s0 =	sadd.s32 $0x8F2B, s0  }
0xc4: {  	[sflag:s0] =	ssyncadd.remote.s32 $0x1  }
0xc5: {  	_ =	sfence.sel $0xFFFF  }
0xc6: {  	[dreg:$0x0] =	wrdreg $0xFFFFFFFF;
	(pc) =	sbr.abs _section_cstart, $3  }
0xc7: {  	[dreg:$0x1] =	wrdreg $0xFFFFFFFF  }
0xc8: {  	_ =	task.clear_ibuf [dreg:s10], $0x2FFFF;
	_ =	strace $0x9FFFFFFF  }
0xc9: {  	(tm) =	ssettm $0x7FFFFFFF  }
tec
execute0_lowered:
.L_overlay_start_1:
0x0: {  	(tag) =	ssettag $0x1  }
0x1: {  	s0 =	rddreg [dreg:$0x0]  }
0x2: {  	s10 =	rddreg [dreg:$0x1]  }
0x3: {  	s11 =	rddreg [dreg:$0x2]  }
0x4: {  	s5 =	rddreg [dreg:$0x3]  }
0x5: {  	s13 =	rddreg [dreg:$0x4]  }
0x6: {  	s1 =	rddreg [dreg:$0x5];
	s3 =	srdreg.scid;
	s2 =	simm.s32 $0x0  }
0x7: {  	s16 =	stileid.u32;
	s31 =	simm.s32 $0x400;
	s9 =	sand.u32 $0x1, s3  }
0x8: {  	[smem:$0x7FF] =	sst s2;
	s4 =	sadd.s32 $0x4800, s5;
	s20 =	sshll.u32 s16, $0x7  }
0x9: {  	s25 =	smul.u32 $0xC, s16;
	p1 =	sne.s32 s16, $0x0;
	s3 =	sshll.u32 s9, $0x4  }
0xa: {  	_ =	strace $0x80000047;
	s6 =	smul.u32 $0x3200, s9;
	s7 =	ssub.s32 $0x2, s9  }
0xb: {  	s21 =	smul.u32 $0xC0, s9;
	s24 =	sand.u32 $0x380, s20;
	s20 =	simm.s32 $0x3  }
0xc: {  	s17 =	sor.u32 s16, s3;
	s3 =	sadd.s32 $0x1600, s5;
	s12 =	sshrl.u32 s7, $0x1  }
0xd: {  	s8 =	smul.u32 $0xC, s17;
	s14 =	smin.u32 s17, $0x6;
	s15 =	sadd.s32 s6, s5  }
0xe: {  	s18 =	ssub.s32 s7, s12;
	p0 =	sgt.u32 s17, $0x5;
	s5 =	simm.s32 $0xC  }
0xf: {  	s23 =	sshrl.u32 s17, $0x3;
	p2 =	sne.s32 s17, $0x1F;
	s5 =	simm.s32 @!p0 $0xD  }
0x10: {  	s12 =	smul.u32 $0x1C00, s23;
	s28 =	sor.u32 s21, s14;
	s21 =	simm.s32 $0x1  }
0x11: {  	s23 =	simm.s32 $0x2;
	s8 =	sadd.s32 s14, s8;
	s29 =	sadd.s32 s25, s28  }
0x12: {  	s14 =	sadd.s32 $0x4A00, s15;
	s15 =	smax.u32 s18, $0x1;
	s18 =	sshrl.u32 @!p1 s1, $0x3  }
0x13: {  	s22 =	sshll.u32 s8, $0xC;
	s19 =	sshll.u32 s8, $0x5;
	s26 =	sor.u32 s24, s12  }
0x14: {  	s12 =	sadd.s32 $0x186000, s0;
	s30 =	sshll.u32 s29, $0xC;
	s6 =	sadd.s32 s0, s22  }
.Ltmp0:
0x15: {  	s8 =	sadd.s32 s10, s19;
	s9 =	sadd.s32 s11, s19;
	(pc) =	sbr.rel .LBB2_1-.Ltmp0, $4  }
0x16: {  	s10 =	sadd.s32 $0x30C0, s10;
	s11 =	sadd.s32 $0x30C0, s11;
	s0 =	sadd.s32 s30, s0  }
0x17: {  	s19 =	simm.s32 $0x19D00;
	s22 =	simm.s32 $0x80;
	[dreg:$0x7] =	wrdreg s10  }
0x18: {  	s7 =	sadd.s32 $0x1000, s6;
	[dreg:$0x8] =	wrdreg s11;
	s10 =	sshrl.u32 s26, $0x3  }
0x19: {  	v0 =	vimm.f32 $1.000000000e+00;
	s26 =	sadd.s32 $0x2000, s0;
	s0 =	simm.s32 $0x0;
	s13 =	sadd.s32 s13, s10  }
.LBB2_5:
0x1a: {  	[hbm4b:s13+s22] =	stream.strided.scatter [tilespmem:s19], [sflag:$0x3], $0x380, s31, s22, $0x38;
	[tilespmem:$0x1BB80] =	vst v63  }
0x1b: {  	_ =	swait.ge [sflag:s20], $0x380  }
0x1c: {  	[sflag:s20] =	ssyncset.done $0x0  }
0x1d: {  	s0 =	sadd.s32 $0x1, s0;
	[sflag:s20] =	ssyncadd.s32 $0xFFFFFC80  }
0x1e: {  	s10 =	simm.s32 @!p1 $0x1C03;
	p3 =	sne.s32 s0, s15;
	[bflag:$0x0] =	sbarrier.arrive $0xFFFF  }
0x1f: {  	[hbm:s14], [sflag:s10] =	dma.local @!p1 [spmem:s18], $0x3200  }
.Ltmp1:
0x20: {  	_ = 	snop;
	(pc) =	sbr.rel @!p3 .LBB2_6-.Ltmp1, $4  }
0x21: {  	s10 =	simm.s32 @!p1 $0x3  }
0x22: {  	_ =	swait.ge @!p1 [sflag:s10], $0x3200  }
0x23: {  	[sflag:s10] =	ssyncset.done @!p1 $0x0  }
0x24: {  	[sflag:s10] =	ssyncadd.s32 @!p1 $0xFFFFCE00  }
.LBB2_1:
0x25: {  	[tilespmem:s2], [sflag:$0x1] =	stream.linear.gather [hbm4b:s6+s2], $0x8000, $0x38;
	[tilespmem:$0x1BB80] =	vst v63  }
0x26: {  	s10 =	simm.s32 $0x8000  }
0x27: {  	[tilespmem:s10], [sflag:$0x1] =	stream.linear.gather [hbm4b:s7+s2], $0x8000, $0x38;
	[tilespmem:$0x1BB80] =	vst v63  }
0x28: {  	s10 =	simm.s32 @!p1 $0x1C03  }
0x29: {  	[spmem:s18], [sflag:s10] =	dma.local @!p1 [hbm:s3], $0x3200  }
0x2a: {  	s10 =	simm.s32 @!p1 $0x3  }
0x2b: {  	_ =	swait.ge @!p1 [sflag:s10], $0x3200  }
0x2c: {  	[sflag:s10] =	ssyncset.done @!p1 $0x0  }
0x2d: {  	[sflag:s10] =	ssyncadd.s32 @!p1 $0xFFFFCE00  }
0x2e: {  	[tilespmem:s19], [sflag:$0x3] =	stream.linear.gather [hbm4b:s4+s2], $0x380, $0x38;
	[tilespmem:$0x1BB80] =	vst v63  }
0x2f: {  	_ =	swait.ge [sflag:s20], $0x380  }
0x30: {  	[sflag:s20] =	ssyncset.done $0x0  }
0x31: {  	s11 =	simm.s32 @p0 $0x18000;
	s10 =	simm.s32 @p0 $0x0;
	[sflag:s20] =	ssyncadd.s32 $0xFFFFFC80  }
0x32: {  	[tilespmem:s11], [sflag:$0x3] =	stream.linear.gather @p0 [hbm4b:s8+s10], $0xC00, $0x38;
	[tilespmem:$0x1BB80] =	vst v63  }
0x33: {  	s11 =	simm.s32 @p0 $0x3  }
0x34: {  	_ =	swait.ge @p0 [sflag:s11], $0xC00  }
0x35: {  	[sflag:s11] =	ssyncset.done @p0 $0x0  }
0x36: {  	s16 =	simm.s32 @p0 $0x18D00;
	[sflag:s11] =	ssyncadd.s32 @p0 $0xFFFFF400  }
0x37: {  	[tilespmem:s16], [sflag:$0x3] =	stream.linear.gather @p0 [hbm4b:s9+s10], $0xC00, $0x38;
	[tilespmem:$0x1BB80] =	vst v63  }
0x38: {  	_ =	swait.ge @p0 [sflag:s11], $0xC00  }
0x39: {  	[sflag:s11] =	ssyncset.done @p0 $0x0  }
0x3a: {  	s10 =	simm.s32 @!p0 $0x0;
	[sflag:s11] =	ssyncadd.s32 @p0 $0xFFFFF400;
	s11 =	simm.s32 @!p0 $0x18000  }
0x3b: {  	[tilespmem:s11], [sflag:$0x3] =	stream.linear.gather @!p0 [hbm4b:s8+s10], $0xD00, $0x38;
	[tilespmem:$0x1BB80] =	vst v63  }
0x3c: {  	s11 =	simm.s32 @!p0 $0x3  }
0x3d: {  	_ =	swait.ge @!p0 [sflag:s11], $0xD00  }
0x3e: {  	[sflag:s11] =	ssyncset.done @!p0 $0x0  }
0x3f: {  	s16 =	simm.s32 @!p0 $0x18D00;
	[sflag:s11] =	ssyncadd.s32 @!p0 $0xFFFFF300  }
0x40: {  	[tilespmem:s16], [sflag:$0x3] =	stream.linear.gather @!p0 [hbm4b:s9+s10], $0xD00, $0x38;
	[tilespmem:$0x1BB80] =	vst v63  }
0x41: {  	_ =	swait.ge @!p0 [sflag:s11], $0xD00  }
0x42: {  	s24 =	simm.s32 $0x10000;
	s25 =	simm.s32 $0x2;
	[sflag:s11] =	ssyncset.done @!p0 $0x0  }
0x43: {  	s28 =	simm.s32 $0x0;
	s29 =	simm.s32 $0x0;
	[sflag:s11] =	ssyncadd.s32 @!p0 $0xFFFFF300  }
0x44: {  	s30 =	simm.s32 $0x0;
	s16 =	smov.u32 s26;
	[bflag:$0x0] =	sbarrier.arrive $0xFFFF  }
.LBB2_2:
0x45: {  	_ =	swait.ge [sflag:s21], $0x8000  }
0x46: {  	p3 =	seq.s32 s29, $0x0;
	[sflag:s21] =	ssyncset.done $0x0  }
0x47: {  	s10 =	smulhi.u32 $0xAAAAAAAB, s25;
	s11 =	simm.s32 @!p3 $0x2;
	[sflag:s21] =	ssyncadd.s32 $0xFFFF8000  }
0x48: {  	_ =	swait.ge @!p3 [sflag:s11], $0x4000  }
0x49: {  	s10 =	sshrl.u32 s10, $0x1;
	[sflag:s11] =	ssyncset.done @!p3 $0x0  }
0x4a: {  	s10 =	smul.u32 $0xFFFA0000, s10;
	[sflag:s11] =	ssyncadd.s32 @!p3 $0xFFFFC000  }
0x4b: {  	s17 =	sadd.s32 $0x2, s30;
	_ =	swait.ge @!p3 [sflag:s11], $0x4000  }
0x4c: {  	p4 =	sge.u32 s17, s5;
	s10 =	sshra.s32 s10, $0x2;
	[sflag:s11] =	ssyncset.done @!p3 $0x0  }
0x4d: {  	s10 =	sadd.s32 s10, s24;
	[sflag:s11] =	ssyncadd.s32 @!p3 $0xFFFFC000;
	s11 =	simm.s32 @!p4 $0x0  }
0x4e: {  	[tilespmem:s10], [sflag:$0x1] =	stream.linear.gather @!p4 [hbm4b:s16+s11], $0x8000, $0x38;
	[tilespmem:$0x1BB80] =	vst v63  }
0x4f: {  	s10 =	sshra.s32 s29, $0x2  }
0x50: {  	v1 =	vld [tilespmem:s10+$0x18000]  }
0x51: {  	v2 =	vld [tilespmem:s10+$0x18D00]  }
0x52: {  	s17 =	smulhi.u32 $0xAAAAAAAB, s30;
	_ =	sdelay $0x1  }
0x53: {  	s11 =	sshrl.u32 s17, $0x1  }
0x54: {  	s17 =	smul.u32 $0xFFFFF400, s11;
	v1 =	vshll.u32 v1, $0x3  }
0x55: {  	v1 =	vadd.s32 v2, v1  }
0x56: {  	s17 =	sshra.s32 s17, $0x2  }
0x57: {  	s17 =	sadd.s32 $0x19A00, s17  }
0x58: {  	s17 =	sadd.s32 s10, s17  }
0x59: {  	[tilespmem:s17+$0x0] =	vst v1  }
0x5a: {  	[tilespmem:v1+s19+$0x0] =	vst.idx.add.f32.msk $0xffff, v0  }
0x5b: {  	v1 =	vld [tilespmem:s10+$0x18010]  }
0x5c: {  	v2 =	vld [tilespmem:s10+$0x18D10];
	_ =	sdelay $0x3  }
0x5d: {  	v1 =	vshll.u32 v1, $0x3  }
0x5e: {  	v1 =	vadd.s32 v2, v1;
	_ =	sdelay $0x3  }
0x5f: {  	[tilespmem:s17+$0x10] =	vst v1  }
0x60: {  	[tilespmem:v1+s19+$0x0] =	vst.idx.add.f32.msk $0xffff, v0  }
0x61: {  	v1 =	vld [tilespmem:s10+$0x18020]  }
0x62: {  	v2 =	vld [tilespmem:s10+$0x18D20];
	_ =	sdelay $0x3  }
0x63: {  	v1 =	vshll.u32 v1, $0x3  }
0x64: {  	v1 =	vadd.s32 v2, v1;
	_ =	sdelay $0x3  }
0x65: {  	[tilespmem:s17+$0x20] =	vst v1  }
0x66: {  	[tilespmem:v1+s19+$0x0] =	vst.idx.add.f32.msk $0xffff, v0  }
0x67: {  	v1 =	vld [tilespmem:s10+$0x18030]  }
0x68: {  	v2 =	vld [tilespmem:s10+$0x18D30];
	_ =	sdelay $0x3  }
0x69: {  	v1 =	vshll.u32 v1, $0x3  }
0x6a: {  	v1 =	vadd.s32 v2, v1;
	_ =	sdelay $0x3  }
0x6b: {  	[tilespmem:s17+$0x30] =	vst v1  }
0x6c: {  	[tilespmem:v1+s19+$0x0] =	vst.idx.add.f32.msk $0xffff, v0  }
0x6d: {  	v1 =	vld [tilespmem:s10+$0x18040]  }
0x6e: {  	v2 =	vld [tilespmem:s10+$0x18D40];
	_ =	sdelay $0x3  }
0x6f: {  	v1 =	vshll.u32 v1, $0x3  }
0x70: {  	v1 =	vadd.s32 v2, v1;
	_ =	sdelay $0x3  }
0x71: {  	[tilespmem:s17+$0x40] =	vst v1  }
0x72: {  	[tilespmem:v1+s19+$0x0] =	vst.idx.add.f32.msk $0xffff, v0  }
0x73: {  	v1 =	vld [tilespmem:s10+$0x18050]  }
0x74: {  	v2 =	vld [tilespmem:s10+$0x18D50];
	_ =	sdelay $0x3  }
0x75: {  	v1 =	vshll.u32 v1, $0x3  }
0x76: {  	v1 =	vadd.s32 v2, v1;
	_ =	sdelay $0x3  }
0x77: {  	[tilespmem:s17+$0x50] =	vst v1  }
0x78: {  	[tilespmem:v1+s19+$0x0] =	vst.idx.add.f32.msk $0xffff, v0  }
0x79: {  	v1 =	vld [tilespmem:s10+$0x18060]  }
0x7a: {  	v2 =	vld [tilespmem:s10+$0x18D60];
	_ =	sdelay $0x3  }
0x7b: {  	v1 =	vshll.u32 v1, $0x3  }
0x7c: {  	v1 =	vadd.s32 v2, v1;
	_ =	sdelay $0x3  }
0x7d: {  	[tilespmem:s17+$0x60] =	vst v1  }
0x7e: {  	[tilespmem:v1+s19+$0x0] =	vst.idx.add.f32.msk $0xffff, v0  }
0x7f: {  	v1 =	vld [tilespmem:s10+$0x18070]  }
0x80: {  	v2 =	vld [tilespmem:s10+$0x18D70];
	_ =	sdelay $0x3  }
0x81: {  	v1 =	vshll.u32 v1, $0x3  }
0x82: {  	v1 =	vadd.s32 v2, v1;
	_ =	sdelay $0x3  }
0x83: {  	[tilespmem:s17+$0x70] =	vst v1  }
0x84: {  	[tilespmem:v1+s19+$0x0] =	vst.idx.add.f32.msk $0xffff, v0  }
0x85: {  	v1 =	vld [tilespmem:s10+$0x18080]  }
0x86: {  	v2 =	vld [tilespmem:s10+$0x18D80];
	_ =	sdelay $0x3  }
0x87: {  	v1 =	vshll.u32 v1, $0x3  }
0x88: {  	v1 =	vadd.s32 v2, v1;
	_ =	sdelay $0x3  }
0x89: {  	[tilespmem:s17+$0x80] =	vst v1  }
0x8a: {  	[tilespmem:v1+s19+$0x0] =	vst.idx.add.f32.msk $0xffff, v0  }
0x8b: {  	v1 =	vld [tilespmem:s10+$0x18090]  }
0x8c: {  	v2 =	vld [tilespmem:s10+$0x18D90];
	_ =	sdelay $0x3  }
0x8d: {  	v1 =	vshll.u32 v1, $0x3  }
0x8e: {  	v1 =	vadd.s32 v2, v1;
	_ =	sdelay $0x3  }
0x8f: {  	[tilespmem:s17+$0x90] =	vst v1  }
0x90: {  	[tilespmem:v1+s19+$0x0] =	vst.idx.add.f32.msk $0xffff, v0  }
0x91: {  	v1 =	vld [tilespmem:s10+$0x180A0]  }
0x92: {  	v2 =	vld [tilespmem:s10+$0x18DA0];
	_ =	sdelay $0x3  }
0x93: {  	v1 =	vshll.u32 v1, $0x3  }
0x94: {  	v1 =	vadd.s32 v2, v1;
	_ =	sdelay $0x3  }
0x95: {  	[tilespmem:s17+$0xA0] =	vst v1  }
0x96: {  	[tilespmem:v1+s19+$0x0] =	vst.idx.add.f32.msk $0xffff, v0  }
0x97: {  	v1 =	vld [tilespmem:s10+$0x180B0]  }
0x98: {  	v2 =	vld [tilespmem:s10+$0x18DB0];
	_ =	sdelay $0x3  }
0x99: {  	v1 =	vshll.u32 v1, $0x3  }
0x9a: {  	v1 =	vadd.s32 v2, v1;
	_ =	sdelay $0x3  }
0x9b: {  	[tilespmem:s17+$0xB0] =	vst v1  }
0x9c: {  	[tilespmem:v1+s19+$0x0] =	vst.idx.add.f32.msk $0xffff, v0  }
0x9d: {  	v1 =	vld [tilespmem:s10+$0x180C0]  }
0x9e: {  	v2 =	vld [tilespmem:s10+$0x18DC0];
	_ =	sdelay $0x3  }
0x9f: {  	v1 =	vshll.u32 v1, $0x3  }
0xa0: {  	v1 =	vadd.s32 v2, v1;
	_ =	sdelay $0x3  }
0xa1: {  	[tilespmem:s17+$0xC0] =	vst v1  }
0xa2: {  	[tilespmem:v1+s19+$0x0] =	vst.idx.add.f32.msk $0xffff, v0  }
0xa3: {  	v1 =	vld [tilespmem:s10+$0x180D0]  }
0xa4: {  	v2 =	vld [tilespmem:s10+$0x18DD0];
	_ =	sdelay $0x3  }
0xa5: {  	v1 =	vshll.u32 v1, $0x3  }
0xa6: {  	v1 =	vadd.s32 v2, v1;
	_ =	sdelay $0x3  }
0xa7: {  	[tilespmem:s17+$0xD0] =	vst v1  }
0xa8: {  	[tilespmem:v1+s19+$0x0] =	vst.idx.add.f32.msk $0xffff, v0  }
0xa9: {  	v1 =	vld [tilespmem:s10+$0x180E0]  }
0xaa: {  	v2 =	vld [tilespmem:s10+$0x18DE0];
	_ =	sdelay $0x3  }
0xab: {  	v1 =	vshll.u32 v1, $0x3  }
0xac: {  	v1 =	vadd.s32 v2, v1;
	_ =	sdelay $0x3  }
0xad: {  	[tilespmem:s17+$0xE0] =	vst v1  }
0xae: {  	[tilespmem:v1+s19+$0x0] =	vst.idx.add.f32.msk $0xffff, v0  }
0xaf: {  	v1 =	vld [tilespmem:s10+$0x180F0]  }
0xb0: {  	v2 =	vld [tilespmem:s10+$0x18DF0];
	_ =	sdelay $0x3  }
0xb1: {  	v1 =	vshll.u32 v1, $0x3  }
0xb2: {  	v1 =	vadd.s32 v2, v1;
	_ =	sdelay $0x1  }
0xb3: {  	s30 =	sadd.s32 $0x1, s30;
	s11 =	smul.u32 $0xFFFA0000, s11  }
0xb4: {  	s25 =	sadd.s32 $0x1, s25;
	p3 =	sne.s32 s30, s5  }
.Ltmp2:
0xb5: {  	s24 =	sadd.s32 $0x8000, s24;
	s10 =	sshra.s32 s11, $0x2;
	[tilespmem:s17+$0xF0] =	vst v1;
	(pc) =	sbr.rel @p3 .LBB2_2-.Ltmp2, $4  }
0xb6: {  	s29 =	sadd.s32 $0x400, s29;
	s16 =	sadd.s32 $0x1000, s16;
	s10 =	sadd.s32 s10, s28;
	[tilespmem:v1+s19+$0x0] =	vst.idx.add.f32.msk $0xffff, v0  }
0xb7: {  	[spmem:s1] =	stream.indirect.scatter.add.f32 [tilespmem:s10], [sflag:$0x2], $0x80, s17, s22, $0xb8;
	[tilespmem:$0x1BB80] =	vst v63  }
0xb8: {  	s28 =	sadd.s32 $0x8000, s28;
	s17 =	sadd.s32 $0x80, s17;
	s10 =	sadd.s32 $0x4000, s10  }
0xb9: {  	[spmem:s1] =	stream.indirect.scatter.add.f32 [tilespmem:s10], [sflag:$0x2], $0x80, s17, s22, $0xb8;
	[tilespmem:$0x1BB80] =	vst v63  }
0xba: {  	_ =	swait.ge [sflag:s23], $0x4000  }
.Ltmp3:
0xbb: {  	[sflag:s23] =	ssyncset.done $0x0;
	(pc) =	sbr.rel @p2 .LBB2_5-.Ltmp3, $4  }
0xbc: {  	[sflag:s23] =	ssyncadd.s32 $0xFFFFC000  }
0xbd: {  	_ =	swait.ge [sflag:s23], $0x4000  }
0xbe: {  	[sflag:s23] =	ssyncset.done $0x0  }
0xbf: {  	[sflag:s23] =	ssyncadd.s32 $0xFFFFC000  }
0xc0: {  	s10 =	rddreg [dreg:$0x7];
	s11 =	simm.s32 $0x1A080  }
0xc1: {  	[tilespmem:s11], [sflag:$0x3] =	stream.linear.gather [hbm4b:s10+s2], $0xA0, $0x38;
	[tilespmem:$0x1BB80] =	vst v63  }
0xc2: {  	_ =	swait.ge [sflag:s20], $0xA0  }
0xc3: {  	[sflag:s20] =	ssyncset.done $0x0  }
0xc4: {  	s25 =	simm.s32 $0x1A180;
	s24 =	rddreg [dreg:$0x8];
	[sflag:s20] =	ssyncadd.s32 $0xFFFFFF60  }
0xc5: {  	[tilespmem:s25], [sflag:$0x3] =	stream.linear.gather [hbm4b:s24+s2], $0xA0, $0x38;
	[tilespmem:$0x1BB80] =	vst v63  }
0xc6: {  	_ =	swait.ge [sflag:s20], $0xA0  }
0xc7: {  	[sflag:s20] =	ssyncset.done $0x0  }
0xc8: {  	[sflag:s20] =	ssyncadd.s32 $0xFFFFFF60  }
0xc9: {  	[tilespmem:s2], [sflag:$0x3] =	stream.linear.gather [hbm4b:s12+s2], $0x5000, $0x38;
	[tilespmem:$0x1BB80] =	vst v63  }
0xca: {  	_ =	swait.ge [sflag:s20], $0x5000  }
0xcb: {  	[sflag:s20] =	ssyncset.done $0x0  }
0xcc: {  	[sflag:s20] =	ssyncadd.s32 $0xFFFFB000  }
0xcd: {  	v1 =	vld [tilespmem:$0x1A080]  }
0xce: {  	v2 =	vld [tilespmem:$0x1A180];
	_ =	sdelay $0x3  }
0xcf: {  	v1 =	vshll.u32 v1, $0x3  }
0xd0: {  	v1 =	vadd.s32 v2, v1;
	_ =	sdelay $0x3  }
0xd1: {  	[tilespmem:$0x19A00] =	vst v1  }
0xd2: {  	[tilespmem:v1+s19+$0x0] =	vst.idx.add.f32.msk $0xffff, v0  }
0xd3: {  	v1 =	vld [tilespmem:$0x1A090]  }
0xd4: {  	v2 =	vld [tilespmem:$0x1A190];
	_ =	sdelay $0x3  }
0xd5: {  	v1 =	vshll.u32 v1, $0x3  }
0xd6: {  	v1 =	vadd.s32 v2, v1;
	_ =	sdelay $0x3  }
0xd7: {  	[tilespmem:$0x19A10] =	vst v1  }
0xd8: {  	[tilespmem:v1+s19+$0x0] =	vst.idx.add.f32.msk $0xffff, v0  }
0xd9: {  	v1 =	vld [tilespmem:$0x1A0A0]  }
0xda: {  	v2 =	vld [tilespmem:$0x1A1A0];
	_ =	sdelay $0x3  }
0xdb: {  	v1 =	vshll.u32 v1, $0x3  }
0xdc: {  	v1 =	vadd.s32 v2, v1;
	_ =	sdelay $0x3  }
0xdd: {  	[tilespmem:$0x19A20] =	vst v1  }
0xde: {  	[tilespmem:v1+s19+$0x0] =	vst.idx.add.f32.msk $0xffff, v0  }
0xdf: {  	v1 =	vld [tilespmem:$0x1A0B0]  }
0xe0: {  	v2 =	vld [tilespmem:$0x1A1B0];
	_ =	sdelay $0x3  }
0xe1: {  	v1 =	vshll.u32 v1, $0x3  }
0xe2: {  	v1 =	vadd.s32 v2, v1;
	_ =	sdelay $0x3  }
0xe3: {  	[tilespmem:$0x19A30] =	vst v1  }
0xe4: {  	[tilespmem:v1+s19+$0x0] =	vst.idx.add.f32.msk $0xffff, v0  }
0xe5: {  	v1 =	vld [tilespmem:$0x1A0C0]  }
0xe6: {  	v2 =	vld [tilespmem:$0x1A1C0];
	_ =	sdelay $0x3  }
0xe7: {  	v1 =	vshll.u32 v1, $0x3  }
0xe8: {  	v1 =	vadd.s32 v2, v1;
	_ =	sdelay $0x3  }
0xe9: {  	[tilespmem:$0x19A40] =	vst v1  }
0xea: {  	[tilespmem:v1+s19+$0x0] =	vst.idx.add.f32.msk $0xffff, v0  }
0xeb: {  	v1 =	vld [tilespmem:$0x1A0D0]  }
0xec: {  	v2 =	vld [tilespmem:$0x1A1D0];
	_ =	sdelay $0x3  }
0xed: {  	v1 =	vshll.u32 v1, $0x3  }
0xee: {  	v1 =	vadd.s32 v2, v1;
	_ =	sdelay $0x3  }
0xef: {  	[tilespmem:$0x19A50] =	vst v1  }
0xf0: {  	[tilespmem:v1+s19+$0x0] =	vst.idx.add.f32.msk $0xffff, v0  }
0xf1: {  	v1 =	vld [tilespmem:$0x1A0E0]  }
0xf2: {  	v2 =	vld [tilespmem:$0x1A1E0];
	_ =	sdelay $0x3  }
0xf3: {  	v1 =	vshll.u32 v1, $0x3  }
0xf4: {  	v1 =	vadd.s32 v2, v1;
	_ =	sdelay $0x3  }
0xf5: {  	[tilespmem:$0x19A60] =	vst v1  }
0xf6: {  	[tilespmem:v1+s19+$0x0] =	vst.idx.add.f32.msk $0xffff, v0  }
0xf7: {  	v1 =	vld [tilespmem:$0x1A0F0]  }
0xf8: {  	v2 =	vld [tilespmem:$0x1A1F0];
	_ =	sdelay $0x3  }
0xf9: {  	v1 =	vshll.u32 v1, $0x3  }
0xfa: {  	v1 =	vadd.s32 v2, v1;
	_ =	sdelay $0x3  }
0xfb: {  	[tilespmem:$0x19A70] =	vst v1  }
0xfc: {  	[tilespmem:v1+s19+$0x0] =	vst.idx.add.f32.msk $0xffff, v0  }
0xfd: {  	v1 =	vld [tilespmem:$0x1A100]  }
0xfe: {  	v2 =	vld [tilespmem:$0x1A200];
	_ =	sdelay $0x3  }
0xff: {  	v1 =	vshll.u32 v1, $0x3  }
0x100: {  	v1 =	vadd.s32 v2, v1;
	_ =	sdelay $0x3  }
0x101: {  	[tilespmem:$0x19A80] =	vst v1  }
0x102: {  	[tilespmem:v1+s19+$0x0] =	vst.idx.add.f32.msk $0xffff, v0  }
0x103: {  	v1 =	vld [tilespmem:$0x1A110]  }
0x104: {  	v2 =	vld [tilespmem:$0x1A210];
	_ =	sdelay $0x3  }
0x105: {  	v1 =	vshll.u32 v1, $0x3  }
0x106: {  	v1 =	vadd.s32 v2, v1;
	_ =	sdelay $0x3  }
0x107: {  	[tilespmem:$0x19A90] =	vst v1  }
0x108: {  	s28 =	simm.s32 $0x19A00;
	[tilespmem:v1+s19+$0x0] =	vst.idx.add.f32.msk $0xffff, v0  }
0x109: {  	[spmem:s1] =	stream.indirect.scatter.add.f32 [tilespmem:s2], [sflag:$0x3], $0x80, s28, s22, $0xb8;
	[tilespmem:$0x1BB80] =	vst v63  }
0x10a: {  	_ =	swait.ge [sflag:s20], $0x4000  }
0x10b: {  	s29 =	simm.s32 $0x20;
	s30 =	simm.s32 $0x19A80;
	[sflag:s20] =	ssyncset.done $0x0  }
.Ltmp4:
0x10c: {  	s16 =	simm.s32 $0x4000;
	[sflag:s20] =	ssyncadd.s32 $0xFFFFC000;
	(pc) =	sbr.rel .LBB2_5-.Ltmp4, $4  }
0x10d: {  	[spmem:s1] =	stream.indirect.scatter.add.f32 [tilespmem:s16], [sflag:$0x3], $0x80, s30, s29, $0xb8;
	[tilespmem:$0x1BB80] =	vst v63  }
0x10e: {  	_ =	swait.ge [sflag:s20], $0x1000  }
0x10f: {  	[sflag:s20] =	ssyncset.done $0x0  }
0x110: {  	[sflag:s20] =	ssyncadd.s32 $0xFFFFF000  }
.LBB2_6:
0x111: {  	_ =	sfence.sel $0x180000  }
0x112: {  	[bflag:$0x0] =	sbarrier.arrive $0xFFFF  }
0x113: {  	_ =	strace $0x90000047  }
0x114: {  	[bflag:$0x2] =	sbarrier.arrive $0xFFFF  }
0x115: {  	s0 =	rddreg [dreg:$0x6]  }
0x116: {  	s0 =	sadd.s32 @!p1 $0x100000, s0  }
0x117: {  	[sflag:s0] =	ssyncadd.tile.s32 @!p1 $0x1;
	_ =	shalt  }
.Lfunc_end2:
_tile_overlayer_lowered:
.L_overlay_start_2:
0x118: {  	(tag) =	ssettag $0x2  }
0x119: {  	s0 =	rddreg [dreg:$0x0];
	s2 =	stileid.u32  }
0x11a: {  	s1 =	rddreg [dreg:$0x1];
	p0 =	sne.s32 s2, $0x0  }
0x11b: {  	s3 =	rddreg [dreg:$0x2];
	[bflag:$0x3] =	sbarrier.arrive $0xFFFF;
	s2 =	simm.s32 @!p0 $0x1C03  }
0x11c: {  	[timem:s3], [sflag:s2] =	dma.local @!p0 [hbm:s0], s1  }
0x11d: {  	s0 =	simm.s32 @!p0 $0x3  }
0x11e: {  	_ =	swait.ge @!p0 [sflag:s0], s1  }
0x11f: {  	s1 =	ssub.s32 @!p0 $0x0, s1;
	[sflag:s0] =	ssyncset.done @!p0 $0x0  }
0x120: {  	[sflag:s0] =	ssyncadd.s32 @!p0 s1  }
0x121: {  	[bflag:$0x3] =	sbarrier.arrive $0xFFFF  }
0x122: {  	_ =	shalt  }

// kernel: kernel.8.cloned.1.call-start
scs
__scs_entry_jumppad:
0x0: {  	(pc) =	sbr.rel $0x88, $3  }
0x1: {  	(tag) =	ssettag $0x0;
	lr =	simm.s32 $0x1  }
0x2: {  	[smem:$0x3F9A] =	sst lr;
	_ =	strace $0xD0000000  }
0x3: {  	_ = 	snop  }
0x4: {  	_ = 	snop  }
0x5: {  	_ = 	snop  }
0x6: {  	_ = 	snop  }
0x7: {  	_ = 	snop  }
__scs_overlays_trampoline_lowered:
0x8: {  	[smem:$0x3FA9] =	sst s0  }
0x9: {  	[smem:$0x3FAA] =	sst s1  }
0xa: {  	[smem:$0x3FAB] =	sst s2  }
0xb: {  	[smem:$0x3FAC] =	sst s3  }
0xc: {  	[smem:$0x3FAD] =	sst s4  }
0xd: {  	[smem:$0x3FAE] =	sst s5  }
0xe: {  	[smem:$0x3FAF] =	sst s6  }
0xf: {  	[smem:$0x3FB0] =	sst s7  }
0x10: {  	[smem:$0x3FB1] =	sst s8  }
0x11: {  	[smem:$0x3FB2] =	sst s9;
	s0 =	simm.s32 @!p0 $0x0  }
0x12: {  	s1 =	sld [smem:$0x3F98];
	s0 =	simm.s32 @p0 $0x1  }
0x13: {  	[smem:$0x3FB3] =	sst s0;
	s0 =	simm.s32 @!p1 $0x0  }
0x14: {  	s2 =	sld [smem:$0x3F97];
	s0 =	simm.s32 @p1 $0x1  }
0x15: {  	[smem:$0x3FB4] =	sst s0;
	s0 =	simm.s32 @!p2 $0x0  }
0x16: {  	s3 =	sld [smem:$0x3FDB];
	s0 =	simm.s32 @p2 $0x1  }
0x17: {  	s4 =	simm.s32 $0x1BF5;
	[smem:$0x3FB6] =	sst s0  }
0x18: {  	s0 =	sld [smem:$0x3F99];
	_ =	swait.ge [sflag:s4], $0x0  }
0x19: {  	s7 =	sld [smem:$0x3F9A]  }
0x1a: {  	s8 =	sadd.s32 $0xFFFFE003, lr  }
0x1b: {  	s9 =	sadd.s32 $0xFFFFFEF7, lr;
	s5 =	simm.s32 $0xFFFFFFFF;
	p2 =	slt.u32 s8, $0xFFFFF086  }
0x1c: {  	p1 =	slt.u32 s9, $0xF7A;
	s5 =	simm.s32 @!p2 $0x0  }
0x1d: {  	s5 =	simm.s32 @p1 $0x1;
	p0 =	seq.s32 s7, s2  }
0x1e: {  	s7 =	smul.u32 @!p0 $0xF7A, s2;
	p2 =	seq.s32 @!p0 s5, $0x0  }
0x1f: {  	s9 =	smul.u32 $0xF7A, s1;
	s8 =	simm.s32 @!p0 $0x1BF5;
	p2 =	por !p2, p0  }
0x20: {  	[sflag:s8] =	ssyncset.s32 @!p0 $0xFFFFF086;
	s6 =	sadd.s32 @!p0 s3, s7;
	s7 =	simm.s32 @!p0 $0x108  }
0x21: {  	s3 =	sadd.s32 s3, s9;
	s6 =	sadd.s32 @!p0 $0x88, s6;
	s7 =	simm.s32 @p2 $0x1082  }
0x22: {  	[simem:s7], [sflag:s8] =	dma.local @!p0 [hbm:s6], $0xF7A  }
0x23: {  	s9 =	sor.u32 $0xD0000000, s2;
	s6 =	simm.s32 $0x108;
	_ =	swait.ge @!p0 [sflag:s8], $0x0  }
0x24: {  	s3 =	sadd.s32 $0x88, s3;
	s6 =	simm.s32 @!p1 $0x1082;
	[sflag:s4] =	ssyncset.s32 $0xFFFFF086  }
0x25: {  	[simem:s6], [sflag:s4] =	dma.local [hbm:s3], $0xF7A  }
0x26: {  	[smem:$0x3F9A] =	sst s1;
	(tag) =	ssettag s2;
	_ =	strace s9  }
0x27: {  	s1 =	sld [smem:$0x3FAA]  }
0x28: {  	s2 =	sld [smem:$0x3FAB]  }
0x29: {  	s4 =	sld [smem:$0x3FAD]  }
0x2a: {  	p0 =	seq.s32 s5, $0x0;
	s5 =	sld [smem:$0x3FAE]  }
0x2b: {  	s6 =	sld [smem:$0x3FAF]  }
0x2c: {  	s7 =	sld [smem:$0x3FB0]  }
0x2d: {  	s3 =	simm.s32 $0x108;
	s8 =	sld [smem:$0x3FB1]  }
0x2e: {  	s3 =	simm.s32 @!p0 $0x1082;
	s9 =	sld [smem:$0x3FB2]  }
0x2f: {  	lr =	sadd.s32 s0, s3;
	s0 =	sld [smem:$0x3FA9]  }
0x30: {  	s3 =	sld [smem:$0x3FAC]  }
0x31: {  	[smem:$0x3FB5] =	sst s10  }
0x32: {  	s10 =	sld [smem:$0x3FB3];
	_ =	sdelay $0x3  }
0x33: {  	p0 =	seq.s32 s10, $0x1;
	s10 =	sld [smem:$0x3FB5];
	_ =	sdelay $0x3  }
0x34: {  	[smem:$0x3FB5] =	sst s10  }
0x35: {  	s10 =	sld [smem:$0x3FB4];
	_ =	sdelay $0x3  }
0x36: {  	p1 =	seq.s32 s10, $0x1;
	s10 =	sld [smem:$0x3FB5];
	_ =	sdelay $0x3  }
0x37: {  	[smem:$0x3FB5] =	sst s10  }
0x38: {  	s10 =	sld [smem:$0x3FB6]  }
0x39: {  	_ = 	snop;
	(pc) =	sbr.ind lr, $3  }
0x3a: {  	_ = 	snop  }
0x3b: {  	_ = 	snop  }
0x3c: {  	p2 =	seq.s32 s10, $0x1;
	s10 =	sld [smem:$0x3FB5]  }
0x3d: {  	_ =	shalt  }
0x3e: {  	_ =	shalt  }
0x3f: {  	_ =	shalt  }
0x40: {  	_ =	shalt  }
0x41: {  	_ =	shalt  }
0x42: {  	_ =	shalt  }
0x43: {  	_ =	shalt  }
0x44: {  	_ =	shalt  }
0x45: {  	_ =	shalt  }
0x46: {  	_ =	shalt  }
0x47: {  	_ =	shalt  }
0x48: {  	_ =	shalt  }
0x49: {  	_ =	shalt  }
0x4a: {  	_ =	shalt  }
0x4b: {  	_ =	shalt  }
0x4c: {  	_ =	shalt  }
0x4d: {  	_ =	shalt  }
0x4e: {  	_ =	shalt  }
0x4f: {  	_ =	shalt  }
0x50: {  	_ =	shalt  }
0x51: {  	_ =	shalt  }
0x52: {  	_ =	shalt  }
0x53: {  	_ =	shalt  }
0x54: {  	_ =	shalt  }
0x55: {  	_ =	shalt  }
0x56: {  	_ =	shalt  }
0x57: {  	_ =	shalt  }
0x58: {  	_ =	shalt  }
0x59: {  	_ =	shalt  }
0x5a: {  	_ =	shalt  }
0x5b: {  	_ =	shalt  }
0x5c: {  	_ =	shalt  }
0x5d: {  	_ =	shalt  }
0x5e: {  	_ =	shalt  }
0x5f: {  	_ =	shalt  }
0x60: {  	_ =	shalt  }
0x61: {  	_ =	shalt  }
0x62: {  	_ =	shalt  }
0x63: {  	_ =	shalt  }
0x64: {  	_ =	shalt  }
0x65: {  	_ =	shalt  }
0x66: {  	_ =	shalt  }
0x67: {  	_ =	shalt  }
0x68: {  	_ =	shalt  }
0x69: {  	_ =	shalt  }
0x6a: {  	_ =	shalt  }
0x6b: {  	_ =	shalt  }
0x6c: {  	_ =	shalt  }
0x6d: {  	_ =	shalt  }
0x6e: {  	_ =	shalt  }
0x6f: {  	_ =	shalt  }
0x70: {  	_ =	shalt  }
0x71: {  	_ =	shalt  }
0x72: {  	_ =	shalt  }
0x73: {  	_ =	shalt  }
0x74: {  	_ =	shalt  }
0x75: {  	_ =	shalt  }
0x76: {  	_ =	shalt  }
0x77: {  	_ =	shalt  }
0x78: {  	_ =	shalt  }
0x79: {  	_ =	shalt  }
0x7a: {  	_ =	shalt  }
0x7b: {  	_ =	shalt  }
0x7c: {  	_ =	shalt  }
0x7d: {  	_ =	shalt  }
0x7e: {  	_ =	shalt  }
0x7f: {  	_ =	shalt  }
0x80: {  	_ =	shalt  }
0x81: {  	_ =	shalt  }
0x82: {  	_ =	shalt  }
0x83: {  	_ =	shalt  }
0x84: {  	_ =	shalt  }
0x85: {  	_ =	shalt  }
0x86: {  	_ =	shalt  }
0x87: {  	_ =	shalt  }
.Lfunc_end0:
.L_simem_size_0:
called_computation.1_lowered:
.L_overlay_start_0:
0x88: {  	s2 =	sld [smem:$0x3FD9]  }
0x89: {  	s3 =	sld [smem:$0x3FFE];
	_ =	sdelay $0x1  }
0x8a: {  	s1 =	srdreg.scid  }
0x8b: {  	s0 =	sand.u32 $0x1, s1  }
0x8c: {  	s17 =	sshll.u32 s0, $0xA;
	s2 =	sadd.s32 s3, s2  }
0x8d: {  	s2 =	sadd.s32 s2, s17  }
0x8e: {  	[smem:$0x3FC1] =	sst s2  }
0x8f: {  	_ = 	snop  }
0x90: {  	s2 =	sld [smem:$0x3FC8]  }
0x91: {  	s18 =	sld [smem:$0x3FC7]  }
0x92: {  	s4 =	sld [smem:$0x3FD0];
	(tm) =	ssettm $0x1  }
0x93: {  	s5 =	sld [smem:$0x3FFB];
	_ =	sdelay $0x3  }
0x94: {  	_ =	strace s5  }
0x95: {  	s5 =	sld [smem:$0x3FFC];
	_ =	sdelay $0x3  }
0x96: {  	_ =	strace s5  }
0x97: {  	s5 =	sld [smem:$0x3FFD];
	_ =	sdelay $0x3  }
0x98: {  	_ =	strace s5  }
0x99: {  	_ =	strace $0x8FFFFFFF  }
0x9a: {  	s19 =	sld [smem:$0x3FDB];
	_ =	sdelay $0x1  }
0x9b: {  	s6 =	simm.s32 $_scs_section_size  }
0x9c: {  	s7 =	simm.s32 $_size__tile_overlayer_lowered;
	s8 =	simm.s32 $_tile_overlayer_lowered  }
0x9d: {  	s22 =	simm.s32 $0x1BFF;
	s21 =	sshll.u32 s8, $0x1;
	s5 =	sadd.s32 s6, s19  }
0x9e: {  	s9 =	simm.s32 $0x0;
	s20 =	sshll.u32 s7, $0x1;
	s7 =	sadd.s32 s21, s5  }
0x9f: {  	[timem:s9], [sflag:s22] =	dma.local [hbm:s7], s20  }
0xa0: {  	_ =	swait.ge [sflag:s22], s20  }
0xa1: {  	s6 =	ssub.s32 $0x0, s20;
	[sflag:s22] =	ssyncset.done $0x0  }
0xa2: {  	[sflag:s22] =	ssyncadd.s32 s6;
	_ =	sdelay $0x1  }
0xa3: {  	s23 =	simm.s32 $0x1B8B  }
0xa4: {  	_ =	swait.ge [sflag:s23], $0x1  }
0xa5: {  	[sflag:s23] =	ssyncset.done $0x0  }
0xa6: {  	s25 =	simm.s32 $0x1B8E;
	s24 =	sld [smem:$0x3FFE];
	[sflag:s23] =	ssyncadd.s32 $0xFFFFFFFF  }
0xa7: {  	s26 =	simm.s32 $execute0_lowered;
	[smem:$0x3FD2] =	sst s25  }
0xa8: {  	s7 =	sshll.u32 s26, $0x1;
	_ =	strace $0x80000049;
	[dreg:$0x1] =	wrdreg $0xFFFFFFFF  }
0xa9: {  	s28 =	simm.s32 $_size_execute0_lowered;
	s5 =	sadd.s32 s5, s7;
	[dreg:$0x0] =	wrdreg $0x0  }
0xaa: {  	s7 =	sshll.u32 s28, $0x1;
	[dreg:$0x2] =	wrdreg s5  }
0xab: {  	[dreg:$0x3] =	wrdreg s7  }
0xac: {  	[dreg:$0x4] =	wrdreg $0xC0  }
0xad: {  	_ =	task [dreg:s9], $0x5FFFF  }
0xae: {  	[dreg:$0x1] =	wrdreg $0xFFFFFFFF  }
0xaf: {  	[dreg:$0x0] =	wrdreg $0x60  }
0xb0: {  	[dreg:$0x2] =	wrdreg s4  }
0xb1: {  	[dreg:$0x3] =	wrdreg s18  }
0xb2: {  	[dreg:$0x4] =	wrdreg s2  }
0xb3: {  	[dreg:$0x5] =	wrdreg s24  }
0xb4: {  	[dreg:$0x6] =	wrdreg $0x9  }
0xb5: {  	_ =	task.clear_ibuf [dreg:s9], $0x7FFFF;
	_ =	strace $0x90000049  }
0xb6: {  	s29 =	simm.s32 $0x9;
	_ =	strace $0x8000004B  }
0xb7: {  	_ =	swait.ge [sflag:s29], $0x1  }
0xb8: {  	[sflag:s29] =	ssyncadd.s32 $0xFFFFFFFF  }
0xb9: {  	_ =	strace $0x9000004B  }
0xba: {  	_ =	sfence  }
0xbb: {  	s30 =	sld [smem:$0x0];
	_ =	sdelay $0x2  }
0xbc: {  	s31 =	sshll.u32 s1, $0xD;
	s1 =	sshrl.u32 s1, $0x2  }
0xbd: {  	s3 =	sand.u32 $0x4000, s31;
	s1 =	sadd.s32 s1, s30  }
0xbe: {  	s0 =	sor.u32 s3, s0;
	s1 =	sshll.u32 s1, $0x11  }
0xbf: {  	s0 =	sor.u32 s1, s0  }
0xc0: {  	s0 =	sadd.s32 $0x8F2B, s0  }
0xc1: {  	[sflag:s0] =	ssyncadd.remote.s32 $0x1  }
0xc2: {  	_ =	sfence.sel $0xFFFF  }
0xc3: {  	[dreg:$0x0] =	wrdreg $0xFFFFFFFF;
	(pc) =	sbr.abs _section_cstart, $3  }
0xc4: {  	[dreg:$0x1] =	wrdreg $0xFFFFFFFF  }
0xc5: {  	_ =	task.clear_ibuf [dreg:s9], $0x2FFFF;
	_ =	strace $0x9FFFFFFF  }
0xc6: {  	(tm) =	ssettm $0x7FFFFFFF  }
0xc7: {  	_ =	shalt  }
tec
execute0_lowered:
.L_overlay_start_1:
0x0: {  	(tag) =	ssettag $0x1  }
0x1: {  	s0 =	rddreg [dreg:$0x0]  }
0x2: {  	s7 =	rddreg [dreg:$0x1]  }
0x3: {  	s8 =	rddreg [dreg:$0x2]  }
0x4: {  	s9 =	rddreg [dreg:$0x3]  }
0x5: {  	s1 =	srdreg.scid;
	s2 =	rddreg [dreg:$0x4]  }
0x6: {  	s14 =	simm.s32 $0x1F80;
	s15 =	simm.s32 $0x3;
	s16 =	simm.s32 $0x2080  }
0x7: {  	s17 =	simm.s32 $0x2180;
	s18 =	simm.s32 $0x0;
	s4 =	sand.u32 $0x1, s1  }
0x8: {  	s1 =	stileid.u32;
	s5 =	smul.u32 $0xC0, s4;
	s3 =	sshll.u32 s4, $0x4  }
0x9: {  	s6 =	smul.u32 $0xC, s1;
	s28 =	ssub.s32 $0x2, s4;
	s4 =	simm.s32 $0xC00  }
0xa: {  	s13 =	sor.u32 s1, s3;
	s3 =	simm.s32 $0x0;
	s30 =	sshrl.u32 s28, $0x1  }
0xb: {  	s10 =	smin.u32 s13, $0x6;
	s5 =	sadd.s32 s6, s5;
	[smem:$0x7FF] =	sst s3  }
0xc: {  	s29 =	smul.u32 $0xC, s13;
	p0 =	sgt.u32 s13, $0x5;
	s12 =	ssub.s32 s28, s30  }
0xd: {  	p1 =	sne.s32 s13, $0x1F;
	s13 =	simm.s32 $0x2;
	s5 =	sadd.s32 s10, s5  }
.Ltmp0:
0xe: {  	_ =	strace $0x8000004A;
	s5 =	sshll.u32 s5, $0x5;
	(pc) =	sbr.rel .LBB2_1-.Ltmp0, $4  }
0xf: {  	s4 =	simm.s32 @!p0 $0xD00;
	s10 =	sadd.s32 s10, s29;
	s11 =	sadd.s32 s5, s9  }
0x10: {  	s31 =	sshll.u32 s10, $0x5;
	s9 =	sadd.s32 $0x46C0, s9;
	s10 =	smax.u32 s12, $0x1  }
0x11: {  	s12 =	simm.s32 $0x1;
	s5 =	sadd.s32 s7, s31;
	s6 =	sadd.s32 s8, s31  }
0x12: {  	s7 =	sadd.s32 $0x30C0, s7;
	s8 =	sadd.s32 $0x30C0, s8;
	s11 =	sadd.s32 $0x1600, s11  }
.LBB2_5:
0x13: {  	s18 =	sadd.s32 $0x1, s18  }
0x14: {  	p2 =	sne.s32 s18, s10  }
.Ltmp1:
0x15: {  	_ = 	snop;
	(pc) =	sbr.rel @!p2 .LBB2_6-.Ltmp1, $1  }
0x16: {  	_ =	sdelay $0x3  }
.LBB2_1:
0x17: {  	[tilespmem:s3], [sflag:$0x1] =	stream.linear.gather [hbm4b:s0+s3], $0x380, $0x38;
	[tilespmem:$0x2280] =	vst v63  }
0x18: {  	s19 =	simm.s32 @p0 $0x0;
	s20 =	simm.s32 @p0 $0x380  }
0x19: {  	[tilespmem:s20], [sflag:$0x3] =	stream.linear.gather @p0 [hbm4b:s5+s19], $0xC00, $0x38;
	[tilespmem:$0x2280] =	vst v63  }
0x1a: {  	s20 =	simm.s32 @p0 $0x3  }
0x1b: {  	_ =	swait.ge @p0 [sflag:s20], $0xC00  }
0x1c: {  	[sflag:s20] =	ssyncset.done @p0 $0x0  }
0x1d: {  	s21 =	simm.s32 @p0 $0x1080;
	[sflag:s20] =	ssyncadd.s32 @p0 $0xFFFFF400  }
0x1e: {  	[tilespmem:s21], [sflag:$0x3] =	stream.linear.gather @p0 [hbm4b:s6+s19], $0xC00, $0x38;
	[tilespmem:$0x2280] =	vst v63  }
0x1f: {  	_ =	swait.ge @p0 [sflag:s20], $0xC00  }
0x20: {  	[sflag:s20] =	ssyncset.done @p0 $0x0  }
0x21: {  	s19 =	simm.s32 @!p0 $0x0;
	[sflag:s20] =	ssyncadd.s32 @p0 $0xFFFFF400;
	s20 =	simm.s32 @!p0 $0x380  }
0x22: {  	[tilespmem:s20], [sflag:$0x3] =	stream.linear.gather @!p0 [hbm4b:s5+s19], $0xD00, $0x38;
	[tilespmem:$0x2280] =	vst v63  }
0x23: {  	s20 =	simm.s32 @!p0 $0x3  }
0x24: {  	_ =	swait.ge @!p0 [sflag:s20], $0xD00  }
0x25: {  	[sflag:s20] =	ssyncset.done @!p0 $0x0  }
0x26: {  	s21 =	simm.s32 @!p0 $0x1080;
	[sflag:s20] =	ssyncadd.s32 @!p0 $0xFFFFF300  }
0x27: {  	[tilespmem:s21], [sflag:$0x3] =	stream.linear.gather @!p0 [hbm4b:s6+s19], $0xD00, $0x38;
	[tilespmem:$0x2280] =	vst v63  }
0x28: {  	_ =	swait.ge @!p0 [sflag:s20], $0xD00  }
0x29: {  	[sflag:s20] =	ssyncset.done @!p0 $0x0  }
0x2a: {  	[sflag:s20] =	ssyncadd.s32 @!p0 $0xFFFFF300  }
0x2b: {  	s22 =	simm.s32 $0x0;
	_ =	swait.ge [sflag:s12], $0x380  }
0x2c: {  	s23 =	simm.s32 $0x0;
	s19 =	simm.s32 $0x1100;
	[sflag:s12] =	ssyncset.done $0x0  }
0x2d: {  	s21 =	smov.u32 s11;
	s20 =	simm.s32 $0x400;
	[sflag:s12] =	ssyncadd.s32 $0xFFFFFC80  }
.LBB2_2:
0x2e: {  	p2 =	slt.u32 s23, $0x2  }
0x2f: {  	s24 =	simm.s32 @!p2 $0x2  }
0x30: {  	_ =	swait.ge @!p2 [sflag:s24], $0x100  }
0x31: {  	[sflag:s24] =	ssyncset.done @!p2 $0x0  }
0x32: {  	[sflag:s24] =	ssyncadd.s32 @!p2 $0xFFFFFF00  }
0x33: {  	v0 =	vld [tilespmem:s20+$0xFFFFFF80]  }
0x34: {  	v1 =	vld [tilespmem:s19+$0xFFFFFF80];
	_ =	sdelay $0x3  }
0x35: {  	v0 =	vshll.u32 v0, $0x3  }
0x36: {  	v0 =	vadd.s32 v1, v0;
	_ =	sdelay $0x4  }
0x37: {  	v0 =	vld.idx.msk [tilespmem:v0+s3+$0x0], $0xffff;
	_ =	sdelay $0x3  }
0x38: {  	s31 =	sand.u32 $0x100, s22  }
0x39: {  	[tilespmem:s31+$0x1D80] =	vst v0  }
0x3a: {  	v0 =	vld [tilespmem:s20+$0xFFFFFF90]  }
0x3b: {  	v49 =	vld [tilespmem:s19+$0xFFFFFF90];
	_ =	sdelay $0x3  }
0x3c: {  	v0 =	vshll.u32 v0, $0x3  }
0x3d: {  	v0 =	vadd.s32 v49, v0;
	_ =	sdelay $0x4  }
0x3e: {  	v0 =	vld.idx.msk [tilespmem:v0+s3+$0x0], $0xffff;
	_ =	sdelay $0x4  }
0x3f: {  	[tilespmem:s31+$0x1D90] =	vst v0  }
0x40: {  	v0 =	vld [tilespmem:s20+$0xFFFFFFA0]  }
0x41: {  	v50 =	vld [tilespmem:s19+$0xFFFFFFA0];
	_ =	sdelay $0x3  }
0x42: {  	v0 =	vshll.u32 v0, $0x3  }
0x43: {  	v0 =	vadd.s32 v50, v0;
	_ =	sdelay $0x4  }
0x44: {  	v0 =	vld.idx.msk [tilespmem:v0+s3+$0x0], $0xffff;
	_ =	sdelay $0x4  }
0x45: {  	[tilespmem:s31+$0x1DA0] =	vst v0  }
0x46: {  	v0 =	vld [tilespmem:s20+$0xFFFFFFB0]  }
0x47: {  	v51 =	vld [tilespmem:s19+$0xFFFFFFB0];
	_ =	sdelay $0x3  }
0x48: {  	v0 =	vshll.u32 v0, $0x3  }
0x49: {  	v0 =	vadd.s32 v51, v0;
	_ =	sdelay $0x4  }
0x4a: {  	v0 =	vld.idx.msk [tilespmem:v0+s3+$0x0], $0xffff;
	_ =	sdelay $0x4  }
0x4b: {  	[tilespmem:s31+$0x1DB0] =	vst v0  }
0x4c: {  	v0 =	vld [tilespmem:s20+$0xFFFFFFC0]  }
0x4d: {  	v52 =	vld [tilespmem:s19+$0xFFFFFFC0];
	_ =	sdelay $0x3  }
0x4e: {  	v0 =	vshll.u32 v0, $0x3  }
0x4f: {  	v0 =	vadd.s32 v52, v0;
	_ =	sdelay $0x4  }
0x50: {  	v0 =	vld.idx.msk [tilespmem:v0+s3+$0x0], $0xffff;
	_ =	sdelay $0x4  }
0x51: {  	[tilespmem:s31+$0x1DC0] =	vst v0  }
0x52: {  	v0 =	vld [tilespmem:s20+$0xFFFFFFD0]  }
0x53: {  	v53 =	vld [tilespmem:s19+$0xFFFFFFD0];
	_ =	sdelay $0x3  }
0x54: {  	v0 =	vshll.u32 v0, $0x3  }
0x55: {  	v0 =	vadd.s32 v53, v0;
	_ =	sdelay $0x4  }
0x56: {  	v0 =	vld.idx.msk [tilespmem:v0+s3+$0x0], $0xffff;
	_ =	sdelay $0x4  }
0x57: {  	[tilespmem:s31+$0x1DD0] =	vst v0  }
0x58: {  	v0 =	vld [tilespmem:s20+$0xFFFFFFE0]  }
0x59: {  	v54 =	vld [tilespmem:s19+$0xFFFFFFE0];
	_ =	sdelay $0x3  }
0x5a: {  	v0 =	vshll.u32 v0, $0x3  }
0x5b: {  	v0 =	vadd.s32 v54, v0;
	_ =	sdelay $0x4  }
0x5c: {  	v0 =	vld.idx.msk [tilespmem:v0+s3+$0x0], $0xffff;
	_ =	sdelay $0x4  }
0x5d: {  	[tilespmem:s31+$0x1DE0] =	vst v0  }
0x5e: {  	v0 =	vld [tilespmem:s20+$0xFFFFFFF0]  }
0x5f: {  	v55 =	vld [tilespmem:s19+$0xFFFFFFF0];
	_ =	sdelay $0x3  }
0x60: {  	v0 =	vshll.u32 v0, $0x3  }
0x61: {  	v0 =	vadd.s32 v55, v0;
	_ =	sdelay $0x4  }
0x62: {  	v0 =	vld.idx.msk [tilespmem:v0+s3+$0x0], $0xffff;
	_ =	sdelay $0x4  }
0x63: {  	[tilespmem:s31+$0x1DF0] =	vst v0  }
0x64: {  	v0 =	vld [tilespmem:s20+$0x0]  }
0x65: {  	v56 =	vld [tilespmem:s19+$0x0];
	_ =	sdelay $0x3  }
0x66: {  	v0 =	vshll.u32 v0, $0x3  }
0x67: {  	v0 =	vadd.s32 v56, v0;
	_ =	sdelay $0x4  }
0x68: {  	v0 =	vld.idx.msk [tilespmem:v0+s3+$0x0], $0xffff;
	_ =	sdelay $0x4  }
0x69: {  	[tilespmem:s31+$0x1E00] =	vst v0  }
0x6a: {  	v0 =	vld [tilespmem:s20+$0x10]  }
0x6b: {  	v57 =	vld [tilespmem:s19+$0x10];
	_ =	sdelay $0x3  }
0x6c: {  	v0 =	vshll.u32 v0, $0x3  }
0x6d: {  	v0 =	vadd.s32 v57, v0;
	_ =	sdelay $0x4  }
0x6e: {  	v0 =	vld.idx.msk [tilespmem:v0+s3+$0x0], $0xffff;
	_ =	sdelay $0x4  }
0x6f: {  	[tilespmem:s31+$0x1E10] =	vst v0  }
0x70: {  	v0 =	vld [tilespmem:s20+$0x20]  }
0x71: {  	v58 =	vld [tilespmem:s19+$0x20];
	_ =	sdelay $0x3  }
0x72: {  	v0 =	vshll.u32 v0, $0x3  }
0x73: {  	v0 =	vadd.s32 v58, v0;
	_ =	sdelay $0x4  }
0x74: {  	v0 =	vld.idx.msk [tilespmem:v0+s3+$0x0], $0xffff;
	_ =	sdelay $0x4  }
0x75: {  	[tilespmem:s31+$0x1E20] =	vst v0  }
0x76: {  	v0 =	vld [tilespmem:s20+$0x30]  }
0x77: {  	v59 =	vld [tilespmem:s19+$0x30];
	_ =	sdelay $0x3  }
0x78: {  	v0 =	vshll.u32 v0, $0x3  }
0x79: {  	v0 =	vadd.s32 v59, v0;
	_ =	sdelay $0x4  }
0x7a: {  	v0 =	vld.idx.msk [tilespmem:v0+s3+$0x0], $0xffff;
	_ =	sdelay $0x4  }
0x7b: {  	[tilespmem:s31+$0x1E30] =	vst v0  }
0x7c: {  	v0 =	vld [tilespmem:s20+$0x40]  }
0x7d: {  	v60 =	vld [tilespmem:s19+$0x40];
	_ =	sdelay $0x3  }
0x7e: {  	v0 =	vshll.u32 v0, $0x3  }
0x7f: {  	v0 =	vadd.s32 v60, v0;
	_ =	sdelay $0x4  }
0x80: {  	v0 =	vld.idx.msk [tilespmem:v0+s3+$0x0], $0xffff;
	_ =	sdelay $0x4  }
0x81: {  	[tilespmem:s31+$0x1E40] =	vst v0  }
0x82: {  	v0 =	vld [tilespmem:s20+$0x50]  }
0x83: {  	v61 =	vld [tilespmem:s19+$0x50];
	_ =	sdelay $0x3  }
0x84: {  	v0 =	vshll.u32 v0, $0x3  }
0x85: {  	v0 =	vadd.s32 v61, v0;
	_ =	sdelay $0x4  }
0x86: {  	v0 =	vld.idx.msk [tilespmem:v0+s3+$0x0], $0xffff;
	_ =	sdelay $0x4  }
0x87: {  	[tilespmem:s31+$0x1E50] =	vst v0  }
0x88: {  	v0 =	vld [tilespmem:s20+$0x60]  }
0x89: {  	v62 =	vld [tilespmem:s19+$0x60];
	_ =	sdelay $0x3  }
0x8a: {  	v0 =	vshll.u32 v0, $0x3  }
0x8b: {  	v0 =	vadd.s32 v62, v0;
	_ =	sdelay $0x4  }
0x8c: {  	v0 =	vld.idx.msk [tilespmem:v0+s3+$0x0], $0xffff;
	_ =	sdelay $0x4  }
0x8d: {  	[tilespmem:s31+$0x1E60] =	vst v0  }
0x8e: {  	v0 =	vld [tilespmem:s20+$0x70]  }
0x8f: {  	v63 =	vld [tilespmem:s19+$0x70];
	_ =	sdelay $0x3  }
0x90: {  	v0 =	vshll.u32 v0, $0x3  }
0x91: {  	v0 =	vadd.s32 v63, v0;
	_ =	sdelay $0x4  }
0x92: {  	v0 =	vld.idx.msk [tilespmem:v0+s3+$0x0], $0xffff  }
0x93: {  	s22 =	sadd.s32 $0x100, s22  }
0x94: {  	p2 =	sne.s32 s4, s22  }
.Ltmp2:
0x95: {  	_ = 	snop;
	(pc) =	sbr.rel @p2 .LBB2_2-.Ltmp2, $4  }
0x96: {  	_ = 	snop  }
0x97: {  	s23 =	sadd.s32 $0x1, s23;
	s25 =	sadd.s32 $0x1D80, s31;
	[tilespmem:s31+$0x1E70] =	vst v0  }
0x98: {  	[hbm4b:s21+s3] =	stream.linear.scatter [tilespmem:s25], [sflag:$0x2], $0x100, $0x38;
	[tilespmem:$0x2280] =	vst v63  }
0x99: {  	s19 =	sadd.s32 $0x100, s19;
	s20 =	sadd.s32 $0x100, s20;
	s21 =	sadd.s32 $0x20, s21  }
0x9a: {  	_ =	swait.ge [sflag:s13], $0x100  }
.Ltmp3:
0x9b: {  	[sflag:s13] =	ssyncset.done $0x0;
	(pc) =	sbr.rel @p1 .LBB2_5-.Ltmp3, $4  }
0x9c: {  	[sflag:s13] =	ssyncadd.s32 $0xFFFFFF00  }
0x9d: {  	_ =	swait.ge [sflag:s13], $0x100  }
0x9e: {  	[sflag:s13] =	ssyncset.done $0x0  }
0x9f: {  	[sflag:s13] =	ssyncadd.s32 $0xFFFFFF00  }
0xa0: {  	[tilespmem:s14], [sflag:$0x3] =	stream.linear.gather [hbm4b:s7+s3], $0xA0, $0x38;
	[tilespmem:$0x2280] =	vst v63  }
0xa1: {  	_ =	swait.ge [sflag:s15], $0xA0  }
0xa2: {  	[sflag:s15] =	ssyncset.done $0x0  }
0xa3: {  	[sflag:s15] =	ssyncadd.s32 $0xFFFFFF60  }
0xa4: {  	[tilespmem:s16], [sflag:$0x3] =	stream.linear.gather [hbm4b:s8+s3], $0xA0, $0x38;
	[tilespmem:$0x2280] =	vst v63  }
0xa5: {  	_ =	swait.ge [sflag:s15], $0xA0  }
0xa6: {  	[sflag:s15] =	ssyncset.done $0x0  }
0xa7: {  	[sflag:s15] =	ssyncadd.s32 $0xFFFFFF60  }
0xa8: {  	v0 =	vld [tilespmem:$0x1F80]  }
0xa9: {  	v1 =	vld [tilespmem:$0x2080];
	_ =	sdelay $0x3  }
0xaa: {  	v0 =	vshll.u32 v0, $0x3  }
0xab: {  	v40 =	vld [tilespmem:$0x1F90];
	v0 =	vadd.s32 v1, v0  }
0xac: {  	v2 =	vld [tilespmem:$0x2090];
	_ =	sdelay $0x3  }
0xad: {  	v1 =	vshll.u32 v40, $0x3;
	v0 =	vld.idx.msk [tilespmem:v0+s3+$0x0], $0xffff  }
0xae: {  	v41 =	vld [tilespmem:$0x1FA0];
	v1 =	vadd.s32 v2, v1  }
0xaf: {  	v3 =	vld [tilespmem:$0x20A0];
	_ =	sdelay $0x2  }
0xb0: {  	[tilespmem:$0x2180] =	vst v0  }
0xb1: {  	v42 =	vshll.u32 v41, $0x3;
	v0 =	vld.idx.msk [tilespmem:v1+s3+$0x0], $0xffff  }
0xb2: {  	v43 =	vld [tilespmem:$0x1FB0];
	v1 =	vadd.s32 v3, v42  }
0xb3: {  	v44 =	vld [tilespmem:$0x20B0];
	_ =	sdelay $0x2  }
0xb4: {  	[tilespmem:$0x2190] =	vst v0  }
0xb5: {  	v45 =	vshll.u32 v43, $0x3;
	v0 =	vld.idx.msk [tilespmem:v1+s3+$0x0], $0xffff  }
0xb6: {  	v46 =	vld [tilespmem:$0x1FC0];
	v1 =	vadd.s32 v44, v45  }
0xb7: {  	v47 =	vld [tilespmem:$0x20C0];
	_ =	sdelay $0x2  }
0xb8: {  	[tilespmem:$0x21A0] =	vst v0  }
0xb9: {  	v48 =	vshll.u32 v46, $0x3;
	v0 =	vld.idx.msk [tilespmem:v1+s3+$0x0], $0xffff  }
0xba: {  	v49 =	vld [tilespmem:$0x1FD0];
	v1 =	vadd.s32 v47, v48  }
0xbb: {  	v50 =	vld [tilespmem:$0x20D0];
	_ =	sdelay $0x2  }
0xbc: {  	[tilespmem:$0x21B0] =	vst v0  }
0xbd: {  	v51 =	vshll.u32 v49, $0x3;
	v0 =	vld.idx.msk [tilespmem:v1+s3+$0x0], $0xffff  }
0xbe: {  	v52 =	vld [tilespmem:$0x1FE0];
	v1 =	vadd.s32 v50, v51  }
0xbf: {  	v53 =	vld [tilespmem:$0x20E0];
	_ =	sdelay $0x2  }
0xc0: {  	[tilespmem:$0x21C0] =	vst v0  }
0xc1: {  	v54 =	vshll.u32 v52, $0x3;
	v0 =	vld.idx.msk [tilespmem:v1+s3+$0x0], $0xffff  }
0xc2: {  	v55 =	vld [tilespmem:$0x1FF0];
	v1 =	vadd.s32 v53, v54  }
0xc3: {  	v56 =	vld [tilespmem:$0x20F0];
	_ =	sdelay $0x2  }
0xc4: {  	[tilespmem:$0x21D0] =	vst v0  }
0xc5: {  	v57 =	vshll.u32 v55, $0x3;
	v0 =	vld.idx.msk [tilespmem:v1+s3+$0x0], $0xffff  }
0xc6: {  	v58 =	vld [tilespmem:$0x2000];
	v1 =	vadd.s32 v56, v57  }
0xc7: {  	v59 =	vld [tilespmem:$0x2100];
	_ =	sdelay $0x2  }
0xc8: {  	[tilespmem:$0x21E0] =	vst v0  }
0xc9: {  	v60 =	vshll.u32 v58, $0x3;
	v0 =	vld.idx.msk [tilespmem:v1+s3+$0x0], $0xffff  }
0xca: {  	v61 =	vld [tilespmem:$0x2010];
	v1 =	vadd.s32 v59, v60  }
0xcb: {  	v62 =	vld [tilespmem:$0x2110];
	_ =	sdelay $0x2  }
0xcc: {  	[tilespmem:$0x21F0] =	vst v0  }
0xcd: {  	v63 =	vshll.u32 v61, $0x3;
	v0 =	vld.idx.msk [tilespmem:v1+s3+$0x0], $0xffff  }
0xce: {  	v1 =	vadd.s32 v62, v63;
	_ =	sdelay $0x3  }
0xcf: {  	[tilespmem:$0x2200] =	vst v0  }
0xd0: {  	v0 =	vld.idx.msk [tilespmem:v1+s3+$0x0], $0xffff;
	_ =	sdelay $0x4  }
.Ltmp4:
0xd1: {  	[tilespmem:$0x2210] =	vst v0;
	(pc) =	sbr.rel .LBB2_5-.Ltmp4, $4  }
0xd2: {  	[hbm4b:s9+s3] =	stream.linear.scatter [tilespmem:s17], [sflag:$0x3], $0xA0, $0x38;
	[tilespmem:$0x2280] =	vst v63  }
0xd3: {  	_ =	swait.ge [sflag:s15], $0xA0  }
0xd4: {  	[sflag:s15] =	ssyncset.done $0x0  }
0xd5: {  	[sflag:s15] =	ssyncadd.s32 $0xFFFFFF60  }
.LBB2_6:
0xd6: {  	_ =	sfence.sel $0x180000  }
0xd7: {  	[bflag:$0x0] =	sbarrier.arrive $0xFFFF  }
0xd8: {  	p0 =	sne.s32 s1, $0x0;
	_ =	strace $0x9000004A  }
0xd9: {  	s0 =	sadd.s32 @!p0 $0x100000, s2;
	[bflag:$0x2] =	sbarrier.arrive $0xFFFF  }
0xda: {  	[sflag:s0] =	ssyncadd.tile.s32 @!p0 $0x1;
	_ =	shalt  }
.Lfunc_end2:
_tile_overlayer_lowered:
.L_overlay_start_2:
0xdb: {  	(tag) =	ssettag $0x2  }
0xdc: {  	s0 =	rddreg [dreg:$0x0];
	s2 =	stileid.u32  }
0xdd: {  	s1 =	rddreg [dreg:$0x1];
	p0 =	sne.s32 s2, $0x0  }
0xde: {  	s3 =	rddreg [dreg:$0x2];
	[bflag:$0x3] =	sbarrier.arrive $0xFFFF;
	s2 =	simm.s32 @!p0 $0x1C03  }
0xdf: {  	[timem:s3], [sflag:s2] =	dma.local @!p0 [hbm:s0], s1  }
0xe0: {  	s0 =	simm.s32 @!p0 $0x3  }
0xe1: {  	_ =	swait.ge @!p0 [sflag:s0], s1  }
0xe2: {  	s1 =	ssub.s32 @!p0 $0x0, s1;
	[sflag:s0] =	ssyncset.done @!p0 $0x0  }
0xe3: {  	[sflag:s0] =	ssyncadd.s32 @!p0 s1  }
0xe4: {  	[bflag:$0x3] =	sbarrier.arrive $0xFFFF  }
0xe5: {  	_ =	shalt  }

</sc_bundles>
